<compile_context>
chip_gen: v7x
topology: tpu7x:2x2x1
jax: 0.10.2.dev20260603
libtpu: 0.0.44.dev20260713+nightly
codegen_flags: <defaults>
</compile_context>

<pallas_src>
import functools
import math

import jax
import jax.numpy as jnp
from jax import lax
from jax.experimental import pallas as pl
from jax.experimental.pallas import tpu as pltpu
from jax.experimental.pallas import tpu_sc as plsc

NUM_CORES = 2
NUM_SUBCORES = 16
NUM_WORKERS = NUM_CORES * NUM_SUBCORES
LANES = 16

CHUNK = 320
G = 640
NCH = G // CHUNK
NT = G // 2

SCALE_ROWS = 625


def _scale_body(scale, av, cv, api_hbm, cls_hbm, out_hbm,
                b0, b1, b2, zbuf, sin0, sin1, sin2, sot0, sot1, sot2):
    wid = lax.axis_index("s") * NUM_CORES + lax.axis_index("c")
    bufs = (b0, b1, b2)
    sin = (sin0, sin1, sin2)
    sot = (sot0, sot1, sot2)

    def scale_buf(buf, nrows):
        def body(i, carry):
            for j in range(64 // LANES):
                v = buf[i, pl.ds(j * LANES, LANES)]
                buf[i, pl.ds(j * LANES, LANES)] = v * scale
            return carry
        lax.fori_loop(0, nrows, body, 0)

    def zero_row(dst_row):
        zero = jnp.zeros((LANES,), jnp.float32)
        for i in range(64 // LANES):
            zbuf[0, pl.ds(i * LANES, LANES)] = zero
        pltpu.async_copy(zbuf, out_hbm.at[pl.ds(dst_row, 1)], sin0).wait()

    rows_w = av // NUM_WORKERS
    nch = rows_w // SCALE_ROWS
    base = wid * rows_w

    def fire_in(c, b):
        pltpu.async_copy(
            api_hbm.at[pl.ds(base + c * SCALE_ROWS, SCALE_ROWS)],
            bufs[b], sin[b])

    def wait_in(c, b):
        pltpu.make_async_copy(
            api_hbm.at[pl.ds(base + c * SCALE_ROWS, SCALE_ROWS)],
            bufs[b], sin[b]).wait()

    def fire_out(c, b):
        pltpu.async_copy(
            bufs[b], out_hbm.at[pl.ds(base + c * SCALE_ROWS, SCALE_ROWS)],
            sot[b])

    def wait_out(c, b):
        pltpu.make_async_copy(
            bufs[b], out_hbm.at[pl.ds(base + c * SCALE_ROWS, SCALE_ROWS)],
            sot[b]).wait()

    for c in range(min(3, nch)):
        fire_in(c, c)
    for c in range(nch):
        b = c % 3
        wait_in(c, b)
        scale_buf(bufs[b], SCALE_ROWS)
        fire_out(c, b)
        if c + 3 < nch:
            wait_out(c, b)
            fire_in(c + 3, b)
    for c in range(max(0, nch - 3), nch):
        wait_out(c, c % 3)

    cls_w = -(-cv // NUM_WORKERS)
    cbase = wid * cls_w

    def cls_span(nrows):
        pltpu.async_copy(
            cls_hbm.at[pl.ds(cbase, nrows)],
            b0.at[pl.ds(0, nrows), :], sin0).wait()
        scale_buf(b0, nrows)
        pltpu.async_copy(
            b0.at[pl.ds(0, nrows), :],
            out_hbm.at[pl.ds(av + cbase, nrows)], sin0).wait()

    crem = cv - cls_w * (NUM_WORKERS - 1)

    @pl.when(wid < NUM_WORKERS - 1)
    def _():
        cls_span(cls_w)

    @pl.when(wid == NUM_WORKERS - 1)
    def _():
        cls_span(crem)

    @pl.when(wid == 0)
    def _():
        zero_row(0)
        zero_row(av)


def _build_table(api_table, class_table, scale):
    av, d = api_table.shape
    cv = class_table.shape[0]
    mesh = plsc.VectorSubcoreMesh(
        core_axis_name="c", subcore_axis_name="s",
        num_cores=NUM_CORES, num_subcores=NUM_SUBCORES)
    return pl.kernel(
        functools.partial(_scale_body, scale, av, cv),
        out_type=jax.ShapeDtypeStruct((av + cv, d), jnp.float32),
        mesh=mesh,
        scratch_types=[
            pltpu.VMEM((SCALE_ROWS, d), jnp.float32),
            pltpu.VMEM((SCALE_ROWS, d), jnp.float32),
            pltpu.VMEM((SCALE_ROWS, d), jnp.float32),
            pltpu.VMEM((1, d), jnp.float32),
            pltpu.SemaphoreType.DMA,
            pltpu.SemaphoreType.DMA,
            pltpu.SemaphoreType.DMA,
            pltpu.SemaphoreType.DMA,
            pltpu.SemaphoreType.DMA,
            pltpu.SemaphoreType.DMA,
        ],
        compiler_params=pltpu.CompilerParams(use_tc_tiling_on_sc=False, needs_layout_passes=False),
    )(api_table, class_table)


def _gather_body(rows_per_w, av, tbl_hbm, cls_hbm, api_hbm, out_hbm,
                 cls_v, api_v, idx_v, rows_v, si0, si1, sg0, sg1, so0, so1):
    wid = lax.axis_index("s") * NUM_CORES + lax.axis_index("c")
    w0 = wid * rows_per_w
    t0 = wid * (rows_per_w // 2)
    ngroups = rows_per_w // G
    si = (si0, si1)
    sg = (sg0, sg1)
    so = (so0, so1)
    pos0 = lax.iota(jnp.int32, LANES) * 2

    def idx_copy(g, s):
        tb = t0 + g * NT
        pltpu.async_copy(cls_hbm.at[pl.ds(tb, NT)], cls_v.at[s], si[s])
        pltpu.async_copy(api_hbm.at[pl.ds(tb, NT)], api_v.at[s], si[s])

    def interleave(s):
        def body(i, carry):
            c = cls_v[s, pl.ds(i * LANES, LANES)] + av
            a = api_v[s, pl.ds(i * LANES, LANES)]
            pos = pos0 + i * (2 * LANES)
            plsc.store_scatter(idx_v.at[s], [pos], c)
            plsc.store_scatter(idx_v.at[s], [pos + 1], a)
            return carry
        lax.fori_loop(0, NT // LANES, body, 0)

    def fire_group(g, s):
        tb = t0 + g * NT
        pltpu.make_async_copy(
            cls_hbm.at[pl.ds(tb, NT)], cls_v.at[s], si[s]).wait()
        pltpu.make_async_copy(
            api_hbm.at[pl.ds(tb, NT)], api_v.at[s], si[s]).wait()
        interleave(s)
        for j in range(NCH):
            pltpu.async_copy(
                tbl_hbm.at[idx_v.at[s, pl.ds(j * CHUNK, CHUNK)]],
                rows_v.at[s, pl.ds(j * CHUNK, CHUNK), :], sg[s])

    def drain_gathers(s):
        for j in range(NCH):
            pltpu.make_async_copy(
                tbl_hbm.at[idx_v.at[s, pl.ds(j * CHUNK, CHUNK)]],
                rows_v.at[s, pl.ds(j * CHUNK, CHUNK), :], sg[s]).wait()

    def fire_out(g, s):
        pltpu.async_copy(rows_v.at[s], out_hbm.at[pl.ds(w0 + g * G, G)], so[s])

    def wait_out(g, s):
        pltpu.make_async_copy(
            rows_v.at[s], out_hbm.at[pl.ds(w0 + g * G, G)], so[s]).wait()

    for s in range(2):
        idx_copy(s, s)
    fire_group(0, 0)
    idx_copy(2, 0)
    fire_group(1, 1)
    drain_gathers(0)
    fire_out(0, 0)
    idx_copy(3, 1)

    def outer(g2, carry):
        for s in range(2):
            g = 2 * g2 + s
            wait_out(g - 2, s)
            fire_group(g, s)
            drain_gathers(1 - s)
            fire_out(g - 1, 1 - s)
            idx_copy(g + 2, s)
        return carry

    lax.fori_loop(1, ngroups // 2 - 1, outer, 0)

    for g in (ngroups - 2, ngroups - 1):
        s = g % 2
        wait_out(g - 2, s)
        fire_group(g, s)
        drain_gathers(1 - s)
        fire_out(g - 1, 1 - s)
    drain_gathers((ngroups - 1) % 2)
    fire_out(ngroups - 1, (ngroups - 1) % 2)
    for g in (ngroups - 2, ngroups - 1):
        wait_out(g, g % 2)


def _gather_rows(tbl, cls_flat, api_flat, av, n_rows, d):
    rows_per_w = n_rows // NUM_WORKERS
    mesh = plsc.VectorSubcoreMesh(
        core_axis_name="c", subcore_axis_name="s",
        num_cores=NUM_CORES, num_subcores=NUM_SUBCORES)
    return pl.kernel(
        functools.partial(_gather_body, rows_per_w, av),
        out_type=jax.ShapeDtypeStruct((n_rows, d), jnp.float32),
        mesh=mesh,
        scratch_types=[
            pltpu.VMEM((2, NT), jnp.int32),
            pltpu.VMEM((2, NT), jnp.int32),
            pltpu.VMEM((2, G), jnp.int32),
            pltpu.VMEM((2, G, d), jnp.float32),
            pltpu.SemaphoreType.DMA,
            pltpu.SemaphoreType.DMA,
            pltpu.SemaphoreType.DMA,
            pltpu.SemaphoreType.DMA,
            pltpu.SemaphoreType.DMA,
            pltpu.SemaphoreType.DMA,
        ],
        compiler_params=pltpu.CompilerParams(use_tc_tiling_on_sc=False, needs_layout_passes=False),
    )(tbl, cls_flat, api_flat)


def kernel(class_seq, api_seq, class_table, api_table):
    b, s = class_seq.shape
    av, da = api_table.shape
    d_model = class_table.shape[1] + da
    scale = math.sqrt(float(d_model))
    t = b * s

    tbl = _build_table(api_table, class_table, scale)
    cls_flat = class_seq.reshape(t).astype(jnp.int32)
    api_flat = api_seq.reshape(t).astype(jnp.int32)
    out2 = _gather_rows(tbl, cls_flat, api_flat, av, 2 * t, da)
    return out2.reshape(b, s, d_model)

# --- scband reference (transcript-rebuilt; emitter-appended) ---
"""Pipeline reference for scband-apiemb-layer-64330020160118 (READ-ONLY COPY).

The authoritative reference and input builder live on the scoring server;
editing this copy changes nothing except your own understanding.
"""

import jax, jax.numpy as jnp
import numpy as np

API_VOCAB = 100000
API_EMB_DIM = 64
CLASS_VOCAB = 1000
CLASS_EMB_DIM = 64
BATCH = 4096
SEQ = 200


def setup_inputs(seed: int = 0) -> dict:
    key = jax.random.key(seed)
    k1, k2, k3, k4 = jax.random.split(key, 4)
    class_seq = jax.random.randint(k1, (BATCH, SEQ), 0, CLASS_VOCAB, dtype=jnp.int64 if jax.config.jax_enable_x64 else jnp.int32)
    api_seq = jax.random.randint(k2, (BATCH, SEQ), 0, API_VOCAB, dtype=jnp.int64 if jax.config.jax_enable_x64 else jnp.int32)
    class_table = jax.random.normal(k3, (CLASS_VOCAB, CLASS_EMB_DIM), dtype=jnp.float32)
    api_table = jax.random.normal(k4, (API_VOCAB, API_EMB_DIM), dtype=jnp.float32)
    return {
        "class_seq": class_seq,
        "api_seq": api_seq,
        "class_table": class_table,
        "api_table": api_table,
    }


def reference(class_seq, api_seq, class_table, api_table):
    d_model = class_table.shape[1] + api_table.shape[1]
    # padding_idx=0 semantics: row 0 of each table is a fixed zero vector
    class_tbl = class_table.at[0].set(0.0)
    api_tbl = api_table.at[0].set(0.0)
    class_emb = jnp.take(class_tbl, class_seq, axis=0)
    api_emb = jnp.take(api_tbl, api_seq, axis=0)
    emb = jnp.concatenate((class_emb, api_emb), axis=-1)
    return emb * np.sqrt(float(d_model)).astype(np.float32)

if __name__ == "__main__":
    import jax
    _d = setup_inputs()
    print(jax.jit(kernel)(*tuple(_d.values())))

</pallas_src>

<mosaic_0001>
#map = affine_map<(d0, d1) -> (0, 0)>
#map1 = affine_map<(d0, d1) -> (0)>
module attributes {stable_mosaic.version = 14 : i64} {
  func.func @_gather_body(%arg0: i32, %arg1: i32, %arg2: memref<101000x64xf32, #tpu.memory_space<hbm>>, %arg3: memref<819200xi32, #tpu.memory_space<hbm>>, %arg4: memref<819200xi32, #tpu.memory_space<hbm>>, %arg5: memref<1638400x64xf32, #tpu.memory_space<hbm>>, %arg6: memref<2x320xi32, #tpu.memory_space<vmem>>, %arg7: memref<2x320xi32, #tpu.memory_space<vmem>>, %arg8: memref<2x640xi32, #tpu.memory_space<vmem>>, %arg9: memref<2x640x64xf32, #tpu.memory_space<vmem>>, %arg10: memref<!tpu.dma_semaphore, #tpu.memory_space<semaphore_mem>>, %arg11: memref<!tpu.dma_semaphore, #tpu.memory_space<semaphore_mem>>, %arg12: memref<!tpu.dma_semaphore, #tpu.memory_space<semaphore_mem>>, %arg13: memref<!tpu.dma_semaphore, #tpu.memory_space<semaphore_mem>>, %arg14: memref<!tpu.dma_semaphore, #tpu.memory_space<semaphore_mem>>, %arg15: memref<!tpu.dma_semaphore, #tpu.memory_space<semaphore_mem>>) attributes {dimension_semantics = [#tpu.dimension_semantics<core_parallel>, #tpu.dimension_semantics<subcore_parallel>], iteration_bounds = array<i64: 2, 16>, scalar_prefetch = 0 : i64, scratch_operands = 10 : i64, tpu.core_type = #tpu.core_type<sc_vector_subcore>, window_params = [{transform_indices = #map}, {transform_indices = #map1}, {transform_indices = #map1}, {transform_indices = #map}]} {
    %mul3A = arith.constant 2 : i32
    %mul3A_0 = arith.muli %arg1, %mul3A : i32
    %add3A = arith.addi %mul3A_0, %arg0 : i32
    %mul3A_1 = arith.constant 51200 : i32
    %mul3A_2 = arith.muli %add3A, %mul3A_1 : i32
    %mul3A_3 = arith.constant 25600 : i32
    %mul3A_4 = arith.muli %add3A, %mul3A_3 : i32
    %iota3A = tpu.iota {dimensions = array<i32: 0>} : vector<16xi32>
    %mul3A_5 = arith.constant 2 : i32
    %mul3A_6 = vector.broadcast %mul3A_5 : i32 to vector<16xi32>
    %mul3A_7 = arith.muli %iota3A, %mul3A_6 : vector<16xi32>
    %add3A_8 = arith.constant 0 : i32
    %add3A_9 = arith.addi %mul3A_4, %add3A_8 : i32
    %dma_start3A = arith.constant 0 : i32
    %dma_start3A_10 = arith.constant 0 : i32
    %dma_start3A_11 = tpu.memref_slice %arg6[%dma_start3A, %dma_start3A_10] : memref<2x320xi32, #tpu.memory_space<vmem>> -> memref<1x320xi32, #tpu.memory_space<vmem>>
    %dma_start3A_12 = tpu.memref_squeeze %dma_start3A_11 : memref<1x320xi32, #tpu.memory_space<vmem>> -> memref<320xi32, #tpu.memory_space<vmem>>
    %dma_start3A_13 = tpu.memref_slice %arg3[%add3A_9] : memref<819200xi32, #tpu.memory_space<hbm>> -> memref<320xi32, #tpu.memory_space<hbm>>
    %dma_start3A_14 = arith.constant 0 : i32
    %dma_start3A_15 = tpu.memref_slice %arg6[%dma_start3A, %dma_start3A_14] : memref<2x320xi32, #tpu.memory_space<vmem>> -> memref<1x320xi32, #tpu.memory_space<vmem>>
    %dma_start3A_16 = tpu.memref_squeeze %dma_start3A_15 : memref<1x320xi32, #tpu.memory_space<vmem>> -> memref<320xi32, #tpu.memory_space<vmem>>
    %dma_start3A_17 = tpu.memref_slice %arg3[%add3A_9] : memref<819200xi32, #tpu.memory_space<hbm>> -> memref<320xi32, #tpu.memory_space<hbm>>
    tpu.enqueue_dma source(%dma_start3A_17 : memref<320xi32, #tpu.memory_space<hbm>>) target(%dma_start3A_16 : memref<320xi32, #tpu.memory_space<vmem>>) target_semaphore(%arg10 : memref<!tpu.dma_semaphore, #tpu.memory_space<semaphore_mem>>)
    %dma_start3A_18 = arith.constant 0 : i32
    %dma_start3A_19 = arith.constant 0 : i32
    %dma_start3A_20 = tpu.memref_slice %arg7[%dma_start3A_18, %dma_start3A_19] : memref<2x320xi32, #tpu.memory_space<vmem>> -> memref<1x320xi32, #tpu.memory_space<vmem>>
    %dma_start3A_21 = tpu.memref_squeeze %dma_start3A_20 : memref<1x320xi32, #tpu.memory_space<vmem>> -> memref<320xi32, #tpu.memory_space<vmem>>
    %dma_start3A_22 = tpu.memref_slice %arg4[%add3A_9] : memref<819200xi32, #tpu.memory_space<hbm>> -> memref<320xi32, #tpu.memory_space<hbm>>
    %dma_start3A_23 = arith.constant 0 : i32
    %dma_start3A_24 = tpu.memref_slice %arg7[%dma_start3A_18, %dma_start3A_23] : memref<2x320xi32, #tpu.memory_space<vmem>> -> memref<1x320xi32, #tpu.memory_space<vmem>>
    %dma_start3A_25 = tpu.memref_squeeze %dma_start3A_24 : memref<1x320xi32, #tpu.memory_space<vmem>> -> memref<320xi32, #tpu.memory_space<vmem>>
    %dma_start3A_26 = tpu.memref_slice %arg4[%add3A_9] : memref<819200xi32, #tpu.memory_space<hbm>> -> memref<320xi32, #tpu.memory_space<hbm>>
    tpu.enqueue_dma source(%dma_start3A_26 : memref<320xi32, #tpu.memory_space<hbm>>) target(%dma_start3A_25 : memref<320xi32, #tpu.memory_space<vmem>>) target_semaphore(%arg10 : memref<!tpu.dma_semaphore, #tpu.memory_space<semaphore_mem>>)
    %add3A_27 = arith.constant 320 : i32
    %add3A_28 = arith.addi %mul3A_4, %add3A_27 : i32
    %dma_start3A_29 = arith.constant 1 : i32
    %dma_start3A_30 = arith.constant 0 : i32
    %dma_start3A_31 = tpu.memref_slice %arg6[%dma_start3A_29, %dma_start3A_30] : memref<2x320xi32, #tpu.memory_space<vmem>> -> memref<1x320xi32, #tpu.memory_space<vmem>>
    %dma_start3A_32 = tpu.memref_squeeze %dma_start3A_31 : memref<1x320xi32, #tpu.memory_space<vmem>> -> memref<320xi32, #tpu.memory_space<vmem>>
    %dma_start3A_33 = tpu.memref_slice %arg3[%add3A_28] : memref<819200xi32, #tpu.memory_space<hbm>> -> memref<320xi32, #tpu.memory_space<hbm>>
    %dma_start3A_34 = arith.constant 0 : i32
    %dma_start3A_35 = tpu.memref_slice %arg6[%dma_start3A_29, %dma_start3A_34] : memref<2x320xi32, #tpu.memory_space<vmem>> -> memref<1x320xi32, #tpu.memory_space<vmem>>
    %dma_start3A_36 = tpu.memref_squeeze %dma_start3A_35 : memref<1x320xi32, #tpu.memory_space<vmem>> -> memref<320xi32, #tpu.memory_space<vmem>>
    %dma_start3A_37 = tpu.memref_slice %arg3[%add3A_28] : memref<819200xi32, #tpu.memory_space<hbm>> -> memref<320xi32, #tpu.memory_space<hbm>>
    tpu.enqueue_dma source(%dma_start3A_37 : memref<320xi32, #tpu.memory_space<hbm>>) target(%dma_start3A_36 : memref<320xi32, #tpu.memory_space<vmem>>) target_semaphore(%arg11 : memref<!tpu.dma_semaphore, #tpu.memory_space<semaphore_mem>>)
    %dma_start3A_38 = arith.constant 1 : i32
    %dma_start3A_39 = arith.constant 0 : i32
    %dma_start3A_40 = tpu.memref_slice %arg7[%dma_start3A_38, %dma_start3A_39] : memref<2x320xi32, #tpu.memory_space<vmem>> -> memref<1x320xi32, #tpu.memory_space<vmem>>
    %dma_start3A_41 = tpu.memref_squeeze %dma_start3A_40 : memref<1x320xi32, #tpu.memory_space<vmem>> -> memref<320xi32, #tpu.memory_space<vmem>>
    %dma_start3A_42 = tpu.memref_slice %arg4[%add3A_28] : memref<819200xi32, #tpu.memory_space<hbm>> -> memref<320xi32, #tpu.memory_space<hbm>>
    %dma_start3A_43 = arith.constant 0 : i32
    %dma_start3A_44 = tpu.memref_slice %arg7[%dma_start3A_38, %dma_start3A_43] : memref<2x320xi32, #tpu.memory_space<vmem>> -> memref<1x320xi32, #tpu.memory_space<vmem>>
    %dma_start3A_45 = tpu.memref_squeeze %dma_start3A_44 : memref<1x320xi32, #tpu.memory_space<vmem>> -> memref<320xi32, #tpu.memory_space<vmem>>
    %dma_start3A_46 = tpu.memref_slice %arg4[%add3A_28] : memref<819200xi32, #tpu.memory_space<hbm>> -> memref<320xi32, #tpu.memory_space<hbm>>
    tpu.enqueue_dma source(%dma_start3A_46 : memref<320xi32, #tpu.memory_space<hbm>>) target(%dma_start3A_45 : memref<320xi32, #tpu.memory_space<vmem>>) target_semaphore(%arg11 : memref<!tpu.dma_semaphore, #tpu.memory_space<semaphore_mem>>)
    %add3A_47 = arith.constant 0 : i32
    %add3A_48 = arith.addi %mul3A_4, %add3A_47 : i32
    %dma_wait3A = arith.constant 0 : i32
    %dma_wait3A_49 = arith.constant 0 : i32
    %dma_wait3A_50 = tpu.memref_slice %arg6[%dma_wait3A, %dma_wait3A_49] : memref<2x320xi32, #tpu.memory_space<vmem>> -> memref<1x320xi32, #tpu.memory_space<vmem>>
    %dma_wait3A_51 = tpu.memref_squeeze %dma_wait3A_50 : memref<1x320xi32, #tpu.memory_space<vmem>> -> memref<320xi32, #tpu.memory_space<vmem>>
    %dma_wait3A_52 = tpu.memref_slice %arg3[%add3A_48] : memref<819200xi32, #tpu.memory_space<hbm>> -> memref<320xi32, #tpu.memory_space<hbm>>
    %dma_wait3A_53 = arith.constant 0 : i32
    %dma_wait3A_54 = tpu.memref_slice %arg6[%dma_wait3A, %dma_wait3A_53] : memref<2x320xi32, #tpu.memory_space<vmem>> -> memref<1x320xi32, #tpu.memory_space<vmem>>
    %dma_wait3A_55 = tpu.memref_squeeze %dma_wait3A_54 : memref<1x320xi32, #tpu.memory_space<vmem>> -> memref<320xi32, #tpu.memory_space<vmem>>
    %dma_wait3A_56 = tpu.memref_slice %arg3[%add3A_48] : memref<819200xi32, #tpu.memory_space<hbm>> -> memref<320xi32, #tpu.memory_space<hbm>>
    tpu.wait_dma2 semaphore(%arg10 : memref<!tpu.dma_semaphore, #tpu.memory_space<semaphore_mem>>) src(%dma_wait3A_56 : memref<320xi32, #tpu.memory_space<hbm>>) dst(%dma_wait3A_55 : memref<320xi32, #tpu.memory_space<vmem>>)
    %dma_wait3A_57 = arith.constant 0 : i32
    %dma_wait3A_58 = arith.constant 0 : i32
    %dma_wait3A_59 = tpu.memref_slice %arg7[%dma_wait3A_57, %dma_wait3A_58] : memref<2x320xi32, #tpu.memory_space<vmem>> -> memref<1x320xi32, #tpu.memory_space<vmem>>
    %dma_wait3A_60 = tpu.memref_squeeze %dma_wait3A_59 : memref<1x320xi32, #tpu.memory_space<vmem>> -> memref<320xi32, #tpu.memory_space<vmem>>
    %dma_wait3A_61 = tpu.memref_slice %arg4[%add3A_48] : memref<819200xi32, #tpu.memory_space<hbm>> -> memref<320xi32, #tpu.memory_space<hbm>>
    %dma_wait3A_62 = arith.constant 0 : i32
    %dma_wait3A_63 = tpu.memref_slice %arg7[%dma_wait3A_57, %dma_wait3A_62] : memref<2x320xi32, #tpu.memory_space<vmem>> -> memref<1x320xi32, #tpu.memory_space<vmem>>
    %dma_wait3A_64 = tpu.memref_squeeze %dma_wait3A_63 : memref<1x320xi32, #tpu.memory_space<vmem>> -> memref<320xi32, #tpu.memory_space<vmem>>
    %dma_wait3A_65 = tpu.memref_slice %arg4[%add3A_48] : memref<819200xi32, #tpu.memory_space<hbm>> -> memref<320xi32, #tpu.memory_space<hbm>>
    tpu.wait_dma2 semaphore(%arg10 : memref<!tpu.dma_semaphore, #tpu.memory_space<semaphore_mem>>) src(%dma_wait3A_65 : memref<320xi32, #tpu.memory_space<hbm>>) dst(%dma_wait3A_64 : memref<320xi32, #tpu.memory_space<vmem>>)
    %scan3A = arith.constant 0 : i32
    %scan3A_66 = arith.constant 0 : i32
    %scan3A_67 = arith.constant 20 : i32
    %scan3A_68 = arith.addi %scan3A_66, %scan3A_67 : i32
    %scan3A_69 = arith.constant 1 : i32
    scf.for %scan3A_507 = %scan3A_66 to %scan3A_68 step %scan3A_69  : i32 {
      %mul3A_508 = arith.constant 16 : i32
      %mul3A_509 = arith.muli %scan3A_507, %mul3A_508 : i32
      %get3A = arith.constant 0 : i32
      %get3A_510 = arith.index_cast %get3A : i32 to index
      %get3A_511 = arith.index_cast %mul3A_509 : i32 to index
      %get3A_512 = tpu.vector_load %arg6[%get3A_510, %get3A_511] {strides = array<i32>} : memref<2x320xi32, #tpu.memory_space<vmem>>, vector<16xi32>,
      %add3A_513 = arith.constant 100000 : i32
      %add3A_514 = vector.broadcast %add3A_513 : i32 to vector<16xi32>
      %add3A_515 = arith.addi %get3A_512, %add3A_514 : vector<16xi32>
      %mul3A_516 = arith.constant 16 : i32
      %mul3A_517 = arith.muli %scan3A_507, %mul3A_516 : i32
      %get3A_518 = arith.constant 0 : i32
      %get3A_519 = arith.index_cast %get3A_518 : i32 to index
      %get3A_520 = arith.index_cast %mul3A_517 : i32 to index
      %get3A_521 = tpu.vector_load %arg7[%get3A_519, %get3A_520] {strides = array<i32>} : memref<2x320xi32, #tpu.memory_space<vmem>>, vector<16xi32>,
      %mul3A_522 = arith.constant 32 : i32
      %mul3A_523 = arith.muli %scan3A_507, %mul3A_522 : i32
      %add3A_524 = vector.broadcast %mul3A_523 : i32 to vector<16xi32>
      %add3A_525 = arith.addi %mul3A_7, %add3A_524 : vector<16xi32>
      %scatter3A = arith.constant 0 : i32
      %scatter3A_526 = arith.constant 0 : i32
      %scatter3A_527 = tpu.memref_slice %arg8[%scatter3A, %scatter3A_526] : memref<2x640xi32, #tpu.memory_space<vmem>> -> memref<1x640xi32, #tpu.memory_space<vmem>>
      %scatter3A_528 = tpu.memref_squeeze %scatter3A_527 : memref<1x640xi32, #tpu.memory_space<vmem>> -> memref<640xi32, #tpu.memory_space<vmem>>
      tpu.vector_store_idx %scatter3A_528[%add3A_525], %add3A_515 : memref<640xi32, #tpu.memory_space<vmem>>[vector<16xi32>], vector<16xi32>,
      %add3A_529 = arith.constant 1 : i32
      %add3A_530 = vector.broadcast %add3A_529 : i32 to vector<16xi32>
      %add3A_531 = arith.addi %add3A_525, %add3A_530 : vector<16xi32>
      %scatter3A_532 = arith.constant 0 : i32
      %scatter3A_533 = arith.constant 0 : i32
      %scatter3A_534 = tpu.memref_slice %arg8[%scatter3A_532, %scatter3A_533] : memref<2x640xi32, #tpu.memory_space<vmem>> -> memref<1x640xi32, #tpu.memory_space<vmem>>
      %scatter3A_535 = tpu.memref_squeeze %scatter3A_534 : memref<1x640xi32, #tpu.memory_space<vmem>> -> memref<640xi32, #tpu.memory_space<vmem>>
      tpu.vector_store_idx %scatter3A_535[%add3A_531], %get3A_521 : memref<640xi32, #tpu.memory_space<vmem>>[vector<16xi32>], vector<16xi32>,
    }
    %scan3A_70 = arith.constant 20 : i32
    %dma_start3A_71 = arith.constant 0 : i32
    %dma_start3A_72 = arith.constant 0 : i32
    %dma_start3A_73 = arith.constant 0 : i32
    %dma_start3A_74 = arith.constant 0 : i32
    %dma_start3A_75 = tpu.memref_slice %arg9[%dma_start3A_72, %dma_start3A_73, %dma_start3A_74] : memref<2x640x64xf32, #tpu.memory_space<vmem>> -> memref<1x320x64xf32, #tpu.memory_space<vmem>>
    %dma_start3A_76 = tpu.memref_squeeze %dma_start3A_75 : memref<1x320x64xf32, #tpu.memory_space<vmem>> -> memref<320x64xf32, #tpu.memory_space<vmem>>
    %dma_start3A_77 = arith.constant 0 : i32
    %dma_start3A_78 = tpu.memref_slice %arg8[%dma_start3A_71, %dma_start3A_77] : memref<2x640xi32, #tpu.memory_space<vmem>> -> memref<1x320xi32, #tpu.memory_space<vmem>>
    %dma_start3A_79 = tpu.memref_squeeze %dma_start3A_78 : memref<1x320xi32, #tpu.memory_space<vmem>> -> memref<320xi32, #tpu.memory_space<vmem>>
    %dma_start3A_80 = arith.constant 0 : i32
    %dma_start3A_81 = arith.constant 0 : i32
    %dma_start3A_82 = tpu.memref_slice %arg2[%dma_start3A_80, %dma_start3A_81] : memref<101000x64xf32, #tpu.memory_space<hbm>> -> memref<101000x64xf32, #tpu.memory_space<hbm>>
    tpu.enqueue_indirect_dma source(%dma_start3A_82 : memref<101000x64xf32, #tpu.memory_space<hbm>>) target(%dma_start3A_76 : memref<320x64xf32, #tpu.memory_space<vmem>>) offsets(%dma_start3A_79 : memref<320xi32, #tpu.memory_space<vmem>>) semaphore(%arg12 : memref<!tpu.dma_semaphore, #tpu.memory_space<semaphore_mem>>)
    %dma_start3A_83 = arith.constant 0 : i32
    %dma_start3A_84 = arith.constant 0 : i32
    %dma_start3A_85 = arith.constant 320 : i32
    %dma_start3A_86 = arith.constant 0 : i32
    %dma_start3A_87 = tpu.memref_slice %arg9[%dma_start3A_84, %dma_start3A_85, %dma_start3A_86] : memref<2x640x64xf32, #tpu.memory_space<vmem>> -> memref<1x320x64xf32, #tpu.memory_space<vmem>>
    %dma_start3A_88 = tpu.memref_squeeze %dma_start3A_87 : memref<1x320x64xf32, #tpu.memory_space<vmem>> -> memref<320x64xf32, #tpu.memory_space<vmem>>
    %dma_start3A_89 = arith.constant 320 : i32
    %dma_start3A_90 = tpu.memref_slice %arg8[%dma_start3A_83, %dma_start3A_89] : memref<2x640xi32, #tpu.memory_space<vmem>> -> memref<1x320xi32, #tpu.memory_space<vmem>>
    %dma_start3A_91 = tpu.memref_squeeze %dma_start3A_90 : memref<1x320xi32, #tpu.memory_space<vmem>> -> memref<320xi32, #tpu.memory_space<vmem>>
    %dma_start3A_92 = arith.constant 0 : i32
    %dma_start3A_93 = arith.constant 0 : i32
    %dma_start3A_94 = tpu.memref_slice %arg2[%dma_start3A_92, %dma_start3A_93] : memref<101000x64xf32, #tpu.memory_space<hbm>> -> memref<101000x64xf32, #tpu.memory_space<hbm>>
    tpu.enqueue_indirect_dma source(%dma_start3A_94 : memref<101000x64xf32, #tpu.memory_space<hbm>>) target(%dma_start3A_88 : memref<320x64xf32, #tpu.memory_space<vmem>>) offsets(%dma_start3A_91 : memref<320xi32, #tpu.memory_space<vmem>>) semaphore(%arg12 : memref<!tpu.dma_semaphore, #tpu.memory_space<semaphore_mem>>)
    %add3A_95 = arith.constant 640 : i32
    %add3A_96 = arith.addi %mul3A_4, %add3A_95 : i32
    %dma_start3A_97 = arith.constant 0 : i32
    %dma_start3A_98 = arith.constant 0 : i32
    %dma_start3A_99 = tpu.memref_slice %arg6[%dma_start3A_97, %dma_start3A_98] : memref<2x320xi32, #tpu.memory_space<vmem>> -> memref<1x320xi32, #tpu.memory_space<vmem>>
    %dma_start3A_100 = tpu.memref_squeeze %dma_start3A_99 : memref<1x320xi32, #tpu.memory_space<vmem>> -> memref<320xi32, #tpu.memory_space<vmem>>
    %dma_start3A_101 = tpu.memref_slice %arg3[%add3A_96] : memref<819200xi32, #tpu.memory_space<hbm>> -> memref<320xi32, #tpu.memory_space<hbm>>
    %dma_start3A_102 = arith.constant 0 : i32
    %dma_start3A_103 = tpu.memref_slice %arg6[%dma_start3A_97, %dma_start3A_102] : memref<2x320xi32, #tpu.memory_space<vmem>> -> memref<1x320xi32, #tpu.memory_space<vmem>>
    %dma_start3A_104 = tpu.memref_squeeze %dma_start3A_103 : memref<1x320xi32, #tpu.memory_space<vmem>> -> memref<320xi32, #tpu.memory_space<vmem>>
    %dma_start3A_105 = tpu.memref_slice %arg3[%add3A_96] : memref<819200xi32, #tpu.memory_space<hbm>> -> memref<320xi32, #tpu.memory_space<hbm>>
    tpu.enqueue_dma source(%dma_start3A_105 : memref<320xi32, #tpu.memory_space<hbm>>) target(%dma_start3A_104 : memref<320xi32, #tpu.memory_space<vmem>>) target_semaphore(%arg10 : memref<!tpu.dma_semaphore, #tpu.memory_space<semaphore_mem>>)
    %dma_start3A_106 = arith.constant 0 : i32
    %dma_start3A_107 = arith.constant 0 : i32
    %dma_start3A_108 = tpu.memref_slice %arg7[%dma_start3A_106, %dma_start3A_107] : memref<2x320xi32, #tpu.memory_space<vmem>> -> memref<1x320xi32, #tpu.memory_space<vmem>>
    %dma_start3A_109 = tpu.memref_squeeze %dma_start3A_108 : memref<1x320xi32, #tpu.memory_space<vmem>> -> memref<320xi32, #tpu.memory_space<vmem>>
    %dma_start3A_110 = tpu.memref_slice %arg4[%add3A_96] : memref<819200xi32, #tpu.memory_space<hbm>> -> memref<320xi32, #tpu.memory_space<hbm>>
    %dma_start3A_111 = arith.constant 0 : i32
    %dma_start3A_112 = tpu.memref_slice %arg7[%dma_start3A_106, %dma_start3A_111] : memref<2x320xi32, #tpu.memory_space<vmem>> -> memref<1x320xi32, #tpu.memory_space<vmem>>
    %dma_start3A_113 = tpu.memref_squeeze %dma_start3A_112 : memref<1x320xi32, #tpu.memory_space<vmem>> -> memref<320xi32, #tpu.memory_space<vmem>>
    %dma_start3A_114 = tpu.memref_slice %arg4[%add3A_96] : memref<819200xi32, #tpu.memory_space<hbm>> -> memref<320xi32, #tpu.memory_space<hbm>>
    tpu.enqueue_dma source(%dma_start3A_114 : memref<320xi32, #tpu.memory_space<hbm>>) target(%dma_start3A_113 : memref<320xi32, #tpu.memory_space<vmem>>) target_semaphore(%arg10 : memref<!tpu.dma_semaphore, #tpu.memory_space<semaphore_mem>>)
    %add3A_115 = arith.constant 320 : i32
    %add3A_116 = arith.addi %mul3A_4, %add3A_115 : i32
    %dma_wait3A_117 = arith.constant 1 : i32
    %dma_wait3A_118 = arith.constant 0 : i32
    %dma_wait3A_119 = tpu.memref_slice %arg6[%dma_wait3A_117, %dma_wait3A_118] : memref<2x320xi32, #tpu.memory_space<vmem>> -> memref<1x320xi32, #tpu.memory_space<vmem>>
    %dma_wait3A_120 = tpu.memref_squeeze %dma_wait3A_119 : memref<1x320xi32, #tpu.memory_space<vmem>> -> memref<320xi32, #tpu.memory_space<vmem>>
    %dma_wait3A_121 = tpu.memref_slice %arg3[%add3A_116] : memref<819200xi32, #tpu.memory_space<hbm>> -> memref<320xi32, #tpu.memory_space<hbm>>
    %dma_wait3A_122 = arith.constant 0 : i32
    %dma_wait3A_123 = tpu.memref_slice %arg6[%dma_wait3A_117, %dma_wait3A_122] : memref<2x320xi32, #tpu.memory_space<vmem>> -> memref<1x320xi32, #tpu.memory_space<vmem>>
    %dma_wait3A_124 = tpu.memref_squeeze %dma_wait3A_123 : memref<1x320xi32, #tpu.memory_space<vmem>> -> memref<320xi32, #tpu.memory_space<vmem>>
    %dma_wait3A_125 = tpu.memref_slice %arg3[%add3A_116] : memref<819200xi32, #tpu.memory_space<hbm>> -> memref<320xi32, #tpu.memory_space<hbm>>
    tpu.wait_dma2 semaphore(%arg11 : memref<!tpu.dma_semaphore, #tpu.memory_space<semaphore_mem>>) src(%dma_wait3A_125 : memref<320xi32, #tpu.memory_space<hbm>>) dst(%dma_wait3A_124 : memref<320xi32, #tpu.memory_space<vmem>>)
    %dma_wait3A_126 = arith.constant 1 : i32
    %dma_wait3A_127 = arith.constant 0 : i32
    %dma_wait3A_128 = tpu.memref_slice %arg7[%dma_wait3A_126, %dma_wait3A_127] : memref<2x320xi32, #tpu.memory_space<vmem>> -> memref<1x320xi32, #tpu.memory_space<vmem>>
    %dma_wait3A_129 = tpu.memref_squeeze %dma_wait3A_128 : memref<1x320xi32, #tpu.memory_space<vmem>> -> memref<320xi32, #tpu.memory_space<vmem>>
    %dma_wait3A_130 = tpu.memref_slice %arg4[%add3A_116] : memref<819200xi32, #tpu.memory_space<hbm>> -> memref<320xi32, #tpu.memory_space<hbm>>
    %dma_wait3A_131 = arith.constant 0 : i32
    %dma_wait3A_132 = tpu.memref_slice %arg7[%dma_wait3A_126, %dma_wait3A_131] : memref<2x320xi32, #tpu.memory_space<vmem>> -> memref<1x320xi32, #tpu.memory_space<vmem>>
    %dma_wait3A_133 = tpu.memref_squeeze %dma_wait3A_132 : memref<1x320xi32, #tpu.memory_space<vmem>> -> memref<320xi32, #tpu.memory_space<vmem>>
    %dma_wait3A_134 = tpu.memref_slice %arg4[%add3A_116] : memref<819200xi32, #tpu.memory_space<hbm>> -> memref<320xi32, #tpu.memory_space<hbm>>
    tpu.wait_dma2 semaphore(%arg11 : memref<!tpu.dma_semaphore, #tpu.memory_space<semaphore_mem>>) src(%dma_wait3A_134 : memref<320xi32, #tpu.memory_space<hbm>>) dst(%dma_wait3A_133 : memref<320xi32, #tpu.memory_space<vmem>>)
    %scan3A_135 = arith.constant 0 : i32
    %scan3A_136 = arith.constant 0 : i32
    %scan3A_137 = arith.constant 20 : i32
    %scan3A_138 = arith.addi %scan3A_136, %scan3A_137 : i32
    %scan3A_139 = arith.constant 1 : i32
    scf.for %scan3A_507 = %scan3A_136 to %scan3A_138 step %scan3A_139  : i32 {
      %mul3A_508 = arith.constant 16 : i32
      %mul3A_509 = arith.muli %scan3A_507, %mul3A_508 : i32
      %get3A = arith.constant 1 : i32
      %get3A_510 = arith.index_cast %get3A : i32 to index
      %get3A_511 = arith.index_cast %mul3A_509 : i32 to index
      %get3A_512 = tpu.vector_load %arg6[%get3A_510, %get3A_511] {strides = array<i32>} : memref<2x320xi32, #tpu.memory_space<vmem>>, vector<16xi32>,
      %add3A_513 = arith.constant 100000 : i32
      %add3A_514 = vector.broadcast %add3A_513 : i32 to vector<16xi32>
      %add3A_515 = arith.addi %get3A_512, %add3A_514 : vector<16xi32>
      %mul3A_516 = arith.constant 16 : i32
      %mul3A_517 = arith.muli %scan3A_507, %mul3A_516 : i32
      %get3A_518 = arith.constant 1 : i32
      %get3A_519 = arith.index_cast %get3A_518 : i32 to index
      %get3A_520 = arith.index_cast %mul3A_517 : i32 to index
      %get3A_521 = tpu.vector_load %arg7[%get3A_519, %get3A_520] {strides = array<i32>} : memref<2x320xi32, #tpu.memory_space<vmem>>, vector<16xi32>,
      %mul3A_522 = arith.constant 32 : i32
      %mul3A_523 = arith.muli %scan3A_507, %mul3A_522 : i32
      %add3A_524 = vector.broadcast %mul3A_523 : i32 to vector<16xi32>
      %add3A_525 = arith.addi %mul3A_7, %add3A_524 : vector<16xi32>
      %scatter3A = arith.constant 1 : i32
      %scatter3A_526 = arith.constant 0 : i32
      %scatter3A_527 = tpu.memref_slice %arg8[%scatter3A, %scatter3A_526] : memref<2x640xi32, #tpu.memory_space<vmem>> -> memref<1x640xi32, #tpu.memory_space<vmem>>
      %scatter3A_528 = tpu.memref_squeeze %scatter3A_527 : memref<1x640xi32, #tpu.memory_space<vmem>> -> memref<640xi32, #tpu.memory_space<vmem>>
      tpu.vector_store_idx %scatter3A_528[%add3A_525], %add3A_515 : memref<640xi32, #tpu.memory_space<vmem>>[vector<16xi32>], vector<16xi32>,
      %add3A_529 = arith.constant 1 : i32
      %add3A_530 = vector.broadcast %add3A_529 : i32 to vector<16xi32>
      %add3A_531 = arith.addi %add3A_525, %add3A_530 : vector<16xi32>
      %scatter3A_532 = arith.constant 1 : i32
      %scatter3A_533 = arith.constant 0 : i32
      %scatter3A_534 = tpu.memref_slice %arg8[%scatter3A_532, %scatter3A_533] : memref<2x640xi32, #tpu.memory_space<vmem>> -> memref<1x640xi32, #tpu.memory_space<vmem>>
      %scatter3A_535 = tpu.memref_squeeze %scatter3A_534 : memref<1x640xi32, #tpu.memory_space<vmem>> -> memref<640xi32, #tpu.memory_space<vmem>>
      tpu.vector_store_idx %scatter3A_535[%add3A_531], %get3A_521 : memref<640xi32, #tpu.memory_space<vmem>>[vector<16xi32>], vector<16xi32>,
    }
    %scan3A_140 = arith.constant 20 : i32
    %dma_start3A_141 = arith.constant 1 : i32
    %dma_start3A_142 = arith.constant 1 : i32
    %dma_start3A_143 = arith.constant 0 : i32
    %dma_start3A_144 = arith.constant 0 : i32
    %dma_start3A_145 = tpu.memref_slice %arg9[%dma_start3A_142, %dma_start3A_143, %dma_start3A_144] : memref<2x640x64xf32, #tpu.memory_space<vmem>> -> memref<1x320x64xf32, #tpu.memory_space<vmem>>
    %dma_start3A_146 = tpu.memref_squeeze %dma_start3A_145 : memref<1x320x64xf32, #tpu.memory_space<vmem>> -> memref<320x64xf32, #tpu.memory_space<vmem>>
    %dma_start3A_147 = arith.constant 0 : i32
    %dma_start3A_148 = tpu.memref_slice %arg8[%dma_start3A_141, %dma_start3A_147] : memref<2x640xi32, #tpu.memory_space<vmem>> -> memref<1x320xi32, #tpu.memory_space<vmem>>
    %dma_start3A_149 = tpu.memref_squeeze %dma_start3A_148 : memref<1x320xi32, #tpu.memory_space<vmem>> -> memref<320xi32, #tpu.memory_space<vmem>>
    %dma_start3A_150 = arith.constant 0 : i32
    %dma_start3A_151 = arith.constant 0 : i32
    %dma_start3A_152 = tpu.memref_slice %arg2[%dma_start3A_150, %dma_start3A_151] : memref<101000x64xf32, #tpu.memory_space<hbm>> -> memref<101000x64xf32, #tpu.memory_space<hbm>>
    tpu.enqueue_indirect_dma source(%dma_start3A_152 : memref<101000x64xf32, #tpu.memory_space<hbm>>) target(%dma_start3A_146 : memref<320x64xf32, #tpu.memory_space<vmem>>) offsets(%dma_start3A_149 : memref<320xi32, #tpu.memory_space<vmem>>) semaphore(%arg13 : memref<!tpu.dma_semaphore, #tpu.memory_space<semaphore_mem>>)
    %dma_start3A_153 = arith.constant 1 : i32
    %dma_start3A_154 = arith.constant 1 : i32
    %dma_start3A_155 = arith.constant 320 : i32
    %dma_start3A_156 = arith.constant 0 : i32
    %dma_start3A_157 = tpu.memref_slice %arg9[%dma_start3A_154, %dma_start3A_155, %dma_start3A_156] : memref<2x640x64xf32, #tpu.memory_space<vmem>> -> memref<1x320x64xf32, #tpu.memory_space<vmem>>
    %dma_start3A_158 = tpu.memref_squeeze %dma_start3A_157 : memref<1x320x64xf32, #tpu.memory_space<vmem>> -> memref<320x64xf32, #tpu.memory_space<vmem>>
    %dma_start3A_159 = arith.constant 320 : i32
    %dma_start3A_160 = tpu.memref_slice %arg8[%dma_start3A_153, %dma_start3A_159] : memref<2x640xi32, #tpu.memory_space<vmem>> -> memref<1x320xi32, #tpu.memory_space<vmem>>
    %dma_start3A_161 = tpu.memref_squeeze %dma_start3A_160 : memref<1x320xi32, #tpu.memory_space<vmem>> -> memref<320xi32, #tpu.memory_space<vmem>>
    %dma_start3A_162 = arith.constant 0 : i32
    %dma_start3A_163 = arith.constant 0 : i32
    %dma_start3A_164 = tpu.memref_slice %arg2[%dma_start3A_162, %dma_start3A_163] : memref<101000x64xf32, #tpu.memory_space<hbm>> -> memref<101000x64xf32, #tpu.memory_space<hbm>>
    tpu.enqueue_indirect_dma source(%dma_start3A_164 : memref<101000x64xf32, #tpu.memory_space<hbm>>) target(%dma_start3A_158 : memref<320x64xf32, #tpu.memory_space<vmem>>) offsets(%dma_start3A_161 : memref<320xi32, #tpu.memory_space<vmem>>) semaphore(%arg13 : memref<!tpu.dma_semaphore, #tpu.memory_space<semaphore_mem>>)
    %dma_wait3A_165 = arith.constant 0 : i32
    %dma_wait3A_166 = arith.constant 0 : i32
    %dma_wait3A_167 = arith.constant 0 : i32
    %dma_wait3A_168 = arith.constant 0 : i32
    %dma_wait3A_169 = tpu.memref_slice %arg9[%dma_wait3A_166, %dma_wait3A_167, %dma_wait3A_168] : memref<2x640x64xf32, #tpu.memory_space<vmem>> -> memref<1x320x64xf32, #tpu.memory_space<vmem>>
    %dma_wait3A_170 = tpu.memref_squeeze %dma_wait3A_169 : memref<1x320x64xf32, #tpu.memory_space<vmem>> -> memref<320x64xf32, #tpu.memory_space<vmem>>
    %dma_wait3A_171 = arith.constant 0 : i32
    %dma_wait3A_172 = tpu.memref_slice %arg8[%dma_wait3A_165, %dma_wait3A_171] : memref<2x640xi32, #tpu.memory_space<vmem>> -> memref<1x320xi32, #tpu.memory_space<vmem>>
    %dma_wait3A_173 = tpu.memref_squeeze %dma_wait3A_172 : memref<1x320xi32, #tpu.memory_space<vmem>> -> memref<320xi32, #tpu.memory_space<vmem>>
    %dma_wait3A_174 = arith.constant 0 : i32
    %dma_wait3A_175 = arith.constant 0 : i32
    %dma_wait3A_176 = tpu.memref_slice %arg2[%dma_wait3A_174, %dma_wait3A_175] : memref<101000x64xf32, #tpu.memory_space<hbm>> -> memref<101000x64xf32, #tpu.memory_space<hbm>>
    tpu.wait_indirect_dma semaphore(%arg12 : memref<!tpu.dma_semaphore, #tpu.memory_space<semaphore_mem>>) src(%dma_wait3A_176 : memref<101000x64xf32, #tpu.memory_space<hbm>>) dst(%dma_wait3A_170 : memref<320x64xf32, #tpu.memory_space<vmem>>)
    %dma_wait3A_177 = arith.constant 0 : i32
    %dma_wait3A_178 = arith.constant 0 : i32
    %dma_wait3A_179 = arith.constant 320 : i32
    %dma_wait3A_180 = arith.constant 0 : i32
    %dma_wait3A_181 = tpu.memref_slice %arg9[%dma_wait3A_178, %dma_wait3A_179, %dma_wait3A_180] : memref<2x640x64xf32, #tpu.memory_space<vmem>> -> memref<1x320x64xf32, #tpu.memory_space<vmem>>
    %dma_wait3A_182 = tpu.memref_squeeze %dma_wait3A_181 : memref<1x320x64xf32, #tpu.memory_space<vmem>> -> memref<320x64xf32, #tpu.memory_space<vmem>>
    %dma_wait3A_183 = arith.constant 320 : i32
    %dma_wait3A_184 = tpu.memref_slice %arg8[%dma_wait3A_177, %dma_wait3A_183] : memref<2x640xi32, #tpu.memory_space<vmem>> -> memref<1x320xi32, #tpu.memory_space<vmem>>
    %dma_wait3A_185 = tpu.memref_squeeze %dma_wait3A_184 : memref<1x320xi32, #tpu.memory_space<vmem>> -> memref<320xi32, #tpu.memory_space<vmem>>
    %dma_wait3A_186 = arith.constant 0 : i32
    %dma_wait3A_187 = arith.constant 0 : i32
    %dma_wait3A_188 = tpu.memref_slice %arg2[%dma_wait3A_186, %dma_wait3A_187] : memref<101000x64xf32, #tpu.memory_space<hbm>> -> memref<101000x64xf32, #tpu.memory_space<hbm>>
    tpu.wait_indirect_dma semaphore(%arg12 : memref<!tpu.dma_semaphore, #tpu.memory_space<semaphore_mem>>) src(%dma_wait3A_188 : memref<101000x64xf32, #tpu.memory_space<hbm>>) dst(%dma_wait3A_182 : memref<320x64xf32, #tpu.memory_space<vmem>>)
    %add3A_189 = arith.constant 0 : i32
    %add3A_190 = arith.addi %mul3A_2, %add3A_189 : i32
    %dma_start3A_191 = arith.constant 0 : i32
    %dma_start3A_192 = arith.constant 0 : i32
    %dma_start3A_193 = arith.constant 0 : i32
    %dma_start3A_194 = tpu.memref_slice %arg9[%dma_start3A_191, %dma_start3A_192, %dma_start3A_193] : memref<2x640x64xf32, #tpu.memory_space<vmem>> -> memref<1x640x64xf32, #tpu.memory_space<vmem>>
    %dma_start3A_195 = tpu.memref_squeeze %dma_start3A_194 : memref<1x640x64xf32, #tpu.memory_space<vmem>> -> memref<640x64xf32, #tpu.memory_space<vmem>>
    %dma_start3A_196 = arith.constant 0 : i32
    %dma_start3A_197 = tpu.memref_slice %arg5[%add3A_190, %dma_start3A_196] : memref<1638400x64xf32, #tpu.memory_space<hbm>> -> memref<640x64xf32, #tpu.memory_space<hbm>>
    %dma_start3A_198 = arith.constant 0 : i32
    %dma_start3A_199 = tpu.memref_slice %arg5[%add3A_190, %dma_start3A_198] : memref<1638400x64xf32, #tpu.memory_space<hbm>> -> memref<640x64xf32, #tpu.memory_space<hbm>>
    %dma_start3A_200 = arith.constant 0 : i32
    %dma_start3A_201 = arith.constant 0 : i32
    %dma_start3A_202 = tpu.memref_slice %arg9[%dma_start3A_191, %dma_start3A_200, %dma_start3A_201] : memref<2x640x64xf32, #tpu.memory_space<vmem>> -> memref<1x640x64xf32, #tpu.memory_space<vmem>>
    %dma_start3A_203 = tpu.memref_squeeze %dma_start3A_202 : memref<1x640x64xf32, #tpu.memory_space<vmem>> -> memref<640x64xf32, #tpu.memory_space<vmem>>
    tpu.enqueue_dma source(%dma_start3A_203 : memref<640x64xf32, #tpu.memory_space<vmem>>) target(%dma_start3A_199 : memref<640x64xf32, #tpu.memory_space<hbm>>) target_semaphore(%arg14 : memref<!tpu.dma_semaphore, #tpu.memory_space<semaphore_mem>>)
    %add3A_204 = arith.constant 960 : i32
    %add3A_205 = arith.addi %mul3A_4, %add3A_204 : i32
    %dma_start3A_206 = arith.constant 1 : i32
    %dma_start3A_207 = arith.constant 0 : i32
    %dma_start3A_208 = tpu.memref_slice %arg6[%dma_start3A_206, %dma_start3A_207] : memref<2x320xi32, #tpu.memory_space<vmem>> -> memref<1x320xi32, #tpu.memory_space<vmem>>
    %dma_start3A_209 = tpu.memref_squeeze %dma_start3A_208 : memref<1x320xi32, #tpu.memory_space<vmem>> -> memref<320xi32, #tpu.memory_space<vmem>>
    %dma_start3A_210 = tpu.memref_slice %arg3[%add3A_205] : memref<819200xi32, #tpu.memory_space<hbm>> -> memref<320xi32, #tpu.memory_space<hbm>>
    %dma_start3A_211 = arith.constant 0 : i32
    %dma_start3A_212 = tpu.memref_slice %arg6[%dma_start3A_206, %dma_start3A_211] : memref<2x320xi32, #tpu.memory_space<vmem>> -> memref<1x320xi32, #tpu.memory_space<vmem>>
    %dma_start3A_213 = tpu.memref_squeeze %dma_start3A_212 : memref<1x320xi32, #tpu.memory_space<vmem>> -> memref<320xi32, #tpu.memory_space<vmem>>
    %dma_start3A_214 = tpu.memref_slice %arg3[%add3A_205] : memref<819200xi32, #tpu.memory_space<hbm>> -> memref<320xi32, #tpu.memory_space<hbm>>
    tpu.enqueue_dma source(%dma_start3A_214 : memref<320xi32, #tpu.memory_space<hbm>>) target(%dma_start3A_213 : memref<320xi32, #tpu.memory_space<vmem>>) target_semaphore(%arg11 : memref<!tpu.dma_semaphore, #tpu.memory_space<semaphore_mem>>)
    %dma_start3A_215 = arith.constant 1 : i32
    %dma_start3A_216 = arith.constant 0 : i32
    %dma_start3A_217 = tpu.memref_slice %arg7[%dma_start3A_215, %dma_start3A_216] : memref<2x320xi32, #tpu.memory_space<vmem>> -> memref<1x320xi32, #tpu.memory_space<vmem>>
    %dma_start3A_218 = tpu.memref_squeeze %dma_start3A_217 : memref<1x320xi32, #tpu.memory_space<vmem>> -> memref<320xi32, #tpu.memory_space<vmem>>
    %dma_start3A_219 = tpu.memref_slice %arg4[%add3A_205] : memref<819200xi32, #tpu.memory_space<hbm>> -> memref<320xi32, #tpu.memory_space<hbm>>
    %dma_start3A_220 = arith.constant 0 : i32
    %dma_start3A_221 = tpu.memref_slice %arg7[%dma_start3A_215, %dma_start3A_220] : memref<2x320xi32, #tpu.memory_space<vmem>> -> memref<1x320xi32, #tpu.memory_space<vmem>>
    %dma_start3A_222 = tpu.memref_squeeze %dma_start3A_221 : memref<1x320xi32, #tpu.memory_space<vmem>> -> memref<320xi32, #tpu.memory_space<vmem>>
    %dma_start3A_223 = tpu.memref_slice %arg4[%add3A_205] : memref<819200xi32, #tpu.memory_space<hbm>> -> memref<320xi32, #tpu.memory_space<hbm>>
    tpu.enqueue_dma source(%dma_start3A_223 : memref<320xi32, #tpu.memory_space<hbm>>) target(%dma_start3A_222 : memref<320xi32, #tpu.memory_space<vmem>>) target_semaphore(%arg11 : memref<!tpu.dma_semaphore, #tpu.memory_space<semaphore_mem>>)
    %scan3A_224 = arith.constant 0 : i32
    %scan3A_225 = arith.constant 1 : i32
    %scan3A_226 = arith.constant 38 : i32
    %scan3A_227 = arith.addi %scan3A_225, %scan3A_226 : i32
    %scan3A_228 = arith.constant 1 : i32
    scf.for %scan3A_507 = %scan3A_225 to %scan3A_227 step %scan3A_228  : i32 {
      %mul3A_508 = arith.constant 2 : i32
      %mul3A_509 = arith.muli %mul3A_508, %scan3A_507 : i32
      %add3A_510 = arith.constant 0 : i32
      %add3A_511 = arith.addi %mul3A_509, %add3A_510 : i32
      %sub3A = arith.constant 2 : i32
      %sub3A_512 = arith.subi %add3A_511, %sub3A : i32
      %mul3A_513 = arith.constant 640 : i32
      %mul3A_514 = arith.muli %sub3A_512, %mul3A_513 : i32
      %add3A_515 = arith.addi %mul3A_2, %mul3A_514 : i32
      %dma_wait3A_516 = arith.constant 0 : i32
      %dma_wait3A_517 = arith.constant 0 : i32
      %dma_wait3A_518 = arith.constant 0 : i32
      %dma_wait3A_519 = tpu.memref_slice %arg9[%dma_wait3A_516, %dma_wait3A_517, %dma_wait3A_518] : memref<2x640x64xf32, #tpu.memory_space<vmem>> -> memref<1x640x64xf32, #tpu.memory_space<vmem>>
      %dma_wait3A_520 = tpu.memref_squeeze %dma_wait3A_519 : memref<1x640x64xf32, #tpu.memory_space<vmem>> -> memref<640x64xf32, #tpu.memory_space<vmem>>
      %dma_wait3A_521 = arith.constant 0 : i32
      %dma_wait3A_522 = tpu.memref_slice %arg5[%add3A_515, %dma_wait3A_521] : memref<1638400x64xf32, #tpu.memory_space<hbm>> -> memref<640x64xf32, #tpu.memory_space<hbm>>
      %dma_wait3A_523 = arith.constant 0 : i32
      %dma_wait3A_524 = tpu.memref_slice %arg5[%add3A_515, %dma_wait3A_523] : memref<1638400x64xf32, #tpu.memory_space<hbm>> -> memref<640x64xf32, #tpu.memory_space<hbm>>
      %dma_wait3A_525 = arith.constant 0 : i32
      %dma_wait3A_526 = arith.constant 0 : i32
      %dma_wait3A_527 = tpu.memref_slice %arg9[%dma_wait3A_516, %dma_wait3A_525, %dma_wait3A_526] : memref<2x640x64xf32, #tpu.memory_space<vmem>> -> memref<1x640x64xf32, #tpu.memory_space<vmem>>
      %dma_wait3A_528 = tpu.memref_squeeze %dma_wait3A_527 : memref<1x640x64xf32, #tpu.memory_space<vmem>> -> memref<640x64xf32, #tpu.memory_space<vmem>>
      tpu.wait_dma2 semaphore(%arg14 : memref<!tpu.dma_semaphore, #tpu.memory_space<semaphore_mem>>) src(%dma_wait3A_528 : memref<640x64xf32, #tpu.memory_space<vmem>>) dst(%dma_wait3A_524 : memref<640x64xf32, #tpu.memory_space<hbm>>)
      %mul3A_529 = arith.constant 320 : i32
      %mul3A_530 = arith.muli %add3A_511, %mul3A_529 : i32
      %add3A_531 = arith.addi %mul3A_4, %mul3A_530 : i32
      %dma_wait3A_532 = arith.constant 0 : i32
      %dma_wait3A_533 = arith.constant 0 : i32
      %dma_wait3A_534 = tpu.memref_slice %arg6[%dma_wait3A_532, %dma_wait3A_533] : memref<2x320xi32, #tpu.memory_space<vmem>> -> memref<1x320xi32, #tpu.memory_space<vmem>>
      %dma_wait3A_535 = tpu.memref_squeeze %dma_wait3A_534 : memref<1x320xi32, #tpu.memory_space<vmem>> -> memref<320xi32, #tpu.memory_space<vmem>>
      %dma_wait3A_536 = tpu.memref_slice %arg3[%add3A_531] : memref<819200xi32, #tpu.memory_space<hbm>> -> memref<320xi32, #tpu.memory_space<hbm>>
      %dma_wait3A_537 = arith.constant 0 : i32
      %dma_wait3A_538 = tpu.memref_slice %arg6[%dma_wait3A_532, %dma_wait3A_537] : memref<2x320xi32, #tpu.memory_space<vmem>> -> memref<1x320xi32, #tpu.memory_space<vmem>>
      %dma_wait3A_539 = tpu.memref_squeeze %dma_wait3A_538 : memref<1x320xi32, #tpu.memory_space<vmem>> -> memref<320xi32, #tpu.memory_space<vmem>>
      %dma_wait3A_540 = tpu.memref_slice %arg3[%add3A_531] : memref<819200xi32, #tpu.memory_space<hbm>> -> memref<320xi32, #tpu.memory_space<hbm>>
      tpu.wait_dma2 semaphore(%arg10 : memref<!tpu.dma_semaphore, #tpu.memory_space<semaphore_mem>>) src(%dma_wait3A_540 : memref<320xi32, #tpu.memory_space<hbm>>) dst(%dma_wait3A_539 : memref<320xi32, #tpu.memory_space<vmem>>)
      %dma_wait3A_541 = arith.constant 0 : i32
      %dma_wait3A_542 = arith.constant 0 : i32
      %dma_wait3A_543 = tpu.memref_slice %arg7[%dma_wait3A_541, %dma_wait3A_542] : memref<2x320xi32, #tpu.memory_space<vmem>> -> memref<1x320xi32, #tpu.memory_space<vmem>>
      %dma_wait3A_544 = tpu.memref_squeeze %dma_wait3A_543 : memref<1x320xi32, #tpu.memory_space<vmem>> -> memref<320xi32, #tpu.memory_space<vmem>>
      %dma_wait3A_545 = tpu.memref_slice %arg4[%add3A_531] : memref<819200xi32, #tpu.memory_space<hbm>> -> memref<320xi32, #tpu.memory_space<hbm>>
      %dma_wait3A_546 = arith.constant 0 : i32
      %dma_wait3A_547 = tpu.memref_slice %arg7[%dma_wait3A_541, %dma_wait3A_546] : memref<2x320xi32, #tpu.memory_space<vmem>> -> memref<1x320xi32, #tpu.memory_space<vmem>>
      %dma_wait3A_548 = tpu.memref_squeeze %dma_wait3A_547 : memref<1x320xi32, #tpu.memory_space<vmem>> -> memref<320xi32, #tpu.memory_space<vmem>>
      %dma_wait3A_549 = tpu.memref_slice %arg4[%add3A_531] : memref<819200xi32, #tpu.memory_space<hbm>> -> memref<320xi32, #tpu.memory_space<hbm>>
      tpu.wait_dma2 semaphore(%arg10 : memref<!tpu.dma_semaphore, #tpu.memory_space<semaphore_mem>>) src(%dma_wait3A_549 : memref<320xi32, #tpu.memory_space<hbm>>) dst(%dma_wait3A_548 : memref<320xi32, #tpu.memory_space<vmem>>)
      %scan3A_550 = arith.constant 0 : i32
      %scan3A_551 = arith.constant 0 : i32
      %scan3A_552 = arith.constant 20 : i32
      %scan3A_553 = arith.addi %scan3A_551, %scan3A_552 : i32
      %scan3A_554 = arith.constant 1 : i32
      scf.for %scan3A_783 = %scan3A_551 to %scan3A_553 step %scan3A_554  : i32 {
        %mul3A_784 = arith.constant 16 : i32
        %mul3A_785 = arith.muli %scan3A_783, %mul3A_784 : i32
        %get3A = arith.constant 0 : i32
        %get3A_786 = arith.index_cast %get3A : i32 to index
        %get3A_787 = arith.index_cast %mul3A_785 : i32 to index
        %get3A_788 = tpu.vector_load %arg6[%get3A_786, %get3A_787] {strides = array<i32>} : memref<2x320xi32, #tpu.memory_space<vmem>>, vector<16xi32>,
        %add3A_789 = arith.constant 100000 : i32
        %add3A_790 = vector.broadcast %add3A_789 : i32 to vector<16xi32>
        %add3A_791 = arith.addi %get3A_788, %add3A_790 : vector<16xi32>
        %mul3A_792 = arith.constant 16 : i32
        %mul3A_793 = arith.muli %scan3A_783, %mul3A_792 : i32
        %get3A_794 = arith.constant 0 : i32
        %get3A_795 = arith.index_cast %get3A_794 : i32 to index
        %get3A_796 = arith.index_cast %mul3A_793 : i32 to index
        %get3A_797 = tpu.vector_load %arg7[%get3A_795, %get3A_796] {strides = array<i32>} : memref<2x320xi32, #tpu.memory_space<vmem>>, vector<16xi32>,
        %mul3A_798 = arith.constant 32 : i32
        %mul3A_799 = arith.muli %scan3A_783, %mul3A_798 : i32
        %add3A_800 = vector.broadcast %mul3A_799 : i32 to vector<16xi32>
        %add3A_801 = arith.addi %mul3A_7, %add3A_800 : vector<16xi32>
        %scatter3A = arith.constant 0 : i32
        %scatter3A_802 = arith.constant 0 : i32
        %scatter3A_803 = tpu.memref_slice %arg8[%scatter3A, %scatter3A_802] : memref<2x640xi32, #tpu.memory_space<vmem>> -> memref<1x640xi32, #tpu.memory_space<vmem>>
        %scatter3A_804 = tpu.memref_squeeze %scatter3A_803 : memref<1x640xi32, #tpu.memory_space<vmem>> -> memref<640xi32, #tpu.memory_space<vmem>>
        tpu.vector_store_idx %scatter3A_804[%add3A_801], %add3A_791 : memref<640xi32, #tpu.memory_space<vmem>>[vector<16xi32>], vector<16xi32>,
        %add3A_805 = arith.constant 1 : i32
        %add3A_806 = vector.broadcast %add3A_805 : i32 to vector<16xi32>
        %add3A_807 = arith.addi %add3A_801, %add3A_806 : vector<16xi32>
        %scatter3A_808 = arith.constant 0 : i32
        %scatter3A_809 = arith.constant 0 : i32
        %scatter3A_810 = tpu.memref_slice %arg8[%scatter3A_808, %scatter3A_809] : memref<2x640xi32, #tpu.memory_space<vmem>> -> memref<1x640xi32, #tpu.memory_space<vmem>>
        %scatter3A_811 = tpu.memref_squeeze %scatter3A_810 : memref<1x640xi32, #tpu.memory_space<vmem>> -> memref<640xi32, #tpu.memory_space<vmem>>
        tpu.vector_store_idx %scatter3A_811[%add3A_807], %get3A_797 : memref<640xi32, #tpu.memory_space<vmem>>[vector<16xi32>], vector<16xi32>,
      }
      %scan3A_555 = arith.constant 20 : i32
      %dma_start3A_556 = arith.constant 0 : i32
      %dma_start3A_557 = arith.constant 0 : i32
      %dma_start3A_558 = arith.constant 0 : i32
      %dma_start3A_559 = arith.constant 0 : i32
      %dma_start3A_560 = tpu.memref_slice %arg9[%dma_start3A_557, %dma_start3A_558, %dma_start3A_559] : memref<2x640x64xf32, #tpu.memory_space<vmem>> -> memref<1x320x64xf32, #tpu.memory_space<vmem>>
      %dma_start3A_561 = tpu.memref_squeeze %dma_start3A_560 : memref<1x320x64xf32, #tpu.memory_space<vmem>> -> memref<320x64xf32, #tpu.memory_space<vmem>>
      %dma_start3A_562 = arith.constant 0 : i32
      %dma_start3A_563 = tpu.memref_slice %arg8[%dma_start3A_556, %dma_start3A_562] : memref<2x640xi32, #tpu.memory_space<vmem>> -> memref<1x320xi32, #tpu.memory_space<vmem>>
      %dma_start3A_564 = tpu.memref_squeeze %dma_start3A_563 : memref<1x320xi32, #tpu.memory_space<vmem>> -> memref<320xi32, #tpu.memory_space<vmem>>
      %dma_start3A_565 = arith.constant 0 : i32
      %dma_start3A_566 = arith.constant 0 : i32
      %dma_start3A_567 = tpu.memref_slice %arg2[%dma_start3A_565, %dma_start3A_566] : memref<101000x64xf32, #tpu.memory_space<hbm>> -> memref<101000x64xf32, #tpu.memory_space<hbm>>
      tpu.enqueue_indirect_dma source(%dma_start3A_567 : memref<101000x64xf32, #tpu.memory_space<hbm>>) target(%dma_start3A_561 : memref<320x64xf32, #tpu.memory_space<vmem>>) offsets(%dma_start3A_564 : memref<320xi32, #tpu.memory_space<vmem>>) semaphore(%arg12 : memref<!tpu.dma_semaphore, #tpu.memory_space<semaphore_mem>>)
      %dma_start3A_568 = arith.constant 0 : i32
      %dma_start3A_569 = arith.constant 0 : i32
      %dma_start3A_570 = arith.constant 320 : i32
      %dma_start3A_571 = arith.constant 0 : i32
      %dma_start3A_572 = tpu.memref_slice %arg9[%dma_start3A_569, %dma_start3A_570, %dma_start3A_571] : memref<2x640x64xf32, #tpu.memory_space<vmem>> -> memref<1x320x64xf32, #tpu.memory_space<vmem>>
      %dma_start3A_573 = tpu.memref_squeeze %dma_start3A_572 : memref<1x320x64xf32, #tpu.memory_space<vmem>> -> memref<320x64xf32, #tpu.memory_space<vmem>>
      %dma_start3A_574 = arith.constant 320 : i32
      %dma_start3A_575 = tpu.memref_slice %arg8[%dma_start3A_568, %dma_start3A_574] : memref<2x640xi32, #tpu.memory_space<vmem>> -> memref<1x320xi32, #tpu.memory_space<vmem>>
      %dma_start3A_576 = tpu.memref_squeeze %dma_start3A_575 : memref<1x320xi32, #tpu.memory_space<vmem>> -> memref<320xi32, #tpu.memory_space<vmem>>
      %dma_start3A_577 = arith.constant 0 : i32
      %dma_start3A_578 = arith.constant 0 : i32
      %dma_start3A_579 = tpu.memref_slice %arg2[%dma_start3A_577, %dma_start3A_578] : memref<101000x64xf32, #tpu.memory_space<hbm>> -> memref<101000x64xf32, #tpu.memory_space<hbm>>
      tpu.enqueue_indirect_dma source(%dma_start3A_579 : memref<101000x64xf32, #tpu.memory_space<hbm>>) target(%dma_start3A_573 : memref<320x64xf32, #tpu.memory_space<vmem>>) offsets(%dma_start3A_576 : memref<320xi32, #tpu.memory_space<vmem>>) semaphore(%arg12 : memref<!tpu.dma_semaphore, #tpu.memory_space<semaphore_mem>>)
      %dma_wait3A_580 = arith.constant 1 : i32
      %dma_wait3A_581 = arith.constant 1 : i32
      %dma_wait3A_582 = arith.constant 0 : i32
      %dma_wait3A_583 = arith.constant 0 : i32
      %dma_wait3A_584 = tpu.memref_slice %arg9[%dma_wait3A_581, %dma_wait3A_582, %dma_wait3A_583] : memref<2x640x64xf32, #tpu.memory_space<vmem>> -> memref<1x320x64xf32, #tpu.memory_space<vmem>>
      %dma_wait3A_585 = tpu.memref_squeeze %dma_wait3A_584 : memref<1x320x64xf32, #tpu.memory_space<vmem>> -> memref<320x64xf32, #tpu.memory_space<vmem>>
      %dma_wait3A_586 = arith.constant 0 : i32
      %dma_wait3A_587 = tpu.memref_slice %arg8[%dma_wait3A_580, %dma_wait3A_586] : memref<2x640xi32, #tpu.memory_space<vmem>> -> memref<1x320xi32, #tpu.memory_space<vmem>>
      %dma_wait3A_588 = tpu.memref_squeeze %dma_wait3A_587 : memref<1x320xi32, #tpu.memory_space<vmem>> -> memref<320xi32, #tpu.memory_space<vmem>>
      %dma_wait3A_589 = arith.constant 0 : i32
      %dma_wait3A_590 = arith.constant 0 : i32
      %dma_wait3A_591 = tpu.memref_slice %arg2[%dma_wait3A_589, %dma_wait3A_590] : memref<101000x64xf32, #tpu.memory_space<hbm>> -> memref<101000x64xf32, #tpu.memory_space<hbm>>
      tpu.wait_indirect_dma semaphore(%arg13 : memref<!tpu.dma_semaphore, #tpu.memory_space<semaphore_mem>>) src(%dma_wait3A_591 : memref<101000x64xf32, #tpu.memory_space<hbm>>) dst(%dma_wait3A_585 : memref<320x64xf32, #tpu.memory_space<vmem>>)
      %dma_wait3A_592 = arith.constant 1 : i32
      %dma_wait3A_593 = arith.constant 1 : i32
      %dma_wait3A_594 = arith.constant 320 : i32
      %dma_wait3A_595 = arith.constant 0 : i32
      %dma_wait3A_596 = tpu.memref_slice %arg9[%dma_wait3A_593, %dma_wait3A_594, %dma_wait3A_595] : memref<2x640x64xf32, #tpu.memory_space<vmem>> -> memref<1x320x64xf32, #tpu.memory_space<vmem>>
      %dma_wait3A_597 = tpu.memref_squeeze %dma_wait3A_596 : memref<1x320x64xf32, #tpu.memory_space<vmem>> -> memref<320x64xf32, #tpu.memory_space<vmem>>
      %dma_wait3A_598 = arith.constant 320 : i32
      %dma_wait3A_599 = tpu.memref_slice %arg8[%dma_wait3A_592, %dma_wait3A_598] : memref<2x640xi32, #tpu.memory_space<vmem>> -> memref<1x320xi32, #tpu.memory_space<vmem>>
      %dma_wait3A_600 = tpu.memref_squeeze %dma_wait3A_599 : memref<1x320xi32, #tpu.memory_space<vmem>> -> memref<320xi32, #tpu.memory_space<vmem>>
      %dma_wait3A_601 = arith.constant 0 : i32
      %dma_wait3A_602 = arith.constant 0 : i32
      %dma_wait3A_603 = tpu.memref_slice %arg2[%dma_wait3A_601, %dma_wait3A_602] : memref<101000x64xf32, #tpu.memory_space<hbm>> -> memref<101000x64xf32, #tpu.memory_space<hbm>>
      tpu.wait_indirect_dma semaphore(%arg13 : memref<!tpu.dma_semaphore, #tpu.memory_space<semaphore_mem>>) src(%dma_wait3A_603 : memref<101000x64xf32, #tpu.memory_space<hbm>>) dst(%dma_wait3A_597 : memref<320x64xf32, #tpu.memory_space<vmem>>)
      %sub3A_604 = arith.constant 1 : i32
      %sub3A_605 = arith.subi %add3A_511, %sub3A_604 : i32
      %mul3A_606 = arith.constant 640 : i32
      %mul3A_607 = arith.muli %sub3A_605, %mul3A_606 : i32
      %add3A_608 = arith.addi %mul3A_2, %mul3A_607 : i32
      %dma_start3A_609 = arith.constant 1 : i32
      %dma_start3A_610 = arith.constant 0 : i32
      %dma_start3A_611 = arith.constant 0 : i32
      %dma_start3A_612 = tpu.memref_slice %arg9[%dma_start3A_609, %dma_start3A_610, %dma_start3A_611] : memref<2x640x64xf32, #tpu.memory_space<vmem>> -> memref<1x640x64xf32, #tpu.memory_space<vmem>>
      %dma_start3A_613 = tpu.memref_squeeze %dma_start3A_612 : memref<1x640x64xf32, #tpu.memory_space<vmem>> -> memref<640x64xf32, #tpu.memory_space<vmem>>
      %dma_start3A_614 = arith.constant 0 : i32
      %dma_start3A_615 = tpu.memref_slice %arg5[%add3A_608, %dma_start3A_614] : memref<1638400x64xf32, #tpu.memory_space<hbm>> -> memref<640x64xf32, #tpu.memory_space<hbm>>
      %dma_start3A_616 = arith.constant 0 : i32
      %dma_start3A_617 = tpu.memref_slice %arg5[%add3A_608, %dma_start3A_616] : memref<1638400x64xf32, #tpu.memory_space<hbm>> -> memref<640x64xf32, #tpu.memory_space<hbm>>
      %dma_start3A_618 = arith.constant 0 : i32
      %dma_start3A_619 = arith.constant 0 : i32
      %dma_start3A_620 = tpu.memref_slice %arg9[%dma_start3A_609, %dma_start3A_618, %dma_start3A_619] : memref<2x640x64xf32, #tpu.memory_space<vmem>> -> memref<1x640x64xf32, #tpu.memory_space<vmem>>
      %dma_start3A_621 = tpu.memref_squeeze %dma_start3A_620 : memref<1x640x64xf32, #tpu.memory_space<vmem>> -> memref<640x64xf32, #tpu.memory_space<vmem>>
      tpu.enqueue_dma source(%dma_start3A_621 : memref<640x64xf32, #tpu.memory_space<vmem>>) target(%dma_start3A_617 : memref<640x64xf32, #tpu.memory_space<hbm>>) target_semaphore(%arg15 : memref<!tpu.dma_semaphore, #tpu.memory_space<semaphore_mem>>)
      %add3A_622 = arith.constant 2 : i32
      %add3A_623 = arith.addi %add3A_511, %add3A_622 : i32
      %mul3A_624 = arith.constant 320 : i32
      %mul3A_625 = arith.muli %add3A_623, %mul3A_624 : i32
      %add3A_626 = arith.addi %mul3A_4, %mul3A_625 : i32
      %dma_start3A_627 = arith.constant 0 : i32
      %dma_start3A_628 = arith.constant 0 : i32
      %dma_start3A_629 = tpu.memref_slice %arg6[%dma_start3A_627, %dma_start3A_628] : memref<2x320xi32, #tpu.memory_space<vmem>> -> memref<1x320xi32, #tpu.memory_space<vmem>>
      %dma_start3A_630 = tpu.memref_squeeze %dma_start3A_629 : memref<1x320xi32, #tpu.memory_space<vmem>> -> memref<320xi32, #tpu.memory_space<vmem>>
      %dma_start3A_631 = tpu.memref_slice %arg3[%add3A_626] : memref<819200xi32, #tpu.memory_space<hbm>> -> memref<320xi32, #tpu.memory_space<hbm>>
      %dma_start3A_632 = arith.constant 0 : i32
      %dma_start3A_633 = tpu.memref_slice %arg6[%dma_start3A_627, %dma_start3A_632] : memref<2x320xi32, #tpu.memory_space<vmem>> -> memref<1x320xi32, #tpu.memory_space<vmem>>
      %dma_start3A_634 = tpu.memref_squeeze %dma_start3A_633 : memref<1x320xi32, #tpu.memory_space<vmem>> -> memref<320xi32, #tpu.memory_space<vmem>>
      %dma_start3A_635 = tpu.memref_slice %arg3[%add3A_626] : memref<819200xi32, #tpu.memory_space<hbm>> -> memref<320xi32, #tpu.memory_space<hbm>>
      tpu.enqueue_dma source(%dma_start3A_635 : memref<320xi32, #tpu.memory_space<hbm>>) target(%dma_start3A_634 : memref<320xi32, #tpu.memory_space<vmem>>) target_semaphore(%arg10 : memref<!tpu.dma_semaphore, #tpu.memory_space<semaphore_mem>>)
      %dma_start3A_636 = arith.constant 0 : i32
      %dma_start3A_637 = arith.constant 0 : i32
      %dma_start3A_638 = tpu.memref_slice %arg7[%dma_start3A_636, %dma_start3A_637] : memref<2x320xi32, #tpu.memory_space<vmem>> -> memref<1x320xi32, #tpu.memory_space<vmem>>
      %dma_start3A_639 = tpu.memref_squeeze %dma_start3A_638 : memref<1x320xi32, #tpu.memory_space<vmem>> -> memref<320xi32, #tpu.memory_space<vmem>>
      %dma_start3A_640 = tpu.memref_slice %arg4[%add3A_626] : memref<819200xi32, #tpu.memory_space<hbm>> -> memref<320xi32, #tpu.memory_space<hbm>>
      %dma_start3A_641 = arith.constant 0 : i32
      %dma_start3A_642 = tpu.memref_slice %arg7[%dma_start3A_636, %dma_start3A_641] : memref<2x320xi32, #tpu.memory_space<vmem>> -> memref<1x320xi32, #tpu.memory_space<vmem>>
      %dma_start3A_643 = tpu.memref_squeeze %dma_start3A_642 : memref<1x320xi32, #tpu.memory_space<vmem>> -> memref<320xi32, #tpu.memory_space<vmem>>
      %dma_start3A_644 = tpu.memref_slice %arg4[%add3A_626] : memref<819200xi32, #tpu.memory_space<hbm>> -> memref<320xi32, #tpu.memory_space<hbm>>
      tpu.enqueue_dma source(%dma_start3A_644 : memref<320xi32, #tpu.memory_space<hbm>>) target(%dma_start3A_643 : memref<320xi32, #tpu.memory_space<vmem>>) target_semaphore(%arg10 : memref<!tpu.dma_semaphore, #tpu.memory_space<semaphore_mem>>)
      %mul3A_645 = arith.constant 2 : i32
      %mul3A_646 = arith.muli %mul3A_645, %scan3A_507 : i32
      %add3A_647 = arith.constant 1 : i32
      %add3A_648 = arith.addi %mul3A_646, %add3A_647 : i32
      %sub3A_649 = arith.constant 2 : i32
      %sub3A_650 = arith.subi %add3A_648, %sub3A_649 : i32
      %mul3A_651 = arith.constant 640 : i32
      %mul3A_652 = arith.muli %sub3A_650, %mul3A_651 : i32
      %add3A_653 = arith.addi %mul3A_2, %mul3A_652 : i32
      %dma_wait3A_654 = arith.constant 1 : i32
      %dma_wait3A_655 = arith.constant 0 : i32
      %dma_wait3A_656 = arith.constant 0 : i32
      %dma_wait3A_657 = tpu.memref_slice %arg9[%dma_wait3A_654, %dma_wait3A_655, %dma_wait3A_656] : memref<2x640x64xf32, #tpu.memory_space<vmem>> -> memref<1x640x64xf32, #tpu.memory_space<vmem>>
      %dma_wait3A_658 = tpu.memref_squeeze %dma_wait3A_657 : memref<1x640x64xf32, #tpu.memory_space<vmem>> -> memref<640x64xf32, #tpu.memory_space<vmem>>
      %dma_wait3A_659 = arith.constant 0 : i32
      %dma_wait3A_660 = tpu.memref_slice %arg5[%add3A_653, %dma_wait3A_659] : memref<1638400x64xf32, #tpu.memory_space<hbm>> -> memref<640x64xf32, #tpu.memory_space<hbm>>
      %dma_wait3A_661 = arith.constant 0 : i32
      %dma_wait3A_662 = tpu.memref_slice %arg5[%add3A_653, %dma_wait3A_661] : memref<1638400x64xf32, #tpu.memory_space<hbm>> -> memref<640x64xf32, #tpu.memory_space<hbm>>
      %dma_wait3A_663 = arith.constant 0 : i32
      %dma_wait3A_664 = arith.constant 0 : i32
      %dma_wait3A_665 = tpu.memref_slice %arg9[%dma_wait3A_654, %dma_wait3A_663, %dma_wait3A_664] : memref<2x640x64xf32, #tpu.memory_space<vmem>> -> memref<1x640x64xf32, #tpu.memory_space<vmem>>
      %dma_wait3A_666 = tpu.memref_squeeze %dma_wait3A_665 : memref<1x640x64xf32, #tpu.memory_space<vmem>> -> memref<640x64xf32, #tpu.memory_space<vmem>>
      tpu.wait_dma2 semaphore(%arg15 : memref<!tpu.dma_semaphore, #tpu.memory_space<semaphore_mem>>) src(%dma_wait3A_666 : memref<640x64xf32, #tpu.memory_space<vmem>>) dst(%dma_wait3A_662 : memref<640x64xf32, #tpu.memory_space<hbm>>)
      %mul3A_667 = arith.constant 320 : i32
      %mul3A_668 = arith.muli %add3A_648, %mul3A_667 : i32
      %add3A_669 = arith.addi %mul3A_4, %mul3A_668 : i32
      %dma_wait3A_670 = arith.constant 1 : i32
      %dma_wait3A_671 = arith.constant 0 : i32
      %dma_wait3A_672 = tpu.memref_slice %arg6[%dma_wait3A_670, %dma_wait3A_671] : memref<2x320xi32, #tpu.memory_space<vmem>> -> memref<1x320xi32, #tpu.memory_space<vmem>>
      %dma_wait3A_673 = tpu.memref_squeeze %dma_wait3A_672 : memref<1x320xi32, #tpu.memory_space<vmem>> -> memref<320xi32, #tpu.memory_space<vmem>>
      %dma_wait3A_674 = tpu.memref_slice %arg3[%add3A_669] : memref<819200xi32, #tpu.memory_space<hbm>> -> memref<320xi32, #tpu.memory_space<hbm>>
      %dma_wait3A_675 = arith.constant 0 : i32
      %dma_wait3A_676 = tpu.memref_slice %arg6[%dma_wait3A_670, %dma_wait3A_675] : memref<2x320xi32, #tpu.memory_space<vmem>> -> memref<1x320xi32, #tpu.memory_space<vmem>>
      %dma_wait3A_677 = tpu.memref_squeeze %dma_wait3A_676 : memref<1x320xi32, #tpu.memory_space<vmem>> -> memref<320xi32, #tpu.memory_space<vmem>>
      %dma_wait3A_678 = tpu.memref_slice %arg3[%add3A_669] : memref<819200xi32, #tpu.memory_space<hbm>> -> memref<320xi32, #tpu.memory_space<hbm>>
      tpu.wait_dma2 semaphore(%arg11 : memref<!tpu.dma_semaphore, #tpu.memory_space<semaphore_mem>>) src(%dma_wait3A_678 : memref<320xi32, #tpu.memory_space<hbm>>) dst(%dma_wait3A_677 : memref<320xi32, #tpu.memory_space<vmem>>)
      %dma_wait3A_679 = arith.constant 1 : i32
      %dma_wait3A_680 = arith.constant 0 : i32
      %dma_wait3A_681 = tpu.memref_slice %arg7[%dma_wait3A_679, %dma_wait3A_680] : memref<2x320xi32, #tpu.memory_space<vmem>> -> memref<1x320xi32, #tpu.memory_space<vmem>>
      %dma_wait3A_682 = tpu.memref_squeeze %dma_wait3A_681 : memref<1x320xi32, #tpu.memory_space<vmem>> -> memref<320xi32, #tpu.memory_space<vmem>>
      %dma_wait3A_683 = tpu.memref_slice %arg4[%add3A_669] : memref<819200xi32, #tpu.memory_space<hbm>> -> memref<320xi32, #tpu.memory_space<hbm>>
      %dma_wait3A_684 = arith.constant 0 : i32
      %dma_wait3A_685 = tpu.memref_slice %arg7[%dma_wait3A_679, %dma_wait3A_684] : memref<2x320xi32, #tpu.memory_space<vmem>> -> memref<1x320xi32, #tpu.memory_space<vmem>>
      %dma_wait3A_686 = tpu.memref_squeeze %dma_wait3A_685 : memref<1x320xi32, #tpu.memory_space<vmem>> -> memref<320xi32, #tpu.memory_space<vmem>>
      %dma_wait3A_687 = tpu.memref_slice %arg4[%add3A_669] : memref<819200xi32, #tpu.memory_space<hbm>> -> memref<320xi32, #tpu.memory_space<hbm>>
      tpu.wait_dma2 semaphore(%arg11 : memref<!tpu.dma_semaphore, #tpu.memory_space<semaphore_mem>>) src(%dma_wait3A_687 : memref<320xi32, #tpu.memory_space<hbm>>) dst(%dma_wait3A_686 : memref<320xi32, #tpu.memory_space<vmem>>)
      %scan3A_688 = arith.constant 0 : i32
      %scan3A_689 = arith.constant 0 : i32
      %scan3A_690 = arith.constant 20 : i32
      %scan3A_691 = arith.addi %scan3A_689, %scan3A_690 : i32
      %scan3A_692 = arith.constant 1 : i32
      scf.for %scan3A_783 = %scan3A_689 to %scan3A_691 step %scan3A_692  : i32 {
        %mul3A_784 = arith.constant 16 : i32
        %mul3A_785 = arith.muli %scan3A_783, %mul3A_784 : i32
        %get3A = arith.constant 1 : i32
        %get3A_786 = arith.index_cast %get3A : i32 to index
        %get3A_787 = arith.index_cast %mul3A_785 : i32 to index
        %get3A_788 = tpu.vector_load %arg6[%get3A_786, %get3A_787] {strides = array<i32>} : memref<2x320xi32, #tpu.memory_space<vmem>>, vector<16xi32>,
        %add3A_789 = arith.constant 100000 : i32
        %add3A_790 = vector.broadcast %add3A_789 : i32 to vector<16xi32>
        %add3A_791 = arith.addi %get3A_788, %add3A_790 : vector<16xi32>
        %mul3A_792 = arith.constant 16 : i32
        %mul3A_793 = arith.muli %scan3A_783, %mul3A_792 : i32
        %get3A_794 = arith.constant 1 : i32
        %get3A_795 = arith.index_cast %get3A_794 : i32 to index
        %get3A_796 = arith.index_cast %mul3A_793 : i32 to index
        %get3A_797 = tpu.vector_load %arg7[%get3A_795, %get3A_796] {strides = array<i32>} : memref<2x320xi32, #tpu.memory_space<vmem>>, vector<16xi32>,
        %mul3A_798 = arith.constant 32 : i32
        %mul3A_799 = arith.muli %scan3A_783, %mul3A_798 : i32
        %add3A_800 = vector.broadcast %mul3A_799 : i32 to vector<16xi32>
        %add3A_801 = arith.addi %mul3A_7, %add3A_800 : vector<16xi32>
        %scatter3A = arith.constant 1 : i32
        %scatter3A_802 = arith.constant 0 : i32
        %scatter3A_803 = tpu.memref_slice %arg8[%scatter3A, %scatter3A_802] : memref<2x640xi32, #tpu.memory_space<vmem>> -> memref<1x640xi32, #tpu.memory_space<vmem>>
        %scatter3A_804 = tpu.memref_squeeze %scatter3A_803 : memref<1x640xi32, #tpu.memory_space<vmem>> -> memref<640xi32, #tpu.memory_space<vmem>>
        tpu.vector_store_idx %scatter3A_804[%add3A_801], %add3A_791 : memref<640xi32, #tpu.memory_space<vmem>>[vector<16xi32>], vector<16xi32>,
        %add3A_805 = arith.constant 1 : i32
        %add3A_806 = vector.broadcast %add3A_805 : i32 to vector<16xi32>
        %add3A_807 = arith.addi %add3A_801, %add3A_806 : vector<16xi32>
        %scatter3A_808 = arith.constant 1 : i32
        %scatter3A_809 = arith.constant 0 : i32
        %scatter3A_810 = tpu.memref_slice %arg8[%scatter3A_808, %scatter3A_809] : memref<2x640xi32, #tpu.memory_space<vmem>> -> memref<1x640xi32, #tpu.memory_space<vmem>>
        %scatter3A_811 = tpu.memref_squeeze %scatter3A_810 : memref<1x640xi32, #tpu.memory_space<vmem>> -> memref<640xi32, #tpu.memory_space<vmem>>
        tpu.vector_store_idx %scatter3A_811[%add3A_807], %get3A_797 : memref<640xi32, #tpu.memory_space<vmem>>[vector<16xi32>], vector<16xi32>,
      }
      %scan3A_693 = arith.constant 20 : i32
      %dma_start3A_694 = arith.constant 1 : i32
      %dma_start3A_695 = arith.constant 1 : i32
      %dma_start3A_696 = arith.constant 0 : i32
      %dma_start3A_697 = arith.constant 0 : i32
      %dma_start3A_698 = tpu.memref_slice %arg9[%dma_start3A_695, %dma_start3A_696, %dma_start3A_697] : memref<2x640x64xf32, #tpu.memory_space<vmem>> -> memref<1x320x64xf32, #tpu.memory_space<vmem>>
      %dma_start3A_699 = tpu.memref_squeeze %dma_start3A_698 : memref<1x320x64xf32, #tpu.memory_space<vmem>> -> memref<320x64xf32, #tpu.memory_space<vmem>>
      %dma_start3A_700 = arith.constant 0 : i32
      %dma_start3A_701 = tpu.memref_slice %arg8[%dma_start3A_694, %dma_start3A_700] : memref<2x640xi32, #tpu.memory_space<vmem>> -> memref<1x320xi32, #tpu.memory_space<vmem>>
      %dma_start3A_702 = tpu.memref_squeeze %dma_start3A_701 : memref<1x320xi32, #tpu.memory_space<vmem>> -> memref<320xi32, #tpu.memory_space<vmem>>
      %dma_start3A_703 = arith.constant 0 : i32
      %dma_start3A_704 = arith.constant 0 : i32
      %dma_start3A_705 = tpu.memref_slice %arg2[%dma_start3A_703, %dma_start3A_704] : memref<101000x64xf32, #tpu.memory_space<hbm>> -> memref<101000x64xf32, #tpu.memory_space<hbm>>
      tpu.enqueue_indirect_dma source(%dma_start3A_705 : memref<101000x64xf32, #tpu.memory_space<hbm>>) target(%dma_start3A_699 : memref<320x64xf32, #tpu.memory_space<vmem>>) offsets(%dma_start3A_702 : memref<320xi32, #tpu.memory_space<vmem>>) semaphore(%arg13 : memref<!tpu.dma_semaphore, #tpu.memory_space<semaphore_mem>>)
      %dma_start3A_706 = arith.constant 1 : i32
      %dma_start3A_707 = arith.constant 1 : i32
      %dma_start3A_708 = arith.constant 320 : i32
      %dma_start3A_709 = arith.constant 0 : i32
      %dma_start3A_710 = tpu.memref_slice %arg9[%dma_start3A_707, %dma_start3A_708, %dma_start3A_709] : memref<2x640x64xf32, #tpu.memory_space<vmem>> -> memref<1x320x64xf32, #tpu.memory_space<vmem>>
      %dma_start3A_711 = tpu.memref_squeeze %dma_start3A_710 : memref<1x320x64xf32, #tpu.memory_space<vmem>> -> memref<320x64xf32, #tpu.memory_space<vmem>>
      %dma_start3A_712 = arith.constant 320 : i32
      %dma_start3A_713 = tpu.memref_slice %arg8[%dma_start3A_706, %dma_start3A_712] : memref<2x640xi32, #tpu.memory_space<vmem>> -> memref<1x320xi32, #tpu.memory_space<vmem>>
      %dma_start3A_714 = tpu.memref_squeeze %dma_start3A_713 : memref<1x320xi32, #tpu.memory_space<vmem>> -> memref<320xi32, #tpu.memory_space<vmem>>
      %dma_start3A_715 = arith.constant 0 : i32
      %dma_start3A_716 = arith.constant 0 : i32
      %dma_start3A_717 = tpu.memref_slice %arg2[%dma_start3A_715, %dma_start3A_716] : memref<101000x64xf32, #tpu.memory_space<hbm>> -> memref<101000x64xf32, #tpu.memory_space<hbm>>
      tpu.enqueue_indirect_dma source(%dma_start3A_717 : memref<101000x64xf32, #tpu.memory_space<hbm>>) target(%dma_start3A_711 : memref<320x64xf32, #tpu.memory_space<vmem>>) offsets(%dma_start3A_714 : memref<320xi32, #tpu.memory_space<vmem>>) semaphore(%arg13 : memref<!tpu.dma_semaphore, #tpu.memory_space<semaphore_mem>>)
      %dma_wait3A_718 = arith.constant 0 : i32
      %dma_wait3A_719 = arith.constant 0 : i32
      %dma_wait3A_720 = arith.constant 0 : i32
      %dma_wait3A_721 = arith.constant 0 : i32
      %dma_wait3A_722 = tpu.memref_slice %arg9[%dma_wait3A_719, %dma_wait3A_720, %dma_wait3A_721] : memref<2x640x64xf32, #tpu.memory_space<vmem>> -> memref<1x320x64xf32, #tpu.memory_space<vmem>>
      %dma_wait3A_723 = tpu.memref_squeeze %dma_wait3A_722 : memref<1x320x64xf32, #tpu.memory_space<vmem>> -> memref<320x64xf32, #tpu.memory_space<vmem>>
      %dma_wait3A_724 = arith.constant 0 : i32
      %dma_wait3A_725 = tpu.memref_slice %arg8[%dma_wait3A_718, %dma_wait3A_724] : memref<2x640xi32, #tpu.memory_space<vmem>> -> memref<1x320xi32, #tpu.memory_space<vmem>>
      %dma_wait3A_726 = tpu.memref_squeeze %dma_wait3A_725 : memref<1x320xi32, #tpu.memory_space<vmem>> -> memref<320xi32, #tpu.memory_space<vmem>>
      %dma_wait3A_727 = arith.constant 0 : i32
      %dma_wait3A_728 = arith.constant 0 : i32
      %dma_wait3A_729 = tpu.memref_slice %arg2[%dma_wait3A_727, %dma_wait3A_728] : memref<101000x64xf32, #tpu.memory_space<hbm>> -> memref<101000x64xf32, #tpu.memory_space<hbm>>
      tpu.wait_indirect_dma semaphore(%arg12 : memref<!tpu.dma_semaphore, #tpu.memory_space<semaphore_mem>>) src(%dma_wait3A_729 : memref<101000x64xf32, #tpu.memory_space<hbm>>) dst(%dma_wait3A_723 : memref<320x64xf32, #tpu.memory_space<vmem>>)
      %dma_wait3A_730 = arith.constant 0 : i32
      %dma_wait3A_731 = arith.constant 0 : i32
      %dma_wait3A_732 = arith.constant 320 : i32
      %dma_wait3A_733 = arith.constant 0 : i32
      %dma_wait3A_734 = tpu.memref_slice %arg9[%dma_wait3A_731, %dma_wait3A_732, %dma_wait3A_733] : memref<2x640x64xf32, #tpu.memory_space<vmem>> -> memref<1x320x64xf32, #tpu.memory_space<vmem>>
      %dma_wait3A_735 = tpu.memref_squeeze %dma_wait3A_734 : memref<1x320x64xf32, #tpu.memory_space<vmem>> -> memref<320x64xf32, #tpu.memory_space<vmem>>
      %dma_wait3A_736 = arith.constant 320 : i32
      %dma_wait3A_737 = tpu.memref_slice %arg8[%dma_wait3A_730, %dma_wait3A_736] : memref<2x640xi32, #tpu.memory_space<vmem>> -> memref<1x320xi32, #tpu.memory_space<vmem>>
      %dma_wait3A_738 = tpu.memref_squeeze %dma_wait3A_737 : memref<1x320xi32, #tpu.memory_space<vmem>> -> memref<320xi32, #tpu.memory_space<vmem>>
      %dma_wait3A_739 = arith.constant 0 : i32
      %dma_wait3A_740 = arith.constant 0 : i32
      %dma_wait3A_741 = tpu.memref_slice %arg2[%dma_wait3A_739, %dma_wait3A_740] : memref<101000x64xf32, #tpu.memory_space<hbm>> -> memref<101000x64xf32, #tpu.memory_space<hbm>>
      tpu.wait_indirect_dma semaphore(%arg12 : memref<!tpu.dma_semaphore, #tpu.memory_space<semaphore_mem>>) src(%dma_wait3A_741 : memref<101000x64xf32, #tpu.memory_space<hbm>>) dst(%dma_wait3A_735 : memref<320x64xf32, #tpu.memory_space<vmem>>)
      %sub3A_742 = arith.constant 1 : i32
      %sub3A_743 = arith.subi %add3A_648, %sub3A_742 : i32
      %mul3A_744 = arith.constant 640 : i32
      %mul3A_745 = arith.muli %sub3A_743, %mul3A_744 : i32
      %add3A_746 = arith.addi %mul3A_2, %mul3A_745 : i32
      %dma_start3A_747 = arith.constant 0 : i32
      %dma_start3A_748 = arith.constant 0 : i32
      %dma_start3A_749 = arith.constant 0 : i32
      %dma_start3A_750 = tpu.memref_slice %arg9[%dma_start3A_747, %dma_start3A_748, %dma_start3A_749] : memref<2x640x64xf32, #tpu.memory_space<vmem>> -> memref<1x640x64xf32, #tpu.memory_space<vmem>>
      %dma_start3A_751 = tpu.memref_squeeze %dma_start3A_750 : memref<1x640x64xf32, #tpu.memory_space<vmem>> -> memref<640x64xf32, #tpu.memory_space<vmem>>
      %dma_start3A_752 = arith.constant 0 : i32
      %dma_start3A_753 = tpu.memref_slice %arg5[%add3A_746, %dma_start3A_752] : memref<1638400x64xf32, #tpu.memory_space<hbm>> -> memref<640x64xf32, #tpu.memory_space<hbm>>
      %dma_start3A_754 = arith.constant 0 : i32
      %dma_start3A_755 = tpu.memref_slice %arg5[%add3A_746, %dma_start3A_754] : memref<1638400x64xf32, #tpu.memory_space<hbm>> -> memref<640x64xf32, #tpu.memory_space<hbm>>
      %dma_start3A_756 = arith.constant 0 : i32
      %dma_start3A_757 = arith.constant 0 : i32
      %dma_start3A_758 = tpu.memref_slice %arg9[%dma_start3A_747, %dma_start3A_756, %dma_start3A_757] : memref<2x640x64xf32, #tpu.memory_space<vmem>> -> memref<1x640x64xf32, #tpu.memory_space<vmem>>
      %dma_start3A_759 = tpu.memref_squeeze %dma_start3A_758 : memref<1x640x64xf32, #tpu.memory_space<vmem>> -> memref<640x64xf32, #tpu.memory_space<vmem>>
      tpu.enqueue_dma source(%dma_start3A_759 : memref<640x64xf32, #tpu.memory_space<vmem>>) target(%dma_start3A_755 : memref<640x64xf32, #tpu.memory_space<hbm>>) target_semaphore(%arg14 : memref<!tpu.dma_semaphore, #tpu.memory_space<semaphore_mem>>)
      %add3A_760 = arith.constant 2 : i32
      %add3A_761 = arith.addi %add3A_648, %add3A_760 : i32
      %mul3A_762 = arith.constant 320 : i32
      %mul3A_763 = arith.muli %add3A_761, %mul3A_762 : i32
      %add3A_764 = arith.addi %mul3A_4, %mul3A_763 : i32
      %dma_start3A_765 = arith.constant 1 : i32
      %dma_start3A_766 = arith.constant 0 : i32
      %dma_start3A_767 = tpu.memref_slice %arg6[%dma_start3A_765, %dma_start3A_766] : memref<2x320xi32, #tpu.memory_space<vmem>> -> memref<1x320xi32, #tpu.memory_space<vmem>>
      %dma_start3A_768 = tpu.memref_squeeze %dma_start3A_767 : memref<1x320xi32, #tpu.memory_space<vmem>> -> memref<320xi32, #tpu.memory_space<vmem>>
      %dma_start3A_769 = tpu.memref_slice %arg3[%add3A_764] : memref<819200xi32, #tpu.memory_space<hbm>> -> memref<320xi32, #tpu.memory_space<hbm>>
      %dma_start3A_770 = arith.constant 0 : i32
      %dma_start3A_771 = tpu.memref_slice %arg6[%dma_start3A_765, %dma_start3A_770] : memref<2x320xi32, #tpu.memory_space<vmem>> -> memref<1x320xi32, #tpu.memory_space<vmem>>
      %dma_start3A_772 = tpu.memref_squeeze %dma_start3A_771 : memref<1x320xi32, #tpu.memory_space<vmem>> -> memref<320xi32, #tpu.memory_space<vmem>>
      %dma_start3A_773 = tpu.memref_slice %arg3[%add3A_764] : memref<819200xi32, #tpu.memory_space<hbm>> -> memref<320xi32, #tpu.memory_space<hbm>>
      tpu.enqueue_dma source(%dma_start3A_773 : memref<320xi32, #tpu.memory_space<hbm>>) target(%dma_start3A_772 : memref<320xi32, #tpu.memory_space<vmem>>) target_semaphore(%arg11 : memref<!tpu.dma_semaphore, #tpu.memory_space<semaphore_mem>>)
      %dma_start3A_774 = arith.constant 1 : i32
      %dma_start3A_775 = arith.constant 0 : i32
      %dma_start3A_776 = tpu.memref_slice %arg7[%dma_start3A_774, %dma_start3A_775] : memref<2x320xi32, #tpu.memory_space<vmem>> -> memref<1x320xi32, #tpu.memory_space<vmem>>
      %dma_start3A_777 = tpu.memref_squeeze %dma_start3A_776 : memref<1x320xi32, #tpu.memory_space<vmem>> -> memref<320xi32, #tpu.memory_space<vmem>>
      %dma_start3A_778 = tpu.memref_slice %arg4[%add3A_764] : memref<819200xi32, #tpu.memory_space<hbm>> -> memref<320xi32, #tpu.memory_space<hbm>>
      %dma_start3A_779 = arith.constant 0 : i32
      %dma_start3A_780 = tpu.memref_slice %arg7[%dma_start3A_774, %dma_start3A_779] : memref<2x320xi32, #tpu.memory_space<vmem>> -> memref<1x320xi32, #tpu.memory_space<vmem>>
      %dma_start3A_781 = tpu.memref_squeeze %dma_start3A_780 : memref<1x320xi32, #tpu.memory_space<vmem>> -> memref<320xi32, #tpu.memory_space<vmem>>
      %dma_start3A_782 = tpu.memref_slice %arg4[%add3A_764] : memref<819200xi32, #tpu.memory_space<hbm>> -> memref<320xi32, #tpu.memory_space<hbm>>
      tpu.enqueue_dma source(%dma_start3A_782 : memref<320xi32, #tpu.memory_space<hbm>>) target(%dma_start3A_781 : memref<320xi32, #tpu.memory_space<vmem>>) target_semaphore(%arg11 : memref<!tpu.dma_semaphore, #tpu.memory_space<semaphore_mem>>)
    }
    %scan3A_229 = arith.constant 38 : i32
    %add3A_230 = arith.constant 48640 : i32
    %add3A_231 = arith.addi %mul3A_2, %add3A_230 : i32
    %dma_wait3A_232 = arith.constant 0 : i32
    %dma_wait3A_233 = arith.constant 0 : i32
    %dma_wait3A_234 = arith.constant 0 : i32
    %dma_wait3A_235 = tpu.memref_slice %arg9[%dma_wait3A_232, %dma_wait3A_233, %dma_wait3A_234] : memref<2x640x64xf32, #tpu.memory_space<vmem>> -> memref<1x640x64xf32, #tpu.memory_space<vmem>>
    %dma_wait3A_236 = tpu.memref_squeeze %dma_wait3A_235 : memref<1x640x64xf32, #tpu.memory_space<vmem>> -> memref<640x64xf32, #tpu.memory_space<vmem>>
    %dma_wait3A_237 = arith.constant 0 : i32
    %dma_wait3A_238 = tpu.memref_slice %arg5[%add3A_231, %dma_wait3A_237] : memref<1638400x64xf32, #tpu.memory_space<hbm>> -> memref<640x64xf32, #tpu.memory_space<hbm>>
    %dma_wait3A_239 = arith.constant 0 : i32
    %dma_wait3A_240 = tpu.memref_slice %arg5[%add3A_231, %dma_wait3A_239] : memref<1638400x64xf32, #tpu.memory_space<hbm>> -> memref<640x64xf32, #tpu.memory_space<hbm>>
    %dma_wait3A_241 = arith.constant 0 : i32
    %dma_wait3A_242 = arith.constant 0 : i32
    %dma_wait3A_243 = tpu.memref_slice %arg9[%dma_wait3A_232, %dma_wait3A_241, %dma_wait3A_242] : memref<2x640x64xf32, #tpu.memory_space<vmem>> -> memref<1x640x64xf32, #tpu.memory_space<vmem>>
    %dma_wait3A_244 = tpu.memref_squeeze %dma_wait3A_243 : memref<1x640x64xf32, #tpu.memory_space<vmem>> -> memref<640x64xf32, #tpu.memory_space<vmem>>
    tpu.wait_dma2 semaphore(%arg14 : memref<!tpu.dma_semaphore, #tpu.memory_space<semaphore_mem>>) src(%dma_wait3A_244 : memref<640x64xf32, #tpu.memory_space<vmem>>) dst(%dma_wait3A_240 : memref<640x64xf32, #tpu.memory_space<hbm>>)
    %add3A_245 = arith.constant 24960 : i32
    %add3A_246 = arith.addi %mul3A_4, %add3A_245 : i32
    %dma_wait3A_247 = arith.constant 0 : i32
    %dma_wait3A_248 = arith.constant 0 : i32
    %dma_wait3A_249 = tpu.memref_slice %arg6[%dma_wait3A_247, %dma_wait3A_248] : memref<2x320xi32, #tpu.memory_space<vmem>> -> memref<1x320xi32, #tpu.memory_space<vmem>>
    %dma_wait3A_250 = tpu.memref_squeeze %dma_wait3A_249 : memref<1x320xi32, #tpu.memory_space<vmem>> -> memref<320xi32, #tpu.memory_space<vmem>>
    %dma_wait3A_251 = tpu.memref_slice %arg3[%add3A_246] : memref<819200xi32, #tpu.memory_space<hbm>> -> memref<320xi32, #tpu.memory_space<hbm>>
    %dma_wait3A_252 = arith.constant 0 : i32
    %dma_wait3A_253 = tpu.memref_slice %arg6[%dma_wait3A_247, %dma_wait3A_252] : memref<2x320xi32, #tpu.memory_space<vmem>> -> memref<1x320xi32, #tpu.memory_space<vmem>>
    %dma_wait3A_254 = tpu.memref_squeeze %dma_wait3A_253 : memref<1x320xi32, #tpu.memory_space<vmem>> -> memref<320xi32, #tpu.memory_space<vmem>>
    %dma_wait3A_255 = tpu.memref_slice %arg3[%add3A_246] : memref<819200xi32, #tpu.memory_space<hbm>> -> memref<320xi32, #tpu.memory_space<hbm>>
    tpu.wait_dma2 semaphore(%arg10 : memref<!tpu.dma_semaphore, #tpu.memory_space<semaphore_mem>>) src(%dma_wait3A_255 : memref<320xi32, #tpu.memory_space<hbm>>) dst(%dma_wait3A_254 : memref<320xi32, #tpu.memory_space<vmem>>)
    %dma_wait3A_256 = arith.constant 0 : i32
    %dma_wait3A_257 = arith.constant 0 : i32
    %dma_wait3A_258 = tpu.memref_slice %arg7[%dma_wait3A_256, %dma_wait3A_257] : memref<2x320xi32, #tpu.memory_space<vmem>> -> memref<1x320xi32, #tpu.memory_space<vmem>>
    %dma_wait3A_259 = tpu.memref_squeeze %dma_wait3A_258 : memref<1x320xi32, #tpu.memory_space<vmem>> -> memref<320xi32, #tpu.memory_space<vmem>>
    %dma_wait3A_260 = tpu.memref_slice %arg4[%add3A_246] : memref<819200xi32, #tpu.memory_space<hbm>> -> memref<320xi32, #tpu.memory_space<hbm>>
    %dma_wait3A_261 = arith.constant 0 : i32
    %dma_wait3A_262 = tpu.memref_slice %arg7[%dma_wait3A_256, %dma_wait3A_261] : memref<2x320xi32, #tpu.memory_space<vmem>> -> memref<1x320xi32, #tpu.memory_space<vmem>>
    %dma_wait3A_263 = tpu.memref_squeeze %dma_wait3A_262 : memref<1x320xi32, #tpu.memory_space<vmem>> -> memref<320xi32, #tpu.memory_space<vmem>>
    %dma_wait3A_264 = tpu.memref_slice %arg4[%add3A_246] : memref<819200xi32, #tpu.memory_space<hbm>> -> memref<320xi32, #tpu.memory_space<hbm>>
    tpu.wait_dma2 semaphore(%arg10 : memref<!tpu.dma_semaphore, #tpu.memory_space<semaphore_mem>>) src(%dma_wait3A_264 : memref<320xi32, #tpu.memory_space<hbm>>) dst(%dma_wait3A_263 : memref<320xi32, #tpu.memory_space<vmem>>)
    %scan3A_265 = arith.constant 0 : i32
    %scan3A_266 = arith.constant 0 : i32
    %scan3A_267 = arith.constant 20 : i32
    %scan3A_268 = arith.addi %scan3A_266, %scan3A_267 : i32
    %scan3A_269 = arith.constant 1 : i32
    scf.for %scan3A_507 = %scan3A_266 to %scan3A_268 step %scan3A_269  : i32 {
      %mul3A_508 = arith.constant 16 : i32
      %mul3A_509 = arith.muli %scan3A_507, %mul3A_508 : i32
      %get3A = arith.constant 0 : i32
      %get3A_510 = arith.index_cast %get3A : i32 to index
      %get3A_511 = arith.index_cast %mul3A_509 : i32 to index
      %get3A_512 = tpu.vector_load %arg6[%get3A_510, %get3A_511] {strides = array<i32>} : memref<2x320xi32, #tpu.memory_space<vmem>>, vector<16xi32>,
      %add3A_513 = arith.constant 100000 : i32
      %add3A_514 = vector.broadcast %add3A_513 : i32 to vector<16xi32>
      %add3A_515 = arith.addi %get3A_512, %add3A_514 : vector<16xi32>
      %mul3A_516 = arith.constant 16 : i32
      %mul3A_517 = arith.muli %scan3A_507, %mul3A_516 : i32
      %get3A_518 = arith.constant 0 : i32
      %get3A_519 = arith.index_cast %get3A_518 : i32 to index
      %get3A_520 = arith.index_cast %mul3A_517 : i32 to index
      %get3A_521 = tpu.vector_load %arg7[%get3A_519, %get3A_520] {strides = array<i32>} : memref<2x320xi32, #tpu.memory_space<vmem>>, vector<16xi32>,
      %mul3A_522 = arith.constant 32 : i32
      %mul3A_523 = arith.muli %scan3A_507, %mul3A_522 : i32
      %add3A_524 = vector.broadcast %mul3A_523 : i32 to vector<16xi32>
      %add3A_525 = arith.addi %mul3A_7, %add3A_524 : vector<16xi32>
      %scatter3A = arith.constant 0 : i32
      %scatter3A_526 = arith.constant 0 : i32
      %scatter3A_527 = tpu.memref_slice %arg8[%scatter3A, %scatter3A_526] : memref<2x640xi32, #tpu.memory_space<vmem>> -> memref<1x640xi32, #tpu.memory_space<vmem>>
      %scatter3A_528 = tpu.memref_squeeze %scatter3A_527 : memref<1x640xi32, #tpu.memory_space<vmem>> -> memref<640xi32, #tpu.memory_space<vmem>>
      tpu.vector_store_idx %scatter3A_528[%add3A_525], %add3A_515 : memref<640xi32, #tpu.memory_space<vmem>>[vector<16xi32>], vector<16xi32>,
      %add3A_529 = arith.constant 1 : i32
      %add3A_530 = vector.broadcast %add3A_529 : i32 to vector<16xi32>
      %add3A_531 = arith.addi %add3A_525, %add3A_530 : vector<16xi32>
      %scatter3A_532 = arith.constant 0 : i32
      %scatter3A_533 = arith.constant 0 : i32
      %scatter3A_534 = tpu.memref_slice %arg8[%scatter3A_532, %scatter3A_533] : memref<2x640xi32, #tpu.memory_space<vmem>> -> memref<1x640xi32, #tpu.memory_space<vmem>>
      %scatter3A_535 = tpu.memref_squeeze %scatter3A_534 : memref<1x640xi32, #tpu.memory_space<vmem>> -> memref<640xi32, #tpu.memory_space<vmem>>
      tpu.vector_store_idx %scatter3A_535[%add3A_531], %get3A_521 : memref<640xi32, #tpu.memory_space<vmem>>[vector<16xi32>], vector<16xi32>,
    }
    %scan3A_270 = arith.constant 20 : i32
    %dma_start3A_271 = arith.constant 0 : i32
    %dma_start3A_272 = arith.constant 0 : i32
    %dma_start3A_273 = arith.constant 0 : i32
    %dma_start3A_274 = arith.constant 0 : i32
    %dma_start3A_275 = tpu.memref_slice %arg9[%dma_start3A_272, %dma_start3A_273, %dma_start3A_274] : memref<2x640x64xf32, #tpu.memory_space<vmem>> -> memref<1x320x64xf32, #tpu.memory_space<vmem>>
    %dma_start3A_276 = tpu.memref_squeeze %dma_start3A_275 : memref<1x320x64xf32, #tpu.memory_space<vmem>> -> memref<320x64xf32, #tpu.memory_space<vmem>>
    %dma_start3A_277 = arith.constant 0 : i32
    %dma_start3A_278 = tpu.memref_slice %arg8[%dma_start3A_271, %dma_start3A_277] : memref<2x640xi32, #tpu.memory_space<vmem>> -> memref<1x320xi32, #tpu.memory_space<vmem>>
    %dma_start3A_279 = tpu.memref_squeeze %dma_start3A_278 : memref<1x320xi32, #tpu.memory_space<vmem>> -> memref<320xi32, #tpu.memory_space<vmem>>
    %dma_start3A_280 = arith.constant 0 : i32
    %dma_start3A_281 = arith.constant 0 : i32
    %dma_start3A_282 = tpu.memref_slice %arg2[%dma_start3A_280, %dma_start3A_281] : memref<101000x64xf32, #tpu.memory_space<hbm>> -> memref<101000x64xf32, #tpu.memory_space<hbm>>
    tpu.enqueue_indirect_dma source(%dma_start3A_282 : memref<101000x64xf32, #tpu.memory_space<hbm>>) target(%dma_start3A_276 : memref<320x64xf32, #tpu.memory_space<vmem>>) offsets(%dma_start3A_279 : memref<320xi32, #tpu.memory_space<vmem>>) semaphore(%arg12 : memref<!tpu.dma_semaphore, #tpu.memory_space<semaphore_mem>>)
    %dma_start3A_283 = arith.constant 0 : i32
    %dma_start3A_284 = arith.constant 0 : i32
    %dma_start3A_285 = arith.constant 320 : i32
    %dma_start3A_286 = arith.constant 0 : i32
    %dma_start3A_287 = tpu.memref_slice %arg9[%dma_start3A_284, %dma_start3A_285, %dma_start3A_286] : memref<2x640x64xf32, #tpu.memory_space<vmem>> -> memref<1x320x64xf32, #tpu.memory_space<vmem>>
    %dma_start3A_288 = tpu.memref_squeeze %dma_start3A_287 : memref<1x320x64xf32, #tpu.memory_space<vmem>> -> memref<320x64xf32, #tpu.memory_space<vmem>>
    %dma_start3A_289 = arith.constant 320 : i32
    %dma_start3A_290 = tpu.memref_slice %arg8[%dma_start3A_283, %dma_start3A_289] : memref<2x640xi32, #tpu.memory_space<vmem>> -> memref<1x320xi32, #tpu.memory_space<vmem>>
    %dma_start3A_291 = tpu.memref_squeeze %dma_start3A_290 : memref<1x320xi32, #tpu.memory_space<vmem>> -> memref<320xi32, #tpu.memory_space<vmem>>
    %dma_start3A_292 = arith.constant 0 : i32
    %dma_start3A_293 = arith.constant 0 : i32
    %dma_start3A_294 = tpu.memref_slice %arg2[%dma_start3A_292, %dma_start3A_293] : memref<101000x64xf32, #tpu.memory_space<hbm>> -> memref<101000x64xf32, #tpu.memory_space<hbm>>
    tpu.enqueue_indirect_dma source(%dma_start3A_294 : memref<101000x64xf32, #tpu.memory_space<hbm>>) target(%dma_start3A_288 : memref<320x64xf32, #tpu.memory_space<vmem>>) offsets(%dma_start3A_291 : memref<320xi32, #tpu.memory_space<vmem>>) semaphore(%arg12 : memref<!tpu.dma_semaphore, #tpu.memory_space<semaphore_mem>>)
    %dma_wait3A_295 = arith.constant 1 : i32
    %dma_wait3A_296 = arith.constant 1 : i32
    %dma_wait3A_297 = arith.constant 0 : i32
    %dma_wait3A_298 = arith.constant 0 : i32
    %dma_wait3A_299 = tpu.memref_slice %arg9[%dma_wait3A_296, %dma_wait3A_297, %dma_wait3A_298] : memref<2x640x64xf32, #tpu.memory_space<vmem>> -> memref<1x320x64xf32, #tpu.memory_space<vmem>>
    %dma_wait3A_300 = tpu.memref_squeeze %dma_wait3A_299 : memref<1x320x64xf32, #tpu.memory_space<vmem>> -> memref<320x64xf32, #tpu.memory_space<vmem>>
    %dma_wait3A_301 = arith.constant 0 : i32
    %dma_wait3A_302 = tpu.memref_slice %arg8[%dma_wait3A_295, %dma_wait3A_301] : memref<2x640xi32, #tpu.memory_space<vmem>> -> memref<1x320xi32, #tpu.memory_space<vmem>>
    %dma_wait3A_303 = tpu.memref_squeeze %dma_wait3A_302 : memref<1x320xi32, #tpu.memory_space<vmem>> -> memref<320xi32, #tpu.memory_space<vmem>>
    %dma_wait3A_304 = arith.constant 0 : i32
    %dma_wait3A_305 = arith.constant 0 : i32
    %dma_wait3A_306 = tpu.memref_slice %arg2[%dma_wait3A_304, %dma_wait3A_305] : memref<101000x64xf32, #tpu.memory_space<hbm>> -> memref<101000x64xf32, #tpu.memory_space<hbm>>
    tpu.wait_indirect_dma semaphore(%arg13 : memref<!tpu.dma_semaphore, #tpu.memory_space<semaphore_mem>>) src(%dma_wait3A_306 : memref<101000x64xf32, #tpu.memory_space<hbm>>) dst(%dma_wait3A_300 : memref<320x64xf32, #tpu.memory_space<vmem>>)
    %dma_wait3A_307 = arith.constant 1 : i32
    %dma_wait3A_308 = arith.constant 1 : i32
    %dma_wait3A_309 = arith.constant 320 : i32
    %dma_wait3A_310 = arith.constant 0 : i32
    %dma_wait3A_311 = tpu.memref_slice %arg9[%dma_wait3A_308, %dma_wait3A_309, %dma_wait3A_310] : memref<2x640x64xf32, #tpu.memory_space<vmem>> -> memref<1x320x64xf32, #tpu.memory_space<vmem>>
    %dma_wait3A_312 = tpu.memref_squeeze %dma_wait3A_311 : memref<1x320x64xf32, #tpu.memory_space<vmem>> -> memref<320x64xf32, #tpu.memory_space<vmem>>
    %dma_wait3A_313 = arith.constant 320 : i32
    %dma_wait3A_314 = tpu.memref_slice %arg8[%dma_wait3A_307, %dma_wait3A_313] : memref<2x640xi32, #tpu.memory_space<vmem>> -> memref<1x320xi32, #tpu.memory_space<vmem>>
    %dma_wait3A_315 = tpu.memref_squeeze %dma_wait3A_314 : memref<1x320xi32, #tpu.memory_space<vmem>> -> memref<320xi32, #tpu.memory_space<vmem>>
    %dma_wait3A_316 = arith.constant 0 : i32
    %dma_wait3A_317 = arith.constant 0 : i32
    %dma_wait3A_318 = tpu.memref_slice %arg2[%dma_wait3A_316, %dma_wait3A_317] : memref<101000x64xf32, #tpu.memory_space<hbm>> -> memref<101000x64xf32, #tpu.memory_space<hbm>>
    tpu.wait_indirect_dma semaphore(%arg13 : memref<!tpu.dma_semaphore, #tpu.memory_space<semaphore_mem>>) src(%dma_wait3A_318 : memref<101000x64xf32, #tpu.memory_space<hbm>>) dst(%dma_wait3A_312 : memref<320x64xf32, #tpu.memory_space<vmem>>)
    %add3A_319 = arith.constant 49280 : i32
    %add3A_320 = arith.addi %mul3A_2, %add3A_319 : i32
    %dma_start3A_321 = arith.constant 1 : i32
    %dma_start3A_322 = arith.constant 0 : i32
    %dma_start3A_323 = arith.constant 0 : i32
    %dma_start3A_324 = tpu.memref_slice %arg9[%dma_start3A_321, %dma_start3A_322, %dma_start3A_323] : memref<2x640x64xf32, #tpu.memory_space<vmem>> -> memref<1x640x64xf32, #tpu.memory_space<vmem>>
    %dma_start3A_325 = tpu.memref_squeeze %dma_start3A_324 : memref<1x640x64xf32, #tpu.memory_space<vmem>> -> memref<640x64xf32, #tpu.memory_space<vmem>>
    %dma_start3A_326 = arith.constant 0 : i32
    %dma_start3A_327 = tpu.memref_slice %arg5[%add3A_320, %dma_start3A_326] : memref<1638400x64xf32, #tpu.memory_space<hbm>> -> memref<640x64xf32, #tpu.memory_space<hbm>>
    %dma_start3A_328 = arith.constant 0 : i32
    %dma_start3A_329 = tpu.memref_slice %arg5[%add3A_320, %dma_start3A_328] : memref<1638400x64xf32, #tpu.memory_space<hbm>> -> memref<640x64xf32, #tpu.memory_space<hbm>>
    %dma_start3A_330 = arith.constant 0 : i32
    %dma_start3A_331 = arith.constant 0 : i32
    %dma_start3A_332 = tpu.memref_slice %arg9[%dma_start3A_321, %dma_start3A_330, %dma_start3A_331] : memref<2x640x64xf32, #tpu.memory_space<vmem>> -> memref<1x640x64xf32, #tpu.memory_space<vmem>>
    %dma_start3A_333 = tpu.memref_squeeze %dma_start3A_332 : memref<1x640x64xf32, #tpu.memory_space<vmem>> -> memref<640x64xf32, #tpu.memory_space<vmem>>
    tpu.enqueue_dma source(%dma_start3A_333 : memref<640x64xf32, #tpu.memory_space<vmem>>) target(%dma_start3A_329 : memref<640x64xf32, #tpu.memory_space<hbm>>) target_semaphore(%arg15 : memref<!tpu.dma_semaphore, #tpu.memory_space<semaphore_mem>>)
    %add3A_334 = arith.constant 49280 : i32
    %add3A_335 = arith.addi %mul3A_2, %add3A_334 : i32
    %dma_wait3A_336 = arith.constant 1 : i32
    %dma_wait3A_337 = arith.constant 0 : i32
    %dma_wait3A_338 = arith.constant 0 : i32
    %dma_wait3A_339 = tpu.memref_slice %arg9[%dma_wait3A_336, %dma_wait3A_337, %dma_wait3A_338] : memref<2x640x64xf32, #tpu.memory_space<vmem>> -> memref<1x640x64xf32, #tpu.memory_space<vmem>>
    %dma_wait3A_340 = tpu.memref_squeeze %dma_wait3A_339 : memref<1x640x64xf32, #tpu.memory_space<vmem>> -> memref<640x64xf32, #tpu.memory_space<vmem>>
    %dma_wait3A_341 = arith.constant 0 : i32
    %dma_wait3A_342 = tpu.memref_slice %arg5[%add3A_335, %dma_wait3A_341] : memref<1638400x64xf32, #tpu.memory_space<hbm>> -> memref<640x64xf32, #tpu.memory_space<hbm>>
    %dma_wait3A_343 = arith.constant 0 : i32
    %dma_wait3A_344 = tpu.memref_slice %arg5[%add3A_335, %dma_wait3A_343] : memref<1638400x64xf32, #tpu.memory_space<hbm>> -> memref<640x64xf32, #tpu.memory_space<hbm>>
    %dma_wait3A_345 = arith.constant 0 : i32
    %dma_wait3A_346 = arith.constant 0 : i32
    %dma_wait3A_347 = tpu.memref_slice %arg9[%dma_wait3A_336, %dma_wait3A_345, %dma_wait3A_346] : memref<2x640x64xf32, #tpu.memory_space<vmem>> -> memref<1x640x64xf32, #tpu.memory_space<vmem>>
    %dma_wait3A_348 = tpu.memref_squeeze %dma_wait3A_347 : memref<1x640x64xf32, #tpu.memory_space<vmem>> -> memref<640x64xf32, #tpu.memory_space<vmem>>
    tpu.wait_dma2 semaphore(%arg15 : memref<!tpu.dma_semaphore, #tpu.memory_space<semaphore_mem>>) src(%dma_wait3A_348 : memref<640x64xf32, #tpu.memory_space<vmem>>) dst(%dma_wait3A_344 : memref<640x64xf32, #tpu.memory_space<hbm>>)
    %add3A_349 = arith.constant 25280 : i32
    %add3A_350 = arith.addi %mul3A_4, %add3A_349 : i32
    %dma_wait3A_351 = arith.constant 1 : i32
    %dma_wait3A_352 = arith.constant 0 : i32
    %dma_wait3A_353 = tpu.memref_slice %arg6[%dma_wait3A_351, %dma_wait3A_352] : memref<2x320xi32, #tpu.memory_space<vmem>> -> memref<1x320xi32, #tpu.memory_space<vmem>>
    %dma_wait3A_354 = tpu.memref_squeeze %dma_wait3A_353 : memref<1x320xi32, #tpu.memory_space<vmem>> -> memref<320xi32, #tpu.memory_space<vmem>>
    %dma_wait3A_355 = tpu.memref_slice %arg3[%add3A_350] : memref<819200xi32, #tpu.memory_space<hbm>> -> memref<320xi32, #tpu.memory_space<hbm>>
    %dma_wait3A_356 = arith.constant 0 : i32
    %dma_wait3A_357 = tpu.memref_slice %arg6[%dma_wait3A_351, %dma_wait3A_356] : memref<2x320xi32, #tpu.memory_space<vmem>> -> memref<1x320xi32, #tpu.memory_space<vmem>>
    %dma_wait3A_358 = tpu.memref_squeeze %dma_wait3A_357 : memref<1x320xi32, #tpu.memory_space<vmem>> -> memref<320xi32, #tpu.memory_space<vmem>>
    %dma_wait3A_359 = tpu.memref_slice %arg3[%add3A_350] : memref<819200xi32, #tpu.memory_space<hbm>> -> memref<320xi32, #tpu.memory_space<hbm>>
    tpu.wait_dma2 semaphore(%arg11 : memref<!tpu.dma_semaphore, #tpu.memory_space<semaphore_mem>>) src(%dma_wait3A_359 : memref<320xi32, #tpu.memory_space<hbm>>) dst(%dma_wait3A_358 : memref<320xi32, #tpu.memory_space<vmem>>)
    %dma_wait3A_360 = arith.constant 1 : i32
    %dma_wait3A_361 = arith.constant 0 : i32
    %dma_wait3A_362 = tpu.memref_slice %arg7[%dma_wait3A_360, %dma_wait3A_361] : memref<2x320xi32, #tpu.memory_space<vmem>> -> memref<1x320xi32, #tpu.memory_space<vmem>>
    %dma_wait3A_363 = tpu.memref_squeeze %dma_wait3A_362 : memref<1x320xi32, #tpu.memory_space<vmem>> -> memref<320xi32, #tpu.memory_space<vmem>>
    %dma_wait3A_364 = tpu.memref_slice %arg4[%add3A_350] : memref<819200xi32, #tpu.memory_space<hbm>> -> memref<320xi32, #tpu.memory_space<hbm>>
    %dma_wait3A_365 = arith.constant 0 : i32
    %dma_wait3A_366 = tpu.memref_slice %arg7[%dma_wait3A_360, %dma_wait3A_365] : memref<2x320xi32, #tpu.memory_space<vmem>> -> memref<1x320xi32, #tpu.memory_space<vmem>>
    %dma_wait3A_367 = tpu.memref_squeeze %dma_wait3A_366 : memref<1x320xi32, #tpu.memory_space<vmem>> -> memref<320xi32, #tpu.memory_space<vmem>>
    %dma_wait3A_368 = tpu.memref_slice %arg4[%add3A_350] : memref<819200xi32, #tpu.memory_space<hbm>> -> memref<320xi32, #tpu.memory_space<hbm>>
    tpu.wait_dma2 semaphore(%arg11 : memref<!tpu.dma_semaphore, #tpu.memory_space<semaphore_mem>>) src(%dma_wait3A_368 : memref<320xi32, #tpu.memory_space<hbm>>) dst(%dma_wait3A_367 : memref<320xi32, #tpu.memory_space<vmem>>)
    %scan3A_369 = arith.constant 0 : i32
    %scan3A_370 = arith.constant 0 : i32
    %scan3A_371 = arith.constant 20 : i32
    %scan3A_372 = arith.addi %scan3A_370, %scan3A_371 : i32
    %scan3A_373 = arith.constant 1 : i32
    scf.for %scan3A_507 = %scan3A_370 to %scan3A_372 step %scan3A_373  : i32 {
      %mul3A_508 = arith.constant 16 : i32
      %mul3A_509 = arith.muli %scan3A_507, %mul3A_508 : i32
      %get3A = arith.constant 1 : i32
      %get3A_510 = arith.index_cast %get3A : i32 to index
      %get3A_511 = arith.index_cast %mul3A_509 : i32 to index
      %get3A_512 = tpu.vector_load %arg6[%get3A_510, %get3A_511] {strides = array<i32>} : memref<2x320xi32, #tpu.memory_space<vmem>>, vector<16xi32>,
      %add3A_513 = arith.constant 100000 : i32
      %add3A_514 = vector.broadcast %add3A_513 : i32 to vector<16xi32>
      %add3A_515 = arith.addi %get3A_512, %add3A_514 : vector<16xi32>
      %mul3A_516 = arith.constant 16 : i32
      %mul3A_517 = arith.muli %scan3A_507, %mul3A_516 : i32
      %get3A_518 = arith.constant 1 : i32
      %get3A_519 = arith.index_cast %get3A_518 : i32 to index
      %get3A_520 = arith.index_cast %mul3A_517 : i32 to index
      %get3A_521 = tpu.vector_load %arg7[%get3A_519, %get3A_520] {strides = array<i32>} : memref<2x320xi32, #tpu.memory_space<vmem>>, vector<16xi32>,
      %mul3A_522 = arith.constant 32 : i32
      %mul3A_523 = arith.muli %scan3A_507, %mul3A_522 : i32
      %add3A_524 = vector.broadcast %mul3A_523 : i32 to vector<16xi32>
      %add3A_525 = arith.addi %mul3A_7, %add3A_524 : vector<16xi32>
      %scatter3A = arith.constant 1 : i32
      %scatter3A_526 = arith.constant 0 : i32
      %scatter3A_527 = tpu.memref_slice %arg8[%scatter3A, %scatter3A_526] : memref<2x640xi32, #tpu.memory_space<vmem>> -> memref<1x640xi32, #tpu.memory_space<vmem>>
      %scatter3A_528 = tpu.memref_squeeze %scatter3A_527 : memref<1x640xi32, #tpu.memory_space<vmem>> -> memref<640xi32, #tpu.memory_space<vmem>>
      tpu.vector_store_idx %scatter3A_528[%add3A_525], %add3A_515 : memref<640xi32, #tpu.memory_space<vmem>>[vector<16xi32>], vector<16xi32>,
      %add3A_529 = arith.constant 1 : i32
      %add3A_530 = vector.broadcast %add3A_529 : i32 to vector<16xi32>
      %add3A_531 = arith.addi %add3A_525, %add3A_530 : vector<16xi32>
      %scatter3A_532 = arith.constant 1 : i32
      %scatter3A_533 = arith.constant 0 : i32
      %scatter3A_534 = tpu.memref_slice %arg8[%scatter3A_532, %scatter3A_533] : memref<2x640xi32, #tpu.memory_space<vmem>> -> memref<1x640xi32, #tpu.memory_space<vmem>>
      %scatter3A_535 = tpu.memref_squeeze %scatter3A_534 : memref<1x640xi32, #tpu.memory_space<vmem>> -> memref<640xi32, #tpu.memory_space<vmem>>
      tpu.vector_store_idx %scatter3A_535[%add3A_531], %get3A_521 : memref<640xi32, #tpu.memory_space<vmem>>[vector<16xi32>], vector<16xi32>,
    }
    %scan3A_374 = arith.constant 20 : i32
    %dma_start3A_375 = arith.constant 1 : i32
    %dma_start3A_376 = arith.constant 1 : i32
    %dma_start3A_377 = arith.constant 0 : i32
    %dma_start3A_378 = arith.constant 0 : i32
    %dma_start3A_379 = tpu.memref_slice %arg9[%dma_start3A_376, %dma_start3A_377, %dma_start3A_378] : memref<2x640x64xf32, #tpu.memory_space<vmem>> -> memref<1x320x64xf32, #tpu.memory_space<vmem>>
    %dma_start3A_380 = tpu.memref_squeeze %dma_start3A_379 : memref<1x320x64xf32, #tpu.memory_space<vmem>> -> memref<320x64xf32, #tpu.memory_space<vmem>>
    %dma_start3A_381 = arith.constant 0 : i32
    %dma_start3A_382 = tpu.memref_slice %arg8[%dma_start3A_375, %dma_start3A_381] : memref<2x640xi32, #tpu.memory_space<vmem>> -> memref<1x320xi32, #tpu.memory_space<vmem>>
    %dma_start3A_383 = tpu.memref_squeeze %dma_start3A_382 : memref<1x320xi32, #tpu.memory_space<vmem>> -> memref<320xi32, #tpu.memory_space<vmem>>
    %dma_start3A_384 = arith.constant 0 : i32
    %dma_start3A_385 = arith.constant 0 : i32
    %dma_start3A_386 = tpu.memref_slice %arg2[%dma_start3A_384, %dma_start3A_385] : memref<101000x64xf32, #tpu.memory_space<hbm>> -> memref<101000x64xf32, #tpu.memory_space<hbm>>
    tpu.enqueue_indirect_dma source(%dma_start3A_386 : memref<101000x64xf32, #tpu.memory_space<hbm>>) target(%dma_start3A_380 : memref<320x64xf32, #tpu.memory_space<vmem>>) offsets(%dma_start3A_383 : memref<320xi32, #tpu.memory_space<vmem>>) semaphore(%arg13 : memref<!tpu.dma_semaphore, #tpu.memory_space<semaphore_mem>>)
    %dma_start3A_387 = arith.constant 1 : i32
    %dma_start3A_388 = arith.constant 1 : i32
    %dma_start3A_389 = arith.constant 320 : i32
    %dma_start3A_390 = arith.constant 0 : i32
    %dma_start3A_391 = tpu.memref_slice %arg9[%dma_start3A_388, %dma_start3A_389, %dma_start3A_390] : memref<2x640x64xf32, #tpu.memory_space<vmem>> -> memref<1x320x64xf32, #tpu.memory_space<vmem>>
    %dma_start3A_392 = tpu.memref_squeeze %dma_start3A_391 : memref<1x320x64xf32, #tpu.memory_space<vmem>> -> memref<320x64xf32, #tpu.memory_space<vmem>>
    %dma_start3A_393 = arith.constant 320 : i32
    %dma_start3A_394 = tpu.memref_slice %arg8[%dma_start3A_387, %dma_start3A_393] : memref<2x640xi32, #tpu.memory_space<vmem>> -> memref<1x320xi32, #tpu.memory_space<vmem>>
    %dma_start3A_395 = tpu.memref_squeeze %dma_start3A_394 : memref<1x320xi32, #tpu.memory_space<vmem>> -> memref<320xi32, #tpu.memory_space<vmem>>
    %dma_start3A_396 = arith.constant 0 : i32
    %dma_start3A_397 = arith.constant 0 : i32
    %dma_start3A_398 = tpu.memref_slice %arg2[%dma_start3A_396, %dma_start3A_397] : memref<101000x64xf32, #tpu.memory_space<hbm>> -> memref<101000x64xf32, #tpu.memory_space<hbm>>
    tpu.enqueue_indirect_dma source(%dma_start3A_398 : memref<101000x64xf32, #tpu.memory_space<hbm>>) target(%dma_start3A_392 : memref<320x64xf32, #tpu.memory_space<vmem>>) offsets(%dma_start3A_395 : memref<320xi32, #tpu.memory_space<vmem>>) semaphore(%arg13 : memref<!tpu.dma_semaphore, #tpu.memory_space<semaphore_mem>>)
    %dma_wait3A_399 = arith.constant 0 : i32
    %dma_wait3A_400 = arith.constant 0 : i32
    %dma_wait3A_401 = arith.constant 0 : i32
    %dma_wait3A_402 = arith.constant 0 : i32
    %dma_wait3A_403 = tpu.memref_slice %arg9[%dma_wait3A_400, %dma_wait3A_401, %dma_wait3A_402] : memref<2x640x64xf32, #tpu.memory_space<vmem>> -> memref<1x320x64xf32, #tpu.memory_space<vmem>>
    %dma_wait3A_404 = tpu.memref_squeeze %dma_wait3A_403 : memref<1x320x64xf32, #tpu.memory_space<vmem>> -> memref<320x64xf32, #tpu.memory_space<vmem>>
    %dma_wait3A_405 = arith.constant 0 : i32
    %dma_wait3A_406 = tpu.memref_slice %arg8[%dma_wait3A_399, %dma_wait3A_405] : memref<2x640xi32, #tpu.memory_space<vmem>> -> memref<1x320xi32, #tpu.memory_space<vmem>>
    %dma_wait3A_407 = tpu.memref_squeeze %dma_wait3A_406 : memref<1x320xi32, #tpu.memory_space<vmem>> -> memref<320xi32, #tpu.memory_space<vmem>>
    %dma_wait3A_408 = arith.constant 0 : i32
    %dma_wait3A_409 = arith.constant 0 : i32
    %dma_wait3A_410 = tpu.memref_slice %arg2[%dma_wait3A_408, %dma_wait3A_409] : memref<101000x64xf32, #tpu.memory_space<hbm>> -> memref<101000x64xf32, #tpu.memory_space<hbm>>
    tpu.wait_indirect_dma semaphore(%arg12 : memref<!tpu.dma_semaphore, #tpu.memory_space<semaphore_mem>>) src(%dma_wait3A_410 : memref<101000x64xf32, #tpu.memory_space<hbm>>) dst(%dma_wait3A_404 : memref<320x64xf32, #tpu.memory_space<vmem>>)
    %dma_wait3A_411 = arith.constant 0 : i32
    %dma_wait3A_412 = arith.constant 0 : i32
    %dma_wait3A_413 = arith.constant 320 : i32
    %dma_wait3A_414 = arith.constant 0 : i32
    %dma_wait3A_415 = tpu.memref_slice %arg9[%dma_wait3A_412, %dma_wait3A_413, %dma_wait3A_414] : memref<2x640x64xf32, #tpu.memory_space<vmem>> -> memref<1x320x64xf32, #tpu.memory_space<vmem>>
    %dma_wait3A_416 = tpu.memref_squeeze %dma_wait3A_415 : memref<1x320x64xf32, #tpu.memory_space<vmem>> -> memref<320x64xf32, #tpu.memory_space<vmem>>
    %dma_wait3A_417 = arith.constant 320 : i32
    %dma_wait3A_418 = tpu.memref_slice %arg8[%dma_wait3A_411, %dma_wait3A_417] : memref<2x640xi32, #tpu.memory_space<vmem>> -> memref<1x320xi32, #tpu.memory_space<vmem>>
    %dma_wait3A_419 = tpu.memref_squeeze %dma_wait3A_418 : memref<1x320xi32, #tpu.memory_space<vmem>> -> memref<320xi32, #tpu.memory_space<vmem>>
    %dma_wait3A_420 = arith.constant 0 : i32
    %dma_wait3A_421 = arith.constant 0 : i32
    %dma_wait3A_422 = tpu.memref_slice %arg2[%dma_wait3A_420, %dma_wait3A_421] : memref<101000x64xf32, #tpu.memory_space<hbm>> -> memref<101000x64xf32, #tpu.memory_space<hbm>>
    tpu.wait_indirect_dma semaphore(%arg12 : memref<!tpu.dma_semaphore, #tpu.memory_space<semaphore_mem>>) src(%dma_wait3A_422 : memref<101000x64xf32, #tpu.memory_space<hbm>>) dst(%dma_wait3A_416 : memref<320x64xf32, #tpu.memory_space<vmem>>)
    %add3A_423 = arith.constant 49920 : i32
    %add3A_424 = arith.addi %mul3A_2, %add3A_423 : i32
    %dma_start3A_425 = arith.constant 0 : i32
    %dma_start3A_426 = arith.constant 0 : i32
    %dma_start3A_427 = arith.constant 0 : i32
    %dma_start3A_428 = tpu.memref_slice %arg9[%dma_start3A_425, %dma_start3A_426, %dma_start3A_427] : memref<2x640x64xf32, #tpu.memory_space<vmem>> -> memref<1x640x64xf32, #tpu.memory_space<vmem>>
    %dma_start3A_429 = tpu.memref_squeeze %dma_start3A_428 : memref<1x640x64xf32, #tpu.memory_space<vmem>> -> memref<640x64xf32, #tpu.memory_space<vmem>>
    %dma_start3A_430 = arith.constant 0 : i32
    %dma_start3A_431 = tpu.memref_slice %arg5[%add3A_424, %dma_start3A_430] : memref<1638400x64xf32, #tpu.memory_space<hbm>> -> memref<640x64xf32, #tpu.memory_space<hbm>>
    %dma_start3A_432 = arith.constant 0 : i32
    %dma_start3A_433 = tpu.memref_slice %arg5[%add3A_424, %dma_start3A_432] : memref<1638400x64xf32, #tpu.memory_space<hbm>> -> memref<640x64xf32, #tpu.memory_space<hbm>>
    %dma_start3A_434 = arith.constant 0 : i32
    %dma_start3A_435 = arith.constant 0 : i32
    %dma_start3A_436 = tpu.memref_slice %arg9[%dma_start3A_425, %dma_start3A_434, %dma_start3A_435] : memref<2x640x64xf32, #tpu.memory_space<vmem>> -> memref<1x640x64xf32, #tpu.memory_space<vmem>>
    %dma_start3A_437 = tpu.memref_squeeze %dma_start3A_436 : memref<1x640x64xf32, #tpu.memory_space<vmem>> -> memref<640x64xf32, #tpu.memory_space<vmem>>
    tpu.enqueue_dma source(%dma_start3A_437 : memref<640x64xf32, #tpu.memory_space<vmem>>) target(%dma_start3A_433 : memref<640x64xf32, #tpu.memory_space<hbm>>) target_semaphore(%arg14 : memref<!tpu.dma_semaphore, #tpu.memory_space<semaphore_mem>>)
    %dma_wait3A_438 = arith.constant 1 : i32
    %dma_wait3A_439 = arith.constant 1 : i32
    %dma_wait3A_440 = arith.constant 0 : i32
    %dma_wait3A_441 = arith.constant 0 : i32
    %dma_wait3A_442 = tpu.memref_slice %arg9[%dma_wait3A_439, %dma_wait3A_440, %dma_wait3A_441] : memref<2x640x64xf32, #tpu.memory_space<vmem>> -> memref<1x320x64xf32, #tpu.memory_space<vmem>>
    %dma_wait3A_443 = tpu.memref_squeeze %dma_wait3A_442 : memref<1x320x64xf32, #tpu.memory_space<vmem>> -> memref<320x64xf32, #tpu.memory_space<vmem>>
    %dma_wait3A_444 = arith.constant 0 : i32
    %dma_wait3A_445 = tpu.memref_slice %arg8[%dma_wait3A_438, %dma_wait3A_444] : memref<2x640xi32, #tpu.memory_space<vmem>> -> memref<1x320xi32, #tpu.memory_space<vmem>>
    %dma_wait3A_446 = tpu.memref_squeeze %dma_wait3A_445 : memref<1x320xi32, #tpu.memory_space<vmem>> -> memref<320xi32, #tpu.memory_space<vmem>>
    %dma_wait3A_447 = arith.constant 0 : i32
    %dma_wait3A_448 = arith.constant 0 : i32
    %dma_wait3A_449 = tpu.memref_slice %arg2[%dma_wait3A_447, %dma_wait3A_448] : memref<101000x64xf32, #tpu.memory_space<hbm>> -> memref<101000x64xf32, #tpu.memory_space<hbm>>
    tpu.wait_indirect_dma semaphore(%arg13 : memref<!tpu.dma_semaphore, #tpu.memory_space<semaphore_mem>>) src(%dma_wait3A_449 : memref<101000x64xf32, #tpu.memory_space<hbm>>) dst(%dma_wait3A_443 : memref<320x64xf32, #tpu.memory_space<vmem>>)
    %dma_wait3A_450 = arith.constant 1 : i32
    %dma_wait3A_451 = arith.constant 1 : i32
    %dma_wait3A_452 = arith.constant 320 : i32
    %dma_wait3A_453 = arith.constant 0 : i32
    %dma_wait3A_454 = tpu.memref_slice %arg9[%dma_wait3A_451, %dma_wait3A_452, %dma_wait3A_453] : memref<2x640x64xf32, #tpu.memory_space<vmem>> -> memref<1x320x64xf32, #tpu.memory_space<vmem>>
    %dma_wait3A_455 = tpu.memref_squeeze %dma_wait3A_454 : memref<1x320x64xf32, #tpu.memory_space<vmem>> -> memref<320x64xf32, #tpu.memory_space<vmem>>
    %dma_wait3A_456 = arith.constant 320 : i32
    %dma_wait3A_457 = tpu.memref_slice %arg8[%dma_wait3A_450, %dma_wait3A_456] : memref<2x640xi32, #tpu.memory_space<vmem>> -> memref<1x320xi32, #tpu.memory_space<vmem>>
    %dma_wait3A_458 = tpu.memref_squeeze %dma_wait3A_457 : memref<1x320xi32, #tpu.memory_space<vmem>> -> memref<320xi32, #tpu.memory_space<vmem>>
    %dma_wait3A_459 = arith.constant 0 : i32
    %dma_wait3A_460 = arith.constant 0 : i32
    %dma_wait3A_461 = tpu.memref_slice %arg2[%dma_wait3A_459, %dma_wait3A_460] : memref<101000x64xf32, #tpu.memory_space<hbm>> -> memref<101000x64xf32, #tpu.memory_space<hbm>>
    tpu.wait_indirect_dma semaphore(%arg13 : memref<!tpu.dma_semaphore, #tpu.memory_space<semaphore_mem>>) src(%dma_wait3A_461 : memref<101000x64xf32, #tpu.memory_space<hbm>>) dst(%dma_wait3A_455 : memref<320x64xf32, #tpu.memory_space<vmem>>)
    %add3A_462 = arith.constant 50560 : i32
    %add3A_463 = arith.addi %mul3A_2, %add3A_462 : i32
    %dma_start3A_464 = arith.constant 1 : i32
    %dma_start3A_465 = arith.constant 0 : i32
    %dma_start3A_466 = arith.constant 0 : i32
    %dma_start3A_467 = tpu.memref_slice %arg9[%dma_start3A_464, %dma_start3A_465, %dma_start3A_466] : memref<2x640x64xf32, #tpu.memory_space<vmem>> -> memref<1x640x64xf32, #tpu.memory_space<vmem>>
    %dma_start3A_468 = tpu.memref_squeeze %dma_start3A_467 : memref<1x640x64xf32, #tpu.memory_space<vmem>> -> memref<640x64xf32, #tpu.memory_space<vmem>>
    %dma_start3A_469 = arith.constant 0 : i32
    %dma_start3A_470 = tpu.memref_slice %arg5[%add3A_463, %dma_start3A_469] : memref<1638400x64xf32, #tpu.memory_space<hbm>> -> memref<640x64xf32, #tpu.memory_space<hbm>>
    %dma_start3A_471 = arith.constant 0 : i32
    %dma_start3A_472 = tpu.memref_slice %arg5[%add3A_463, %dma_start3A_471] : memref<1638400x64xf32, #tpu.memory_space<hbm>> -> memref<640x64xf32, #tpu.memory_space<hbm>>
    %dma_start3A_473 = arith.constant 0 : i32
    %dma_start3A_474 = arith.constant 0 : i32
    %dma_start3A_475 = tpu.memref_slice %arg9[%dma_start3A_464, %dma_start3A_473, %dma_start3A_474] : memref<2x640x64xf32, #tpu.memory_space<vmem>> -> memref<1x640x64xf32, #tpu.memory_space<vmem>>
    %dma_start3A_476 = tpu.memref_squeeze %dma_start3A_475 : memref<1x640x64xf32, #tpu.memory_space<vmem>> -> memref<640x64xf32, #tpu.memory_space<vmem>>
    tpu.enqueue_dma source(%dma_start3A_476 : memref<640x64xf32, #tpu.memory_space<vmem>>) target(%dma_start3A_472 : memref<640x64xf32, #tpu.memory_space<hbm>>) target_semaphore(%arg15 : memref<!tpu.dma_semaphore, #tpu.memory_space<semaphore_mem>>)
    %add3A_477 = arith.constant 49920 : i32
    %add3A_478 = arith.addi %mul3A_2, %add3A_477 : i32
    %dma_wait3A_479 = arith.constant 0 : i32
    %dma_wait3A_480 = arith.constant 0 : i32
    %dma_wait3A_481 = arith.constant 0 : i32
    %dma_wait3A_482 = tpu.memref_slice %arg9[%dma_wait3A_479, %dma_wait3A_480, %dma_wait3A_481] : memref<2x640x64xf32, #tpu.memory_space<vmem>> -> memref<1x640x64xf32, #tpu.memory_space<vmem>>
    %dma_wait3A_483 = tpu.memref_squeeze %dma_wait3A_482 : memref<1x640x64xf32, #tpu.memory_space<vmem>> -> memref<640x64xf32, #tpu.memory_space<vmem>>
    %dma_wait3A_484 = arith.constant 0 : i32
    %dma_wait3A_485 = tpu.memref_slice %arg5[%add3A_478, %dma_wait3A_484] : memref<1638400x64xf32, #tpu.memory_space<hbm>> -> memref<640x64xf32, #tpu.memory_space<hbm>>
    %dma_wait3A_486 = arith.constant 0 : i32
    %dma_wait3A_487 = tpu.memref_slice %arg5[%add3A_478, %dma_wait3A_486] : memref<1638400x64xf32, #tpu.memory_space<hbm>> -> memref<640x64xf32, #tpu.memory_space<hbm>>
    %dma_wait3A_488 = arith.constant 0 : i32
    %dma_wait3A_489 = arith.constant 0 : i32
    %dma_wait3A_490 = tpu.memref_slice %arg9[%dma_wait3A_479, %dma_wait3A_488, %dma_wait3A_489] : memref<2x640x64xf32, #tpu.memory_space<vmem>> -> memref<1x640x64xf32, #tpu.memory_space<vmem>>
    %dma_wait3A_491 = tpu.memref_squeeze %dma_wait3A_490 : memref<1x640x64xf32, #tpu.memory_space<vmem>> -> memref<640x64xf32, #tpu.memory_space<vmem>>
    tpu.wait_dma2 semaphore(%arg14 : memref<!tpu.dma_semaphore, #tpu.memory_space<semaphore_mem>>) src(%dma_wait3A_491 : memref<640x64xf32, #tpu.memory_space<vmem>>) dst(%dma_wait3A_487 : memref<640x64xf32, #tpu.memory_space<hbm>>)
    %add3A_492 = arith.constant 50560 : i32
    %add3A_493 = arith.addi %mul3A_2, %add3A_492 : i32
    %dma_wait3A_494 = arith.constant 1 : i32
    %dma_wait3A_495 = arith.constant 0 : i32
    %dma_wait3A_496 = arith.constant 0 : i32
    %dma_wait3A_497 = tpu.memref_slice %arg9[%dma_wait3A_494, %dma_wait3A_495, %dma_wait3A_496] : memref<2x640x64xf32, #tpu.memory_space<vmem>> -> memref<1x640x64xf32, #tpu.memory_space<vmem>>
    %dma_wait3A_498 = tpu.memref_squeeze %dma_wait3A_497 : memref<1x640x64xf32, #tpu.memory_space<vmem>> -> memref<640x64xf32, #tpu.memory_space<vmem>>
    %dma_wait3A_499 = arith.constant 0 : i32
    %dma_wait3A_500 = tpu.memref_slice %arg5[%add3A_493, %dma_wait3A_499] : memref<1638400x64xf32, #tpu.memory_space<hbm>> -> memref<640x64xf32, #tpu.memory_space<hbm>>
    %dma_wait3A_501 = arith.constant 0 : i32
    %dma_wait3A_502 = tpu.memref_slice %arg5[%add3A_493, %dma_wait3A_501] : memref<1638400x64xf32, #tpu.memory_space<hbm>> -> memref<640x64xf32, #tpu.memory_space<hbm>>
    %dma_wait3A_503 = arith.constant 0 : i32
    %dma_wait3A_504 = arith.constant 0 : i32
    %dma_wait3A_505 = tpu.memref_slice %arg9[%dma_wait3A_494, %dma_wait3A_503, %dma_wait3A_504] : memref<2x640x64xf32, #tpu.memory_space<vmem>> -> memref<1x640x64xf32, #tpu.memory_space<vmem>>
    %dma_wait3A_506 = tpu.memref_squeeze %dma_wait3A_505 : memref<1x640x64xf32, #tpu.memory_space<vmem>> -> memref<640x64xf32, #tpu.memory_space<vmem>>
    tpu.wait_dma2 semaphore(%arg15 : memref<!tpu.dma_semaphore, #tpu.memory_space<semaphore_mem>>) src(%dma_wait3A_506 : memref<640x64xf32, #tpu.memory_space<vmem>>) dst(%dma_wait3A_502 : memref<640x64xf32, #tpu.memory_space<hbm>>)
    return
  }
}

#map = affine_map<(d0, d1) -> (0, 0)>
module attributes {stable_mosaic.version = 14 : i64} {
  func.func @_scale_body(%arg0: i32, %arg1: i32, %arg2: memref<100000x64xf32, #tpu.memory_space<hbm>>, %arg3: memref<1000x64xf32, #tpu.memory_space<hbm>>, %arg4: memref<101000x64xf32, #tpu.memory_space<hbm>>, %arg5: memref<625x64xf32, #tpu.memory_space<vmem>>, %arg6: memref<625x64xf32, #tpu.memory_space<vmem>>, %arg7: memref<625x64xf32, #tpu.memory_space<vmem>>, %arg8: memref<1x64xf32, #tpu.memory_space<vmem>>, %arg9: memref<!tpu.dma_semaphore, #tpu.memory_space<semaphore_mem>>, %arg10: memref<!tpu.dma_semaphore, #tpu.memory_space<semaphore_mem>>, %arg11: memref<!tpu.dma_semaphore, #tpu.memory_space<semaphore_mem>>, %arg12: memref<!tpu.dma_semaphore, #tpu.memory_space<semaphore_mem>>, %arg13: memref<!tpu.dma_semaphore, #tpu.memory_space<semaphore_mem>>, %arg14: memref<!tpu.dma_semaphore, #tpu.memory_space<semaphore_mem>>) attributes {dimension_semantics = [#tpu.dimension_semantics<core_parallel>, #tpu.dimension_semantics<subcore_parallel>], iteration_bounds = array<i64: 2, 16>, scalar_prefetch = 0 : i64, scratch_operands = 10 : i64, tpu.core_type = #tpu.core_type<sc_vector_subcore>, window_params = [{transform_indices = #map}, {transform_indices = #map}, {transform_indices = #map}]} {
    %mul3A = arith.constant 2 : i32
    %mul3A_0 = arith.muli %arg1, %mul3A : i32
    %add3A = arith.addi %mul3A_0, %arg0 : i32
    %mul3A_1 = arith.constant 3125 : i32
    %mul3A_2 = arith.muli %add3A, %mul3A_1 : i32
    %add3A_3 = arith.constant 0 : i32
    %add3A_4 = arith.addi %mul3A_2, %add3A_3 : i32
    %dma_start3A = arith.constant 0 : i32
    %dma_start3A_5 = tpu.memref_slice %arg2[%add3A_4, %dma_start3A] : memref<100000x64xf32, #tpu.memory_space<hbm>> -> memref<625x64xf32, #tpu.memory_space<hbm>>
    %dma_start3A_6 = arith.constant 0 : i32
    %dma_start3A_7 = tpu.memref_slice %arg2[%add3A_4, %dma_start3A_6] : memref<100000x64xf32, #tpu.memory_space<hbm>> -> memref<625x64xf32, #tpu.memory_space<hbm>>
    tpu.enqueue_dma source(%dma_start3A_7 : memref<625x64xf32, #tpu.memory_space<hbm>>) target(%arg5 : memref<625x64xf32, #tpu.memory_space<vmem>>) target_semaphore(%arg9 : memref<!tpu.dma_semaphore, #tpu.memory_space<semaphore_mem>>)
    %add3A_8 = arith.constant 625 : i32
    %add3A_9 = arith.addi %mul3A_2, %add3A_8 : i32
    %dma_start3A_10 = arith.constant 0 : i32
    %dma_start3A_11 = tpu.memref_slice %arg2[%add3A_9, %dma_start3A_10] : memref<100000x64xf32, #tpu.memory_space<hbm>> -> memref<625x64xf32, #tpu.memory_space<hbm>>
    %dma_start3A_12 = arith.constant 0 : i32
    %dma_start3A_13 = tpu.memref_slice %arg2[%add3A_9, %dma_start3A_12] : memref<100000x64xf32, #tpu.memory_space<hbm>> -> memref<625x64xf32, #tpu.memory_space<hbm>>
    tpu.enqueue_dma source(%dma_start3A_13 : memref<625x64xf32, #tpu.memory_space<hbm>>) target(%arg6 : memref<625x64xf32, #tpu.memory_space<vmem>>) target_semaphore(%arg10 : memref<!tpu.dma_semaphore, #tpu.memory_space<semaphore_mem>>)
    %add3A_14 = arith.constant 1250 : i32
    %add3A_15 = arith.addi %mul3A_2, %add3A_14 : i32
    %dma_start3A_16 = arith.constant 0 : i32
    %dma_start3A_17 = tpu.memref_slice %arg2[%add3A_15, %dma_start3A_16] : memref<100000x64xf32, #tpu.memory_space<hbm>> -> memref<625x64xf32, #tpu.memory_space<hbm>>
    %dma_start3A_18 = arith.constant 0 : i32
    %dma_start3A_19 = tpu.memref_slice %arg2[%add3A_15, %dma_start3A_18] : memref<100000x64xf32, #tpu.memory_space<hbm>> -> memref<625x64xf32, #tpu.memory_space<hbm>>
    tpu.enqueue_dma source(%dma_start3A_19 : memref<625x64xf32, #tpu.memory_space<hbm>>) target(%arg7 : memref<625x64xf32, #tpu.memory_space<vmem>>) target_semaphore(%arg11 : memref<!tpu.dma_semaphore, #tpu.memory_space<semaphore_mem>>)
    %add3A_20 = arith.constant 0 : i32
    %add3A_21 = arith.addi %mul3A_2, %add3A_20 : i32
    %dma_wait3A = arith.constant 0 : i32
    %dma_wait3A_22 = tpu.memref_slice %arg2[%add3A_21, %dma_wait3A] : memref<100000x64xf32, #tpu.memory_space<hbm>> -> memref<625x64xf32, #tpu.memory_space<hbm>>
    %dma_wait3A_23 = arith.constant 0 : i32
    %dma_wait3A_24 = tpu.memref_slice %arg2[%add3A_21, %dma_wait3A_23] : memref<100000x64xf32, #tpu.memory_space<hbm>> -> memref<625x64xf32, #tpu.memory_space<hbm>>
    tpu.wait_dma2 semaphore(%arg9 : memref<!tpu.dma_semaphore, #tpu.memory_space<semaphore_mem>>) src(%dma_wait3A_24 : memref<625x64xf32, #tpu.memory_space<hbm>>) dst(%arg5 : memref<625x64xf32, #tpu.memory_space<vmem>>)
    %scan3A = arith.constant 0 : i32
    %scan3A_25 = arith.constant 0 : i32
    %scan3A_26 = arith.constant 625 : i32
    %scan3A_27 = arith.addi %scan3A_25, %scan3A_26 : i32
    %scan3A_28 = arith.constant 1 : i32
    scf.for %scan3A_163 = %scan3A_25 to %scan3A_27 step %scan3A_28  : i32 {
      %get3A = arith.index_cast %scan3A_163 : i32 to index
      %get3A_164 = arith.constant 0 : index
      %get3A_165 = tpu.vector_load %arg5[%get3A, %get3A_164] {strides = array<i32>} : memref<625x64xf32, #tpu.memory_space<vmem>>, vector<16xf32>,
      %mul3A_166 = arith.constant 11.3137083 : f32
      %mul3A_167 = vector.broadcast %mul3A_166 : f32 to vector<16xf32>
      %mul3A_168 = arith.mulf %get3A_165, %mul3A_167 : vector<16xf32>
      %swap3A = arith.index_cast %scan3A_163 : i32 to index
      %swap3A_169 = arith.constant 0 : index
      %swap3A_170 = tpu.vector_load %arg5[%swap3A, %swap3A_169] {strides = array<i32>} : memref<625x64xf32, #tpu.memory_space<vmem>>, vector<16xf32>,
      tpu.vector_store %arg5[%swap3A, %swap3A_169], %mul3A_168 {strides = array<i32>} : memref<625x64xf32, #tpu.memory_space<vmem>>, vector<16xf32>,
      %get3A_171 = arith.index_cast %scan3A_163 : i32 to index
      %get3A_172 = arith.constant 16 : index
      %get3A_173 = tpu.vector_load %arg5[%get3A_171, %get3A_172] {strides = array<i32>} : memref<625x64xf32, #tpu.memory_space<vmem>>, vector<16xf32>,
      %mul3A_174 = arith.constant 11.3137083 : f32
      %mul3A_175 = vector.broadcast %mul3A_174 : f32 to vector<16xf32>
      %mul3A_176 = arith.mulf %get3A_173, %mul3A_175 : vector<16xf32>
      %swap3A_177 = arith.index_cast %scan3A_163 : i32 to index
      %swap3A_178 = arith.constant 16 : index
      %swap3A_179 = tpu.vector_load %arg5[%swap3A_177, %swap3A_178] {strides = array<i32>} : memref<625x64xf32, #tpu.memory_space<vmem>>, vector<16xf32>,
      tpu.vector_store %arg5[%swap3A_177, %swap3A_178], %mul3A_176 {strides = array<i32>} : memref<625x64xf32, #tpu.memory_space<vmem>>, vector<16xf32>,
      %get3A_180 = arith.index_cast %scan3A_163 : i32 to index
      %get3A_181 = arith.constant 32 : index
      %get3A_182 = tpu.vector_load %arg5[%get3A_180, %get3A_181] {strides = array<i32>} : memref<625x64xf32, #tpu.memory_space<vmem>>, vector<16xf32>,
      %mul3A_183 = arith.constant 11.3137083 : f32
      %mul3A_184 = vector.broadcast %mul3A_183 : f32 to vector<16xf32>
      %mul3A_185 = arith.mulf %get3A_182, %mul3A_184 : vector<16xf32>
      %swap3A_186 = arith.index_cast %scan3A_163 : i32 to index
      %swap3A_187 = arith.constant 32 : index
      %swap3A_188 = tpu.vector_load %arg5[%swap3A_186, %swap3A_187] {strides = array<i32>} : memref<625x64xf32, #tpu.memory_space<vmem>>, vector<16xf32>,
      tpu.vector_store %arg5[%swap3A_186, %swap3A_187], %mul3A_185 {strides = array<i32>} : memref<625x64xf32, #tpu.memory_space<vmem>>, vector<16xf32>,
      %get3A_189 = arith.index_cast %scan3A_163 : i32 to index
      %get3A_190 = arith.constant 48 : index
      %get3A_191 = tpu.vector_load %arg5[%get3A_189, %get3A_190] {strides = array<i32>} : memref<625x64xf32, #tpu.memory_space<vmem>>, vector<16xf32>,
      %mul3A_192 = arith.constant 11.3137083 : f32
      %mul3A_193 = vector.broadcast %mul3A_192 : f32 to vector<16xf32>
      %mul3A_194 = arith.mulf %get3A_191, %mul3A_193 : vector<16xf32>
      %swap3A_195 = arith.index_cast %scan3A_163 : i32 to index
      %swap3A_196 = arith.constant 48 : index
      %swap3A_197 = tpu.vector_load %arg5[%swap3A_195, %swap3A_196] {strides = array<i32>} : memref<625x64xf32, #tpu.memory_space<vmem>>, vector<16xf32>,
      tpu.vector_store %arg5[%swap3A_195, %swap3A_196], %mul3A_194 {strides = array<i32>} : memref<625x64xf32, #tpu.memory_space<vmem>>, vector<16xf32>,
    }
    %scan3A_29 = arith.constant 625 : i32
    %add3A_30 = arith.constant 0 : i32
    %add3A_31 = arith.addi %mul3A_2, %add3A_30 : i32
    %dma_start3A_32 = arith.constant 0 : i32
    %dma_start3A_33 = tpu.memref_slice %arg4[%add3A_31, %dma_start3A_32] : memref<101000x64xf32, #tpu.memory_space<hbm>> -> memref<625x64xf32, #tpu.memory_space<hbm>>
    %dma_start3A_34 = arith.constant 0 : i32
    %dma_start3A_35 = tpu.memref_slice %arg4[%add3A_31, %dma_start3A_34] : memref<101000x64xf32, #tpu.memory_space<hbm>> -> memref<625x64xf32, #tpu.memory_space<hbm>>
    tpu.enqueue_dma source(%arg5 : memref<625x64xf32, #tpu.memory_space<vmem>>) target(%dma_start3A_35 : memref<625x64xf32, #tpu.memory_space<hbm>>) target_semaphore(%arg12 : memref<!tpu.dma_semaphore, #tpu.memory_space<semaphore_mem>>)
    %add3A_36 = arith.constant 0 : i32
    %add3A_37 = arith.addi %mul3A_2, %add3A_36 : i32
    %dma_wait3A_38 = arith.constant 0 : i32
    %dma_wait3A_39 = tpu.memref_slice %arg4[%add3A_37, %dma_wait3A_38] : memref<101000x64xf32, #tpu.memory_space<hbm>> -> memref<625x64xf32, #tpu.memory_space<hbm>>
    %dma_wait3A_40 = arith.constant 0 : i32
    %dma_wait3A_41 = tpu.memref_slice %arg4[%add3A_37, %dma_wait3A_40] : memref<101000x64xf32, #tpu.memory_space<hbm>> -> memref<625x64xf32, #tpu.memory_space<hbm>>
    tpu.wait_dma2 semaphore(%arg12 : memref<!tpu.dma_semaphore, #tpu.memory_space<semaphore_mem>>) src(%arg5 : memref<625x64xf32, #tpu.memory_space<vmem>>) dst(%dma_wait3A_41 : memref<625x64xf32, #tpu.memory_space<hbm>>)
    %add3A_42 = arith.constant 1875 : i32
    %add3A_43 = arith.addi %mul3A_2, %add3A_42 : i32
    %dma_start3A_44 = arith.constant 0 : i32
    %dma_start3A_45 = tpu.memref_slice %arg2[%add3A_43, %dma_start3A_44] : memref<100000x64xf32, #tpu.memory_space<hbm>> -> memref<625x64xf32, #tpu.memory_space<hbm>>
    %dma_start3A_46 = arith.constant 0 : i32
    %dma_start3A_47 = tpu.memref_slice %arg2[%add3A_43, %dma_start3A_46] : memref<100000x64xf32, #tpu.memory_space<hbm>> -> memref<625x64xf32, #tpu.memory_space<hbm>>
    tpu.enqueue_dma source(%dma_start3A_47 : memref<625x64xf32, #tpu.memory_space<hbm>>) target(%arg5 : memref<625x64xf32, #tpu.memory_space<vmem>>) target_semaphore(%arg9 : memref<!tpu.dma_semaphore, #tpu.memory_space<semaphore_mem>>)
    %add3A_48 = arith.constant 625 : i32
    %add3A_49 = arith.addi %mul3A_2, %add3A_48 : i32
    %dma_wait3A_50 = arith.constant 0 : i32
    %dma_wait3A_51 = tpu.memref_slice %arg2[%add3A_49, %dma_wait3A_50] : memref<100000x64xf32, #tpu.memory_space<hbm>> -> memref<625x64xf32, #tpu.memory_space<hbm>>
    %dma_wait3A_52 = arith.constant 0 : i32
    %dma_wait3A_53 = tpu.memref_slice %arg2[%add3A_49, %dma_wait3A_52] : memref<100000x64xf32, #tpu.memory_space<hbm>> -> memref<625x64xf32, #tpu.memory_space<hbm>>
    tpu.wait_dma2 semaphore(%arg10 : memref<!tpu.dma_semaphore, #tpu.memory_space<semaphore_mem>>) src(%dma_wait3A_53 : memref<625x64xf32, #tpu.memory_space<hbm>>) dst(%arg6 : memref<625x64xf32, #tpu.memory_space<vmem>>)
    %scan3A_54 = arith.constant 0 : i32
    %scan3A_55 = arith.constant 0 : i32
    %scan3A_56 = arith.constant 625 : i32
    %scan3A_57 = arith.addi %scan3A_55, %scan3A_56 : i32
    %scan3A_58 = arith.constant 1 : i32
    scf.for %scan3A_163 = %scan3A_55 to %scan3A_57 step %scan3A_58  : i32 {
      %get3A = arith.index_cast %scan3A_163 : i32 to index
      %get3A_164 = arith.constant 0 : index
      %get3A_165 = tpu.vector_load %arg6[%get3A, %get3A_164] {strides = array<i32>} : memref<625x64xf32, #tpu.memory_space<vmem>>, vector<16xf32>,
      %mul3A_166 = arith.constant 11.3137083 : f32
      %mul3A_167 = vector.broadcast %mul3A_166 : f32 to vector<16xf32>
      %mul3A_168 = arith.mulf %get3A_165, %mul3A_167 : vector<16xf32>
      %swap3A = arith.index_cast %scan3A_163 : i32 to index
      %swap3A_169 = arith.constant 0 : index
      %swap3A_170 = tpu.vector_load %arg6[%swap3A, %swap3A_169] {strides = array<i32>} : memref<625x64xf32, #tpu.memory_space<vmem>>, vector<16xf32>,
      tpu.vector_store %arg6[%swap3A, %swap3A_169], %mul3A_168 {strides = array<i32>} : memref<625x64xf32, #tpu.memory_space<vmem>>, vector<16xf32>,
      %get3A_171 = arith.index_cast %scan3A_163 : i32 to index
      %get3A_172 = arith.constant 16 : index
      %get3A_173 = tpu.vector_load %arg6[%get3A_171, %get3A_172] {strides = array<i32>} : memref<625x64xf32, #tpu.memory_space<vmem>>, vector<16xf32>,
      %mul3A_174 = arith.constant 11.3137083 : f32
      %mul3A_175 = vector.broadcast %mul3A_174 : f32 to vector<16xf32>
      %mul3A_176 = arith.mulf %get3A_173, %mul3A_175 : vector<16xf32>
      %swap3A_177 = arith.index_cast %scan3A_163 : i32 to index
      %swap3A_178 = arith.constant 16 : index
      %swap3A_179 = tpu.vector_load %arg6[%swap3A_177, %swap3A_178] {strides = array<i32>} : memref<625x64xf32, #tpu.memory_space<vmem>>, vector<16xf32>,
      tpu.vector_store %arg6[%swap3A_177, %swap3A_178], %mul3A_176 {strides = array<i32>} : memref<625x64xf32, #tpu.memory_space<vmem>>, vector<16xf32>,
      %get3A_180 = arith.index_cast %scan3A_163 : i32 to index
      %get3A_181 = arith.constant 32 : index
      %get3A_182 = tpu.vector_load %arg6[%get3A_180, %get3A_181] {strides = array<i32>} : memref<625x64xf32, #tpu.memory_space<vmem>>, vector<16xf32>,
      %mul3A_183 = arith.constant 11.3137083 : f32
      %mul3A_184 = vector.broadcast %mul3A_183 : f32 to vector<16xf32>
      %mul3A_185 = arith.mulf %get3A_182, %mul3A_184 : vector<16xf32>
      %swap3A_186 = arith.index_cast %scan3A_163 : i32 to index
      %swap3A_187 = arith.constant 32 : index
      %swap3A_188 = tpu.vector_load %arg6[%swap3A_186, %swap3A_187] {strides = array<i32>} : memref<625x64xf32, #tpu.memory_space<vmem>>, vector<16xf32>,
      tpu.vector_store %arg6[%swap3A_186, %swap3A_187], %mul3A_185 {strides = array<i32>} : memref<625x64xf32, #tpu.memory_space<vmem>>, vector<16xf32>,
      %get3A_189 = arith.index_cast %scan3A_163 : i32 to index
      %get3A_190 = arith.constant 48 : index
      %get3A_191 = tpu.vector_load %arg6[%get3A_189, %get3A_190] {strides = array<i32>} : memref<625x64xf32, #tpu.memory_space<vmem>>, vector<16xf32>,
      %mul3A_192 = arith.constant 11.3137083 : f32
      %mul3A_193 = vector.broadcast %mul3A_192 : f32 to vector<16xf32>
      %mul3A_194 = arith.mulf %get3A_191, %mul3A_193 : vector<16xf32>
      %swap3A_195 = arith.index_cast %scan3A_163 : i32 to index
      %swap3A_196 = arith.constant 48 : index
      %swap3A_197 = tpu.vector_load %arg6[%swap3A_195, %swap3A_196] {strides = array<i32>} : memref<625x64xf32, #tpu.memory_space<vmem>>, vector<16xf32>,
      tpu.vector_store %arg6[%swap3A_195, %swap3A_196], %mul3A_194 {strides = array<i32>} : memref<625x64xf32, #tpu.memory_space<vmem>>, vector<16xf32>,
    }
    %scan3A_59 = arith.constant 625 : i32
    %add3A_60 = arith.constant 625 : i32
    %add3A_61 = arith.addi %mul3A_2, %add3A_60 : i32
    %dma_start3A_62 = arith.constant 0 : i32
    %dma_start3A_63 = tpu.memref_slice %arg4[%add3A_61, %dma_start3A_62] : memref<101000x64xf32, #tpu.memory_space<hbm>> -> memref<625x64xf32, #tpu.memory_space<hbm>>
    %dma_start3A_64 = arith.constant 0 : i32
    %dma_start3A_65 = tpu.memref_slice %arg4[%add3A_61, %dma_start3A_64] : memref<101000x64xf32, #tpu.memory_space<hbm>> -> memref<625x64xf32, #tpu.memory_space<hbm>>
    tpu.enqueue_dma source(%arg6 : memref<625x64xf32, #tpu.memory_space<vmem>>) target(%dma_start3A_65 : memref<625x64xf32, #tpu.memory_space<hbm>>) target_semaphore(%arg13 : memref<!tpu.dma_semaphore, #tpu.memory_space<semaphore_mem>>)
    %add3A_66 = arith.constant 625 : i32
    %add3A_67 = arith.addi %mul3A_2, %add3A_66 : i32
    %dma_wait3A_68 = arith.constant 0 : i32
    %dma_wait3A_69 = tpu.memref_slice %arg4[%add3A_67, %dma_wait3A_68] : memref<101000x64xf32, #tpu.memory_space<hbm>> -> memref<625x64xf32, #tpu.memory_space<hbm>>
    %dma_wait3A_70 = arith.constant 0 : i32
    %dma_wait3A_71 = tpu.memref_slice %arg4[%add3A_67, %dma_wait3A_70] : memref<101000x64xf32, #tpu.memory_space<hbm>> -> memref<625x64xf32, #tpu.memory_space<hbm>>
    tpu.wait_dma2 semaphore(%arg13 : memref<!tpu.dma_semaphore, #tpu.memory_space<semaphore_mem>>) src(%arg6 : memref<625x64xf32, #tpu.memory_space<vmem>>) dst(%dma_wait3A_71 : memref<625x64xf32, #tpu.memory_space<hbm>>)
    %add3A_72 = arith.constant 2500 : i32
    %add3A_73 = arith.addi %mul3A_2, %add3A_72 : i32
    %dma_start3A_74 = arith.constant 0 : i32
    %dma_start3A_75 = tpu.memref_slice %arg2[%add3A_73, %dma_start3A_74] : memref<100000x64xf32, #tpu.memory_space<hbm>> -> memref<625x64xf32, #tpu.memory_space<hbm>>
    %dma_start3A_76 = arith.constant 0 : i32
    %dma_start3A_77 = tpu.memref_slice %arg2[%add3A_73, %dma_start3A_76] : memref<100000x64xf32, #tpu.memory_space<hbm>> -> memref<625x64xf32, #tpu.memory_space<hbm>>
    tpu.enqueue_dma source(%dma_start3A_77 : memref<625x64xf32, #tpu.memory_space<hbm>>) target(%arg6 : memref<625x64xf32, #tpu.memory_space<vmem>>) target_semaphore(%arg10 : memref<!tpu.dma_semaphore, #tpu.memory_space<semaphore_mem>>)
    %add3A_78 = arith.constant 1250 : i32
    %add3A_79 = arith.addi %mul3A_2, %add3A_78 : i32
    %dma_wait3A_80 = arith.constant 0 : i32
    %dma_wait3A_81 = tpu.memref_slice %arg2[%add3A_79, %dma_wait3A_80] : memref<100000x64xf32, #tpu.memory_space<hbm>> -> memref<625x64xf32, #tpu.memory_space<hbm>>
    %dma_wait3A_82 = arith.constant 0 : i32
    %dma_wait3A_83 = tpu.memref_slice %arg2[%add3A_79, %dma_wait3A_82] : memref<100000x64xf32, #tpu.memory_space<hbm>> -> memref<625x64xf32, #tpu.memory_space<hbm>>
    tpu.wait_dma2 semaphore(%arg11 : memref<!tpu.dma_semaphore, #tpu.memory_space<semaphore_mem>>) src(%dma_wait3A_83 : memref<625x64xf32, #tpu.memory_space<hbm>>) dst(%arg7 : memref<625x64xf32, #tpu.memory_space<vmem>>)
    %scan3A_84 = arith.constant 0 : i32
    %scan3A_85 = arith.constant 0 : i32
    %scan3A_86 = arith.constant 625 : i32
    %scan3A_87 = arith.addi %scan3A_85, %scan3A_86 : i32
    %scan3A_88 = arith.constant 1 : i32
    scf.for %scan3A_163 = %scan3A_85 to %scan3A_87 step %scan3A_88  : i32 {
      %get3A = arith.index_cast %scan3A_163 : i32 to index
      %get3A_164 = arith.constant 0 : index
      %get3A_165 = tpu.vector_load %arg7[%get3A, %get3A_164] {strides = array<i32>} : memref<625x64xf32, #tpu.memory_space<vmem>>, vector<16xf32>,
      %mul3A_166 = arith.constant 11.3137083 : f32
      %mul3A_167 = vector.broadcast %mul3A_166 : f32 to vector<16xf32>
      %mul3A_168 = arith.mulf %get3A_165, %mul3A_167 : vector<16xf32>
      %swap3A = arith.index_cast %scan3A_163 : i32 to index
      %swap3A_169 = arith.constant 0 : index
      %swap3A_170 = tpu.vector_load %arg7[%swap3A, %swap3A_169] {strides = array<i32>} : memref<625x64xf32, #tpu.memory_space<vmem>>, vector<16xf32>,
      tpu.vector_store %arg7[%swap3A, %swap3A_169], %mul3A_168 {strides = array<i32>} : memref<625x64xf32, #tpu.memory_space<vmem>>, vector<16xf32>,
      %get3A_171 = arith.index_cast %scan3A_163 : i32 to index
      %get3A_172 = arith.constant 16 : index
      %get3A_173 = tpu.vector_load %arg7[%get3A_171, %get3A_172] {strides = array<i32>} : memref<625x64xf32, #tpu.memory_space<vmem>>, vector<16xf32>,
      %mul3A_174 = arith.constant 11.3137083 : f32
      %mul3A_175 = vector.broadcast %mul3A_174 : f32 to vector<16xf32>
      %mul3A_176 = arith.mulf %get3A_173, %mul3A_175 : vector<16xf32>
      %swap3A_177 = arith.index_cast %scan3A_163 : i32 to index
      %swap3A_178 = arith.constant 16 : index
      %swap3A_179 = tpu.vector_load %arg7[%swap3A_177, %swap3A_178] {strides = array<i32>} : memref<625x64xf32, #tpu.memory_space<vmem>>, vector<16xf32>,
      tpu.vector_store %arg7[%swap3A_177, %swap3A_178], %mul3A_176 {strides = array<i32>} : memref<625x64xf32, #tpu.memory_space<vmem>>, vector<16xf32>,
      %get3A_180 = arith.index_cast %scan3A_163 : i32 to index
      %get3A_181 = arith.constant 32 : index
      %get3A_182 = tpu.vector_load %arg7[%get3A_180, %get3A_181] {strides = array<i32>} : memref<625x64xf32, #tpu.memory_space<vmem>>, vector<16xf32>,
      %mul3A_183 = arith.constant 11.3137083 : f32
      %mul3A_184 = vector.broadcast %mul3A_183 : f32 to vector<16xf32>
      %mul3A_185 = arith.mulf %get3A_182, %mul3A_184 : vector<16xf32>
      %swap3A_186 = arith.index_cast %scan3A_163 : i32 to index
      %swap3A_187 = arith.constant 32 : index
      %swap3A_188 = tpu.vector_load %arg7[%swap3A_186, %swap3A_187] {strides = array<i32>} : memref<625x64xf32, #tpu.memory_space<vmem>>, vector<16xf32>,
      tpu.vector_store %arg7[%swap3A_186, %swap3A_187], %mul3A_185 {strides = array<i32>} : memref<625x64xf32, #tpu.memory_space<vmem>>, vector<16xf32>,
      %get3A_189 = arith.index_cast %scan3A_163 : i32 to index
      %get3A_190 = arith.constant 48 : index
      %get3A_191 = tpu.vector_load %arg7[%get3A_189, %get3A_190] {strides = array<i32>} : memref<625x64xf32, #tpu.memory_space<vmem>>, vector<16xf32>,
      %mul3A_192 = arith.constant 11.3137083 : f32
      %mul3A_193 = vector.broadcast %mul3A_192 : f32 to vector<16xf32>
      %mul3A_194 = arith.mulf %get3A_191, %mul3A_193 : vector<16xf32>
      %swap3A_195 = arith.index_cast %scan3A_163 : i32 to index
      %swap3A_196 = arith.constant 48 : index
      %swap3A_197 = tpu.vector_load %arg7[%swap3A_195, %swap3A_196] {strides = array<i32>} : memref<625x64xf32, #tpu.memory_space<vmem>>, vector<16xf32>,
      tpu.vector_store %arg7[%swap3A_195, %swap3A_196], %mul3A_194 {strides = array<i32>} : memref<625x64xf32, #tpu.memory_space<vmem>>, vector<16xf32>,
    }
    %scan3A_89 = arith.constant 625 : i32
    %add3A_90 = arith.constant 1250 : i32
    %add3A_91 = arith.addi %mul3A_2, %add3A_90 : i32
    %dma_start3A_92 = arith.constant 0 : i32
    %dma_start3A_93 = tpu.memref_slice %arg4[%add3A_91, %dma_start3A_92] : memref<101000x64xf32, #tpu.memory_space<hbm>> -> memref<625x64xf32, #tpu.memory_space<hbm>>
    %dma_start3A_94 = arith.constant 0 : i32
    %dma_start3A_95 = tpu.memref_slice %arg4[%add3A_91, %dma_start3A_94] : memref<101000x64xf32, #tpu.memory_space<hbm>> -> memref<625x64xf32, #tpu.memory_space<hbm>>
    tpu.enqueue_dma source(%arg7 : memref<625x64xf32, #tpu.memory_space<vmem>>) target(%dma_start3A_95 : memref<625x64xf32, #tpu.memory_space<hbm>>) target_semaphore(%arg14 : memref<!tpu.dma_semaphore, #tpu.memory_space<semaphore_mem>>)
    %add3A_96 = arith.constant 1875 : i32
    %add3A_97 = arith.addi %mul3A_2, %add3A_96 : i32
    %dma_wait3A_98 = arith.constant 0 : i32
    %dma_wait3A_99 = tpu.memref_slice %arg2[%add3A_97, %dma_wait3A_98] : memref<100000x64xf32, #tpu.memory_space<hbm>> -> memref<625x64xf32, #tpu.memory_space<hbm>>
    %dma_wait3A_100 = arith.constant 0 : i32
    %dma_wait3A_101 = tpu.memref_slice %arg2[%add3A_97, %dma_wait3A_100] : memref<100000x64xf32, #tpu.memory_space<hbm>> -> memref<625x64xf32, #tpu.memory_space<hbm>>
    tpu.wait_dma2 semaphore(%arg9 : memref<!tpu.dma_semaphore, #tpu.memory_space<semaphore_mem>>) src(%dma_wait3A_101 : memref<625x64xf32, #tpu.memory_space<hbm>>) dst(%arg5 : memref<625x64xf32, #tpu.memory_space<vmem>>)
    %scan3A_102 = arith.constant 0 : i32
    %scan3A_103 = arith.constant 0 : i32
    %scan3A_104 = arith.constant 625 : i32
    %scan3A_105 = arith.addi %scan3A_103, %scan3A_104 : i32
    %scan3A_106 = arith.constant 1 : i32
    scf.for %scan3A_163 = %scan3A_103 to %scan3A_105 step %scan3A_106  : i32 {
      %get3A = arith.index_cast %scan3A_163 : i32 to index
      %get3A_164 = arith.constant 0 : index
      %get3A_165 = tpu.vector_load %arg5[%get3A, %get3A_164] {strides = array<i32>} : memref<625x64xf32, #tpu.memory_space<vmem>>, vector<16xf32>,
      %mul3A_166 = arith.constant 11.3137083 : f32
      %mul3A_167 = vector.broadcast %mul3A_166 : f32 to vector<16xf32>
      %mul3A_168 = arith.mulf %get3A_165, %mul3A_167 : vector<16xf32>
      %swap3A = arith.index_cast %scan3A_163 : i32 to index
      %swap3A_169 = arith.constant 0 : index
      %swap3A_170 = tpu.vector_load %arg5[%swap3A, %swap3A_169] {strides = array<i32>} : memref<625x64xf32, #tpu.memory_space<vmem>>, vector<16xf32>,
      tpu.vector_store %arg5[%swap3A, %swap3A_169], %mul3A_168 {strides = array<i32>} : memref<625x64xf32, #tpu.memory_space<vmem>>, vector<16xf32>,
      %get3A_171 = arith.index_cast %scan3A_163 : i32 to index
      %get3A_172 = arith.constant 16 : index
      %get3A_173 = tpu.vector_load %arg5[%get3A_171, %get3A_172] {strides = array<i32>} : memref<625x64xf32, #tpu.memory_space<vmem>>, vector<16xf32>,
      %mul3A_174 = arith.constant 11.3137083 : f32
      %mul3A_175 = vector.broadcast %mul3A_174 : f32 to vector<16xf32>
      %mul3A_176 = arith.mulf %get3A_173, %mul3A_175 : vector<16xf32>
      %swap3A_177 = arith.index_cast %scan3A_163 : i32 to index
      %swap3A_178 = arith.constant 16 : index
      %swap3A_179 = tpu.vector_load %arg5[%swap3A_177, %swap3A_178] {strides = array<i32>} : memref<625x64xf32, #tpu.memory_space<vmem>>, vector<16xf32>,
      tpu.vector_store %arg5[%swap3A_177, %swap3A_178], %mul3A_176 {strides = array<i32>} : memref<625x64xf32, #tpu.memory_space<vmem>>, vector<16xf32>,
      %get3A_180 = arith.index_cast %scan3A_163 : i32 to index
      %get3A_181 = arith.constant 32 : index
      %get3A_182 = tpu.vector_load %arg5[%get3A_180, %get3A_181] {strides = array<i32>} : memref<625x64xf32, #tpu.memory_space<vmem>>, vector<16xf32>,
      %mul3A_183 = arith.constant 11.3137083 : f32
      %mul3A_184 = vector.broadcast %mul3A_183 : f32 to vector<16xf32>
      %mul3A_185 = arith.mulf %get3A_182, %mul3A_184 : vector<16xf32>
      %swap3A_186 = arith.index_cast %scan3A_163 : i32 to index
      %swap3A_187 = arith.constant 32 : index
      %swap3A_188 = tpu.vector_load %arg5[%swap3A_186, %swap3A_187] {strides = array<i32>} : memref<625x64xf32, #tpu.memory_space<vmem>>, vector<16xf32>,
      tpu.vector_store %arg5[%swap3A_186, %swap3A_187], %mul3A_185 {strides = array<i32>} : memref<625x64xf32, #tpu.memory_space<vmem>>, vector<16xf32>,
      %get3A_189 = arith.index_cast %scan3A_163 : i32 to index
      %get3A_190 = arith.constant 48 : index
      %get3A_191 = tpu.vector_load %arg5[%get3A_189, %get3A_190] {strides = array<i32>} : memref<625x64xf32, #tpu.memory_space<vmem>>, vector<16xf32>,
      %mul3A_192 = arith.constant 11.3137083 : f32
      %mul3A_193 = vector.broadcast %mul3A_192 : f32 to vector<16xf32>
      %mul3A_194 = arith.mulf %get3A_191, %mul3A_193 : vector<16xf32>
      %swap3A_195 = arith.index_cast %scan3A_163 : i32 to index
      %swap3A_196 = arith.constant 48 : index
      %swap3A_197 = tpu.vector_load %arg5[%swap3A_195, %swap3A_196] {strides = array<i32>} : memref<625x64xf32, #tpu.memory_space<vmem>>, vector<16xf32>,
      tpu.vector_store %arg5[%swap3A_195, %swap3A_196], %mul3A_194 {strides = array<i32>} : memref<625x64xf32, #tpu.memory_space<vmem>>, vector<16xf32>,
    }
    %scan3A_107 = arith.constant 625 : i32
    %add3A_108 = arith.constant 1875 : i32
    %add3A_109 = arith.addi %mul3A_2, %add3A_108 : i32
    %dma_start3A_110 = arith.constant 0 : i32
    %dma_start3A_111 = tpu.memref_slice %arg4[%add3A_109, %dma_start3A_110] : memref<101000x64xf32, #tpu.memory_space<hbm>> -> memref<625x64xf32, #tpu.memory_space<hbm>>
    %dma_start3A_112 = arith.constant 0 : i32
    %dma_start3A_113 = tpu.memref_slice %arg4[%add3A_109, %dma_start3A_112] : memref<101000x64xf32, #tpu.memory_space<hbm>> -> memref<625x64xf32, #tpu.memory_space<hbm>>
    tpu.enqueue_dma source(%arg5 : memref<625x64xf32, #tpu.memory_space<vmem>>) target(%dma_start3A_113 : memref<625x64xf32, #tpu.memory_space<hbm>>) target_semaphore(%arg12 : memref<!tpu.dma_semaphore, #tpu.memory_space<semaphore_mem>>)
    %add3A_114 = arith.constant 2500 : i32
    %add3A_115 = arith.addi %mul3A_2, %add3A_114 : i32
    %dma_wait3A_116 = arith.constant 0 : i32
    %dma_wait3A_117 = tpu.memref_slice %arg2[%add3A_115, %dma_wait3A_116] : memref<100000x64xf32, #tpu.memory_space<hbm>> -> memref<625x64xf32, #tpu.memory_space<hbm>>
    %dma_wait3A_118 = arith.constant 0 : i32
    %dma_wait3A_119 = tpu.memref_slice %arg2[%add3A_115, %dma_wait3A_118] : memref<100000x64xf32, #tpu.memory_space<hbm>> -> memref<625x64xf32, #tpu.memory_space<hbm>>
    tpu.wait_dma2 semaphore(%arg10 : memref<!tpu.dma_semaphore, #tpu.memory_space<semaphore_mem>>) src(%dma_wait3A_119 : memref<625x64xf32, #tpu.memory_space<hbm>>) dst(%arg6 : memref<625x64xf32, #tpu.memory_space<vmem>>)
    %scan3A_120 = arith.constant 0 : i32
    %scan3A_121 = arith.constant 0 : i32
    %scan3A_122 = arith.constant 625 : i32
    %scan3A_123 = arith.addi %scan3A_121, %scan3A_122 : i32
    %scan3A_124 = arith.constant 1 : i32
    scf.for %scan3A_163 = %scan3A_121 to %scan3A_123 step %scan3A_124  : i32 {
      %get3A = arith.index_cast %scan3A_163 : i32 to index
      %get3A_164 = arith.constant 0 : index
      %get3A_165 = tpu.vector_load %arg6[%get3A, %get3A_164] {strides = array<i32>} : memref<625x64xf32, #tpu.memory_space<vmem>>, vector<16xf32>,
      %mul3A_166 = arith.constant 11.3137083 : f32
      %mul3A_167 = vector.broadcast %mul3A_166 : f32 to vector<16xf32>
      %mul3A_168 = arith.mulf %get3A_165, %mul3A_167 : vector<16xf32>
      %swap3A = arith.index_cast %scan3A_163 : i32 to index
      %swap3A_169 = arith.constant 0 : index
      %swap3A_170 = tpu.vector_load %arg6[%swap3A, %swap3A_169] {strides = array<i32>} : memref<625x64xf32, #tpu.memory_space<vmem>>, vector<16xf32>,
      tpu.vector_store %arg6[%swap3A, %swap3A_169], %mul3A_168 {strides = array<i32>} : memref<625x64xf32, #tpu.memory_space<vmem>>, vector<16xf32>,
      %get3A_171 = arith.index_cast %scan3A_163 : i32 to index
      %get3A_172 = arith.constant 16 : index
      %get3A_173 = tpu.vector_load %arg6[%get3A_171, %get3A_172] {strides = array<i32>} : memref<625x64xf32, #tpu.memory_space<vmem>>, vector<16xf32>,
      %mul3A_174 = arith.constant 11.3137083 : f32
      %mul3A_175 = vector.broadcast %mul3A_174 : f32 to vector<16xf32>
      %mul3A_176 = arith.mulf %get3A_173, %mul3A_175 : vector<16xf32>
      %swap3A_177 = arith.index_cast %scan3A_163 : i32 to index
      %swap3A_178 = arith.constant 16 : index
      %swap3A_179 = tpu.vector_load %arg6[%swap3A_177, %swap3A_178] {strides = array<i32>} : memref<625x64xf32, #tpu.memory_space<vmem>>, vector<16xf32>,
      tpu.vector_store %arg6[%swap3A_177, %swap3A_178], %mul3A_176 {strides = array<i32>} : memref<625x64xf32, #tpu.memory_space<vmem>>, vector<16xf32>,
      %get3A_180 = arith.index_cast %scan3A_163 : i32 to index
      %get3A_181 = arith.constant 32 : index
      %get3A_182 = tpu.vector_load %arg6[%get3A_180, %get3A_181] {strides = array<i32>} : memref<625x64xf32, #tpu.memory_space<vmem>>, vector<16xf32>,
      %mul3A_183 = arith.constant 11.3137083 : f32
      %mul3A_184 = vector.broadcast %mul3A_183 : f32 to vector<16xf32>
      %mul3A_185 = arith.mulf %get3A_182, %mul3A_184 : vector<16xf32>
      %swap3A_186 = arith.index_cast %scan3A_163 : i32 to index
      %swap3A_187 = arith.constant 32 : index
      %swap3A_188 = tpu.vector_load %arg6[%swap3A_186, %swap3A_187] {strides = array<i32>} : memref<625x64xf32, #tpu.memory_space<vmem>>, vector<16xf32>,
      tpu.vector_store %arg6[%swap3A_186, %swap3A_187], %mul3A_185 {strides = array<i32>} : memref<625x64xf32, #tpu.memory_space<vmem>>, vector<16xf32>,
      %get3A_189 = arith.index_cast %scan3A_163 : i32 to index
      %get3A_190 = arith.constant 48 : index
      %get3A_191 = tpu.vector_load %arg6[%get3A_189, %get3A_190] {strides = array<i32>} : memref<625x64xf32, #tpu.memory_space<vmem>>, vector<16xf32>,
      %mul3A_192 = arith.constant 11.3137083 : f32
      %mul3A_193 = vector.broadcast %mul3A_192 : f32 to vector<16xf32>
      %mul3A_194 = arith.mulf %get3A_191, %mul3A_193 : vector<16xf32>
      %swap3A_195 = arith.index_cast %scan3A_163 : i32 to index
      %swap3A_196 = arith.constant 48 : index
      %swap3A_197 = tpu.vector_load %arg6[%swap3A_195, %swap3A_196] {strides = array<i32>} : memref<625x64xf32, #tpu.memory_space<vmem>>, vector<16xf32>,
      tpu.vector_store %arg6[%swap3A_195, %swap3A_196], %mul3A_194 {strides = array<i32>} : memref<625x64xf32, #tpu.memory_space<vmem>>, vector<16xf32>,
    }
    %scan3A_125 = arith.constant 625 : i32
    %add3A_126 = arith.constant 2500 : i32
    %add3A_127 = arith.addi %mul3A_2, %add3A_126 : i32
    %dma_start3A_128 = arith.constant 0 : i32
    %dma_start3A_129 = tpu.memref_slice %arg4[%add3A_127, %dma_start3A_128] : memref<101000x64xf32, #tpu.memory_space<hbm>> -> memref<625x64xf32, #tpu.memory_space<hbm>>
    %dma_start3A_130 = arith.constant 0 : i32
    %dma_start3A_131 = tpu.memref_slice %arg4[%add3A_127, %dma_start3A_130] : memref<101000x64xf32, #tpu.memory_space<hbm>> -> memref<625x64xf32, #tpu.memory_space<hbm>>
    tpu.enqueue_dma source(%arg6 : memref<625x64xf32, #tpu.memory_space<vmem>>) target(%dma_start3A_131 : memref<625x64xf32, #tpu.memory_space<hbm>>) target_semaphore(%arg13 : memref<!tpu.dma_semaphore, #tpu.memory_space<semaphore_mem>>)
    %add3A_132 = arith.constant 1250 : i32
    %add3A_133 = arith.addi %mul3A_2, %add3A_132 : i32
    %dma_wait3A_134 = arith.constant 0 : i32
    %dma_wait3A_135 = tpu.memref_slice %arg4[%add3A_133, %dma_wait3A_134] : memref<101000x64xf32, #tpu.memory_space<hbm>> -> memref<625x64xf32, #tpu.memory_space<hbm>>
    %dma_wait3A_136 = arith.constant 0 : i32
    %dma_wait3A_137 = tpu.memref_slice %arg4[%add3A_133, %dma_wait3A_136] : memref<101000x64xf32, #tpu.memory_space<hbm>> -> memref<625x64xf32, #tpu.memory_space<hbm>>
    tpu.wait_dma2 semaphore(%arg14 : memref<!tpu.dma_semaphore, #tpu.memory_space<semaphore_mem>>) src(%arg7 : memref<625x64xf32, #tpu.memory_space<vmem>>) dst(%dma_wait3A_137 : memref<625x64xf32, #tpu.memory_space<hbm>>)
    %add3A_138 = arith.constant 1875 : i32
    %add3A_139 = arith.addi %mul3A_2, %add3A_138 : i32
    %dma_wait3A_140 = arith.constant 0 : i32
    %dma_wait3A_141 = tpu.memref_slice %arg4[%add3A_139, %dma_wait3A_140] : memref<101000x64xf32, #tpu.memory_space<hbm>> -> memref<625x64xf32, #tpu.memory_space<hbm>>
    %dma_wait3A_142 = arith.constant 0 : i32
    %dma_wait3A_143 = tpu.memref_slice %arg4[%add3A_139, %dma_wait3A_142] : memref<101000x64xf32, #tpu.memory_space<hbm>> -> memref<625x64xf32, #tpu.memory_space<hbm>>
    tpu.wait_dma2 semaphore(%arg12 : memref<!tpu.dma_semaphore, #tpu.memory_space<semaphore_mem>>) src(%arg5 : memref<625x64xf32, #tpu.memory_space<vmem>>) dst(%dma_wait3A_143 : memref<625x64xf32, #tpu.memory_space<hbm>>)
    %add3A_144 = arith.constant 2500 : i32
    %add3A_145 = arith.addi %mul3A_2, %add3A_144 : i32
    %dma_wait3A_146 = arith.constant 0 : i32
    %dma_wait3A_147 = tpu.memref_slice %arg4[%add3A_145, %dma_wait3A_146] : memref<101000x64xf32, #tpu.memory_space<hbm>> -> memref<625x64xf32, #tpu.memory_space<hbm>>
    %dma_wait3A_148 = arith.constant 0 : i32
    %dma_wait3A_149 = tpu.memref_slice %arg4[%add3A_145, %dma_wait3A_148] : memref<101000x64xf32, #tpu.memory_space<hbm>> -> memref<625x64xf32, #tpu.memory_space<hbm>>
    tpu.wait_dma2 semaphore(%arg13 : memref<!tpu.dma_semaphore, #tpu.memory_space<semaphore_mem>>) src(%arg6 : memref<625x64xf32, #tpu.memory_space<vmem>>) dst(%dma_wait3A_149 : memref<625x64xf32, #tpu.memory_space<hbm>>)
    %mul3A_150 = arith.constant 32 : i32
    %mul3A_151 = arith.muli %add3A, %mul3A_150 : i32
    %lt3A = arith.constant 31 : i32
    %lt3A_152 = arith.cmpi slt, %add3A, %lt3A : i32
    %convert_element_type3A = arith.extui %lt3A_152 : i1 to i32
    %cond3A = arith.constant 0 : i32
    %cond3A_153 = arith.cmpi ne, %convert_element_type3A, %cond3A : i32
    scf.if %cond3A_153 {
      %dma_start3A_163 = arith.constant 0 : i32
      %dma_start3A_164 = arith.constant 0 : i32
      %dma_start3A_165 = tpu.memref_slice %arg5[%dma_start3A_163, %dma_start3A_164] : memref<625x64xf32, #tpu.memory_space<vmem>> -> memref<32x64xf32, #tpu.memory_space<vmem>>
      %dma_start3A_166 = arith.constant 0 : i32
      %dma_start3A_167 = tpu.memref_slice %arg3[%mul3A_151, %dma_start3A_166] : memref<1000x64xf32, #tpu.memory_space<hbm>> -> memref<32x64xf32, #tpu.memory_space<hbm>>
      %dma_start3A_168 = arith.constant 0 : i32
      %dma_start3A_169 = arith.constant 0 : i32
      %dma_start3A_170 = tpu.memref_slice %arg5[%dma_start3A_168, %dma_start3A_169] : memref<625x64xf32, #tpu.memory_space<vmem>> -> memref<32x64xf32, #tpu.memory_space<vmem>>
      %dma_start3A_171 = arith.constant 0 : i32
      %dma_start3A_172 = tpu.memref_slice %arg3[%mul3A_151, %dma_start3A_171] : memref<1000x64xf32, #tpu.memory_space<hbm>> -> memref<32x64xf32, #tpu.memory_space<hbm>>
      tpu.enqueue_dma source(%dma_start3A_172 : memref<32x64xf32, #tpu.memory_space<hbm>>) target(%dma_start3A_170 : memref<32x64xf32, #tpu.memory_space<vmem>>) target_semaphore(%arg9 : memref<!tpu.dma_semaphore, #tpu.memory_space<semaphore_mem>>)
      %dma_wait3A_173 = arith.constant 0 : i32
      %dma_wait3A_174 = arith.constant 0 : i32
      %dma_wait3A_175 = tpu.memref_slice %arg5[%dma_wait3A_173, %dma_wait3A_174] : memref<625x64xf32, #tpu.memory_space<vmem>> -> memref<32x64xf32, #tpu.memory_space<vmem>>
      %dma_wait3A_176 = arith.constant 0 : i32
      %dma_wait3A_177 = tpu.memref_slice %arg3[%mul3A_151, %dma_wait3A_176] : memref<1000x64xf32, #tpu.memory_space<hbm>> -> memref<32x64xf32, #tpu.memory_space<hbm>>
      %dma_wait3A_178 = arith.constant 0 : i32
      %dma_wait3A_179 = arith.constant 0 : i32
      %dma_wait3A_180 = tpu.memref_slice %arg5[%dma_wait3A_178, %dma_wait3A_179] : memref<625x64xf32, #tpu.memory_space<vmem>> -> memref<32x64xf32, #tpu.memory_space<vmem>>
      %dma_wait3A_181 = arith.constant 0 : i32
      %dma_wait3A_182 = tpu.memref_slice %arg3[%mul3A_151, %dma_wait3A_181] : memref<1000x64xf32, #tpu.memory_space<hbm>> -> memref<32x64xf32, #tpu.memory_space<hbm>>
      tpu.wait_dma2 semaphore(%arg9 : memref<!tpu.dma_semaphore, #tpu.memory_space<semaphore_mem>>) src(%dma_wait3A_182 : memref<32x64xf32, #tpu.memory_space<hbm>>) dst(%dma_wait3A_180 : memref<32x64xf32, #tpu.memory_space<vmem>>)
      %scan3A_183 = arith.constant 0 : i32
      %scan3A_184 = arith.constant 0 : i32
      %scan3A_185 = arith.constant 32 : i32
      %scan3A_186 = arith.addi %scan3A_184, %scan3A_185 : i32
      %scan3A_187 = arith.constant 1 : i32
      scf.for %scan3A_211 = %scan3A_184 to %scan3A_186 step %scan3A_187  : i32 {
        %get3A = arith.index_cast %scan3A_211 : i32 to index
        %get3A_212 = arith.constant 0 : index
        %get3A_213 = tpu.vector_load %arg5[%get3A, %get3A_212] {strides = array<i32>} : memref<625x64xf32, #tpu.memory_space<vmem>>, vector<16xf32>,
        %mul3A_214 = arith.constant 11.3137083 : f32
        %mul3A_215 = vector.broadcast %mul3A_214 : f32 to vector<16xf32>
        %mul3A_216 = arith.mulf %get3A_213, %mul3A_215 : vector<16xf32>
        %swap3A = arith.index_cast %scan3A_211 : i32 to index
        %swap3A_217 = arith.constant 0 : index
        %swap3A_218 = tpu.vector_load %arg5[%swap3A, %swap3A_217] {strides = array<i32>} : memref<625x64xf32, #tpu.memory_space<vmem>>, vector<16xf32>,
        tpu.vector_store %arg5[%swap3A, %swap3A_217], %mul3A_216 {strides = array<i32>} : memref<625x64xf32, #tpu.memory_space<vmem>>, vector<16xf32>,
        %get3A_219 = arith.index_cast %scan3A_211 : i32 to index
        %get3A_220 = arith.constant 16 : index
        %get3A_221 = tpu.vector_load %arg5[%get3A_219, %get3A_220] {strides = array<i32>} : memref<625x64xf32, #tpu.memory_space<vmem>>, vector<16xf32>,
        %mul3A_222 = arith.constant 11.3137083 : f32
        %mul3A_223 = vector.broadcast %mul3A_222 : f32 to vector<16xf32>
        %mul3A_224 = arith.mulf %get3A_221, %mul3A_223 : vector<16xf32>
        %swap3A_225 = arith.index_cast %scan3A_211 : i32 to index
        %swap3A_226 = arith.constant 16 : index
        %swap3A_227 = tpu.vector_load %arg5[%swap3A_225, %swap3A_226] {strides = array<i32>} : memref<625x64xf32, #tpu.memory_space<vmem>>, vector<16xf32>,
        tpu.vector_store %arg5[%swap3A_225, %swap3A_226], %mul3A_224 {strides = array<i32>} : memref<625x64xf32, #tpu.memory_space<vmem>>, vector<16xf32>,
        %get3A_228 = arith.index_cast %scan3A_211 : i32 to index
        %get3A_229 = arith.constant 32 : index
        %get3A_230 = tpu.vector_load %arg5[%get3A_228, %get3A_229] {strides = array<i32>} : memref<625x64xf32, #tpu.memory_space<vmem>>, vector<16xf32>,
        %mul3A_231 = arith.constant 11.3137083 : f32
        %mul3A_232 = vector.broadcast %mul3A_231 : f32 to vector<16xf32>
        %mul3A_233 = arith.mulf %get3A_230, %mul3A_232 : vector<16xf32>
        %swap3A_234 = arith.index_cast %scan3A_211 : i32 to index
        %swap3A_235 = arith.constant 32 : index
        %swap3A_236 = tpu.vector_load %arg5[%swap3A_234, %swap3A_235] {strides = array<i32>} : memref<625x64xf32, #tpu.memory_space<vmem>>, vector<16xf32>,
        tpu.vector_store %arg5[%swap3A_234, %swap3A_235], %mul3A_233 {strides = array<i32>} : memref<625x64xf32, #tpu.memory_space<vmem>>, vector<16xf32>,
        %get3A_237 = arith.index_cast %scan3A_211 : i32 to index
        %get3A_238 = arith.constant 48 : index
        %get3A_239 = tpu.vector_load %arg5[%get3A_237, %get3A_238] {strides = array<i32>} : memref<625x64xf32, #tpu.memory_space<vmem>>, vector<16xf32>,
        %mul3A_240 = arith.constant 11.3137083 : f32
        %mul3A_241 = vector.broadcast %mul3A_240 : f32 to vector<16xf32>
        %mul3A_242 = arith.mulf %get3A_239, %mul3A_241 : vector<16xf32>
        %swap3A_243 = arith.index_cast %scan3A_211 : i32 to index
        %swap3A_244 = arith.constant 48 : index
        %swap3A_245 = tpu.vector_load %arg5[%swap3A_243, %swap3A_244] {strides = array<i32>} : memref<625x64xf32, #tpu.memory_space<vmem>>, vector<16xf32>,
        tpu.vector_store %arg5[%swap3A_243, %swap3A_244], %mul3A_242 {strides = array<i32>} : memref<625x64xf32, #tpu.memory_space<vmem>>, vector<16xf32>,
      }
      %scan3A_188 = arith.constant 32 : i32
      %add3A_189 = arith.constant 100000 : i32
      %add3A_190 = arith.addi %add3A_189, %mul3A_151 : i32
      %dma_start3A_191 = arith.constant 0 : i32
      %dma_start3A_192 = arith.constant 0 : i32
      %dma_start3A_193 = tpu.memref_slice %arg5[%dma_start3A_191, %dma_start3A_192] : memref<625x64xf32, #tpu.memory_space<vmem>> -> memref<32x64xf32, #tpu.memory_space<vmem>>
      %dma_start3A_194 = arith.constant 0 : i32
      %dma_start3A_195 = tpu.memref_slice %arg4[%add3A_190, %dma_start3A_194] : memref<101000x64xf32, #tpu.memory_space<hbm>> -> memref<32x64xf32, #tpu.memory_space<hbm>>
      %dma_start3A_196 = arith.constant 0 : i32
      %dma_start3A_197 = tpu.memref_slice %arg4[%add3A_190, %dma_start3A_196] : memref<101000x64xf32, #tpu.memory_space<hbm>> -> memref<32x64xf32, #tpu.memory_space<hbm>>
      %dma_start3A_198 = arith.constant 0 : i32
      %dma_start3A_199 = arith.constant 0 : i32
      %dma_start3A_200 = tpu.memref_slice %arg5[%dma_start3A_198, %dma_start3A_199] : memref<625x64xf32, #tpu.memory_space<vmem>> -> memref<32x64xf32, #tpu.memory_space<vmem>>
      tpu.enqueue_dma source(%dma_start3A_200 : memref<32x64xf32, #tpu.memory_space<vmem>>) target(%dma_start3A_197 : memref<32x64xf32, #tpu.memory_space<hbm>>) target_semaphore(%arg9 : memref<!tpu.dma_semaphore, #tpu.memory_space<semaphore_mem>>)
      %dma_wait3A_201 = arith.constant 0 : i32
      %dma_wait3A_202 = arith.constant 0 : i32
      %dma_wait3A_203 = tpu.memref_slice %arg5[%dma_wait3A_201, %dma_wait3A_202] : memref<625x64xf32, #tpu.memory_space<vmem>> -> memref<32x64xf32, #tpu.memory_space<vmem>>
      %dma_wait3A_204 = arith.constant 0 : i32
      %dma_wait3A_205 = tpu.memref_slice %arg4[%add3A_190, %dma_wait3A_204] : memref<101000x64xf32, #tpu.memory_space<hbm>> -> memref<32x64xf32, #tpu.memory_space<hbm>>
      %dma_wait3A_206 = arith.constant 0 : i32
      %dma_wait3A_207 = tpu.memref_slice %arg4[%add3A_190, %dma_wait3A_206] : memref<101000x64xf32, #tpu.memory_space<hbm>> -> memref<32x64xf32, #tpu.memory_space<hbm>>
      %dma_wait3A_208 = arith.constant 0 : i32
      %dma_wait3A_209 = arith.constant 0 : i32
      %dma_wait3A_210 = tpu.memref_slice %arg5[%dma_wait3A_208, %dma_wait3A_209] : memref<625x64xf32, #tpu.memory_space<vmem>> -> memref<32x64xf32, #tpu.memory_space<vmem>>
      tpu.wait_dma2 semaphore(%arg9 : memref<!tpu.dma_semaphore, #tpu.memory_space<semaphore_mem>>) src(%dma_wait3A_210 : memref<32x64xf32, #tpu.memory_space<vmem>>) dst(%dma_wait3A_207 : memref<32x64xf32, #tpu.memory_space<hbm>>)
    } else {
    }
    %eq3A = arith.constant 31 : i32
    %eq3A_154 = arith.cmpi eq, %add3A, %eq3A : i32
    %convert_element_type3A_155 = arith.extui %eq3A_154 : i1 to i32
    %cond3A_156 = arith.constant 0 : i32
    %cond3A_157 = arith.cmpi ne, %convert_element_type3A_155, %cond3A_156 : i32
    scf.if %cond3A_157 {
      %dma_start3A_163 = arith.constant 0 : i32
      %dma_start3A_164 = arith.constant 0 : i32
      %dma_start3A_165 = tpu.memref_slice %arg5[%dma_start3A_163, %dma_start3A_164] : memref<625x64xf32, #tpu.memory_space<vmem>> -> memref<8x64xf32, #tpu.memory_space<vmem>>
      %dma_start3A_166 = arith.constant 0 : i32
      %dma_start3A_167 = tpu.memref_slice %arg3[%mul3A_151, %dma_start3A_166] : memref<1000x64xf32, #tpu.memory_space<hbm>> -> memref<8x64xf32, #tpu.memory_space<hbm>>
      %dma_start3A_168 = arith.constant 0 : i32
      %dma_start3A_169 = arith.constant 0 : i32
      %dma_start3A_170 = tpu.memref_slice %arg5[%dma_start3A_168, %dma_start3A_169] : memref<625x64xf32, #tpu.memory_space<vmem>> -> memref<8x64xf32, #tpu.memory_space<vmem>>
      %dma_start3A_171 = arith.constant 0 : i32
      %dma_start3A_172 = tpu.memref_slice %arg3[%mul3A_151, %dma_start3A_171] : memref<1000x64xf32, #tpu.memory_space<hbm>> -> memref<8x64xf32, #tpu.memory_space<hbm>>
      tpu.enqueue_dma source(%dma_start3A_172 : memref<8x64xf32, #tpu.memory_space<hbm>>) target(%dma_start3A_170 : memref<8x64xf32, #tpu.memory_space<vmem>>) target_semaphore(%arg9 : memref<!tpu.dma_semaphore, #tpu.memory_space<semaphore_mem>>)
      %dma_wait3A_173 = arith.constant 0 : i32
      %dma_wait3A_174 = arith.constant 0 : i32
      %dma_wait3A_175 = tpu.memref_slice %arg5[%dma_wait3A_173, %dma_wait3A_174] : memref<625x64xf32, #tpu.memory_space<vmem>> -> memref<8x64xf32, #tpu.memory_space<vmem>>
      %dma_wait3A_176 = arith.constant 0 : i32
      %dma_wait3A_177 = tpu.memref_slice %arg3[%mul3A_151, %dma_wait3A_176] : memref<1000x64xf32, #tpu.memory_space<hbm>> -> memref<8x64xf32, #tpu.memory_space<hbm>>
      %dma_wait3A_178 = arith.constant 0 : i32
      %dma_wait3A_179 = arith.constant 0 : i32
      %dma_wait3A_180 = tpu.memref_slice %arg5[%dma_wait3A_178, %dma_wait3A_179] : memref<625x64xf32, #tpu.memory_space<vmem>> -> memref<8x64xf32, #tpu.memory_space<vmem>>
      %dma_wait3A_181 = arith.constant 0 : i32
      %dma_wait3A_182 = tpu.memref_slice %arg3[%mul3A_151, %dma_wait3A_181] : memref<1000x64xf32, #tpu.memory_space<hbm>> -> memref<8x64xf32, #tpu.memory_space<hbm>>
      tpu.wait_dma2 semaphore(%arg9 : memref<!tpu.dma_semaphore, #tpu.memory_space<semaphore_mem>>) src(%dma_wait3A_182 : memref<8x64xf32, #tpu.memory_space<hbm>>) dst(%dma_wait3A_180 : memref<8x64xf32, #tpu.memory_space<vmem>>)
      %scan3A_183 = arith.constant 0 : i32
      %scan3A_184 = arith.constant 0 : i32
      %scan3A_185 = arith.constant 8 : i32
      %scan3A_186 = arith.addi %scan3A_184, %scan3A_185 : i32
      %scan3A_187 = arith.constant 1 : i32
      scf.for %scan3A_211 = %scan3A_184 to %scan3A_186 step %scan3A_187  : i32 {
        %get3A = arith.index_cast %scan3A_211 : i32 to index
        %get3A_212 = arith.constant 0 : index
        %get3A_213 = tpu.vector_load %arg5[%get3A, %get3A_212] {strides = array<i32>} : memref<625x64xf32, #tpu.memory_space<vmem>>, vector<16xf32>,
        %mul3A_214 = arith.constant 11.3137083 : f32
        %mul3A_215 = vector.broadcast %mul3A_214 : f32 to vector<16xf32>
        %mul3A_216 = arith.mulf %get3A_213, %mul3A_215 : vector<16xf32>
        %swap3A = arith.index_cast %scan3A_211 : i32 to index
        %swap3A_217 = arith.constant 0 : index
        %swap3A_218 = tpu.vector_load %arg5[%swap3A, %swap3A_217] {strides = array<i32>} : memref<625x64xf32, #tpu.memory_space<vmem>>, vector<16xf32>,
        tpu.vector_store %arg5[%swap3A, %swap3A_217], %mul3A_216 {strides = array<i32>} : memref<625x64xf32, #tpu.memory_space<vmem>>, vector<16xf32>,
        %get3A_219 = arith.index_cast %scan3A_211 : i32 to index
        %get3A_220 = arith.constant 16 : index
        %get3A_221 = tpu.vector_load %arg5[%get3A_219, %get3A_220] {strides = array<i32>} : memref<625x64xf32, #tpu.memory_space<vmem>>, vector<16xf32>,
        %mul3A_222 = arith.constant 11.3137083 : f32
        %mul3A_223 = vector.broadcast %mul3A_222 : f32 to vector<16xf32>
        %mul3A_224 = arith.mulf %get3A_221, %mul3A_223 : vector<16xf32>
        %swap3A_225 = arith.index_cast %scan3A_211 : i32 to index
        %swap3A_226 = arith.constant 16 : index
        %swap3A_227 = tpu.vector_load %arg5[%swap3A_225, %swap3A_226] {strides = array<i32>} : memref<625x64xf32, #tpu.memory_space<vmem>>, vector<16xf32>,
        tpu.vector_store %arg5[%swap3A_225, %swap3A_226], %mul3A_224 {strides = array<i32>} : memref<625x64xf32, #tpu.memory_space<vmem>>, vector<16xf32>,
        %get3A_228 = arith.index_cast %scan3A_211 : i32 to index
        %get3A_229 = arith.constant 32 : index
        %get3A_230 = tpu.vector_load %arg5[%get3A_228, %get3A_229] {strides = array<i32>} : memref<625x64xf32, #tpu.memory_space<vmem>>, vector<16xf32>,
        %mul3A_231 = arith.constant 11.3137083 : f32
        %mul3A_232 = vector.broadcast %mul3A_231 : f32 to vector<16xf32>
        %mul3A_233 = arith.mulf %get3A_230, %mul3A_232 : vector<16xf32>
        %swap3A_234 = arith.index_cast %scan3A_211 : i32 to index
        %swap3A_235 = arith.constant 32 : index
        %swap3A_236 = tpu.vector_load %arg5[%swap3A_234, %swap3A_235] {strides = array<i32>} : memref<625x64xf32, #tpu.memory_space<vmem>>, vector<16xf32>,
        tpu.vector_store %arg5[%swap3A_234, %swap3A_235], %mul3A_233 {strides = array<i32>} : memref<625x64xf32, #tpu.memory_space<vmem>>, vector<16xf32>,
        %get3A_237 = arith.index_cast %scan3A_211 : i32 to index
        %get3A_238 = arith.constant 48 : index
        %get3A_239 = tpu.vector_load %arg5[%get3A_237, %get3A_238] {strides = array<i32>} : memref<625x64xf32, #tpu.memory_space<vmem>>, vector<16xf32>,
        %mul3A_240 = arith.constant 11.3137083 : f32
        %mul3A_241 = vector.broadcast %mul3A_240 : f32 to vector<16xf32>
        %mul3A_242 = arith.mulf %get3A_239, %mul3A_241 : vector<16xf32>
        %swap3A_243 = arith.index_cast %scan3A_211 : i32 to index
        %swap3A_244 = arith.constant 48 : index
        %swap3A_245 = tpu.vector_load %arg5[%swap3A_243, %swap3A_244] {strides = array<i32>} : memref<625x64xf32, #tpu.memory_space<vmem>>, vector<16xf32>,
        tpu.vector_store %arg5[%swap3A_243, %swap3A_244], %mul3A_242 {strides = array<i32>} : memref<625x64xf32, #tpu.memory_space<vmem>>, vector<16xf32>,
      }
      %scan3A_188 = arith.constant 8 : i32
      %add3A_189 = arith.constant 100000 : i32
      %add3A_190 = arith.addi %add3A_189, %mul3A_151 : i32
      %dma_start3A_191 = arith.constant 0 : i32
      %dma_start3A_192 = arith.constant 0 : i32
      %dma_start3A_193 = tpu.memref_slice %arg5[%dma_start3A_191, %dma_start3A_192] : memref<625x64xf32, #tpu.memory_space<vmem>> -> memref<8x64xf32, #tpu.memory_space<vmem>>
      %dma_start3A_194 = arith.constant 0 : i32
      %dma_start3A_195 = tpu.memref_slice %arg4[%add3A_190, %dma_start3A_194] : memref<101000x64xf32, #tpu.memory_space<hbm>> -> memref<8x64xf32, #tpu.memory_space<hbm>>
      %dma_start3A_196 = arith.constant 0 : i32
      %dma_start3A_197 = tpu.memref_slice %arg4[%add3A_190, %dma_start3A_196] : memref<101000x64xf32, #tpu.memory_space<hbm>> -> memref<8x64xf32, #tpu.memory_space<hbm>>
      %dma_start3A_198 = arith.constant 0 : i32
      %dma_start3A_199 = arith.constant 0 : i32
      %dma_start3A_200 = tpu.memref_slice %arg5[%dma_start3A_198, %dma_start3A_199] : memref<625x64xf32, #tpu.memory_space<vmem>> -> memref<8x64xf32, #tpu.memory_space<vmem>>
      tpu.enqueue_dma source(%dma_start3A_200 : memref<8x64xf32, #tpu.memory_space<vmem>>) target(%dma_start3A_197 : memref<8x64xf32, #tpu.memory_space<hbm>>) target_semaphore(%arg9 : memref<!tpu.dma_semaphore, #tpu.memory_space<semaphore_mem>>)
      %dma_wait3A_201 = arith.constant 0 : i32
      %dma_wait3A_202 = arith.constant 0 : i32
      %dma_wait3A_203 = tpu.memref_slice %arg5[%dma_wait3A_201, %dma_wait3A_202] : memref<625x64xf32, #tpu.memory_space<vmem>> -> memref<8x64xf32, #tpu.memory_space<vmem>>
      %dma_wait3A_204 = arith.constant 0 : i32
      %dma_wait3A_205 = tpu.memref_slice %arg4[%add3A_190, %dma_wait3A_204] : memref<101000x64xf32, #tpu.memory_space<hbm>> -> memref<8x64xf32, #tpu.memory_space<hbm>>
      %dma_wait3A_206 = arith.constant 0 : i32
      %dma_wait3A_207 = tpu.memref_slice %arg4[%add3A_190, %dma_wait3A_206] : memref<101000x64xf32, #tpu.memory_space<hbm>> -> memref<8x64xf32, #tpu.memory_space<hbm>>
      %dma_wait3A_208 = arith.constant 0 : i32
      %dma_wait3A_209 = arith.constant 0 : i32
      %dma_wait3A_210 = tpu.memref_slice %arg5[%dma_wait3A_208, %dma_wait3A_209] : memref<625x64xf32, #tpu.memory_space<vmem>> -> memref<8x64xf32, #tpu.memory_space<vmem>>
      tpu.wait_dma2 semaphore(%arg9 : memref<!tpu.dma_semaphore, #tpu.memory_space<semaphore_mem>>) src(%dma_wait3A_210 : memref<8x64xf32, #tpu.memory_space<vmem>>) dst(%dma_wait3A_207 : memref<8x64xf32, #tpu.memory_space<hbm>>)
    } else {
    }
    %eq3A_158 = arith.constant 0 : i32
    %eq3A_159 = arith.cmpi eq, %add3A, %eq3A_158 : i32
    %convert_element_type3A_160 = arith.extui %eq3A_159 : i1 to i32
    %cond3A_161 = arith.constant 0 : i32
    %cond3A_162 = arith.cmpi ne, %convert_element_type3A_160, %cond3A_161 : i32
    scf.if %cond3A_162 {
      %broadcast_in_dim3A = arith.constant 0.000000e+00 : f32
      %broadcast_in_dim3A_163 = vector.broadcast %broadcast_in_dim3A : f32 to vector<16xf32>
      %swap3A = arith.constant 0 : i32
      %swap3A_164 = arith.index_cast %swap3A : i32 to index
      %swap3A_165 = arith.constant 0 : index
      %swap3A_166 = tpu.vector_load %arg8[%swap3A_164, %swap3A_165] {strides = array<i32>} : memref<1x64xf32, #tpu.memory_space<vmem>>, vector<16xf32>,
      tpu.vector_store %arg8[%swap3A_164, %swap3A_165], %broadcast_in_dim3A_163 {strides = array<i32>} : memref<1x64xf32, #tpu.memory_space<vmem>>, vector<16xf32>,
      %swap3A_167 = arith.constant 0 : i32
      %swap3A_168 = arith.index_cast %swap3A_167 : i32 to index
      %swap3A_169 = arith.constant 16 : index
      %swap3A_170 = tpu.vector_load %arg8[%swap3A_168, %swap3A_169] {strides = array<i32>} : memref<1x64xf32, #tpu.memory_space<vmem>>, vector<16xf32>,
      tpu.vector_store %arg8[%swap3A_168, %swap3A_169], %broadcast_in_dim3A_163 {strides = array<i32>} : memref<1x64xf32, #tpu.memory_space<vmem>>, vector<16xf32>,
      %swap3A_171 = arith.constant 0 : i32
      %swap3A_172 = arith.index_cast %swap3A_171 : i32 to index
      %swap3A_173 = arith.constant 32 : index
      %swap3A_174 = tpu.vector_load %arg8[%swap3A_172, %swap3A_173] {strides = array<i32>} : memref<1x64xf32, #tpu.memory_space<vmem>>, vector<16xf32>,
      tpu.vector_store %arg8[%swap3A_172, %swap3A_173], %broadcast_in_dim3A_163 {strides = array<i32>} : memref<1x64xf32, #tpu.memory_space<vmem>>, vector<16xf32>,
      %swap3A_175 = arith.constant 0 : i32
      %swap3A_176 = arith.index_cast %swap3A_175 : i32 to index
      %swap3A_177 = arith.constant 48 : index
      %swap3A_178 = tpu.vector_load %arg8[%swap3A_176, %swap3A_177] {strides = array<i32>} : memref<1x64xf32, #tpu.memory_space<vmem>>, vector<16xf32>,
      tpu.vector_store %arg8[%swap3A_176, %swap3A_177], %broadcast_in_dim3A_163 {strides = array<i32>} : memref<1x64xf32, #tpu.memory_space<vmem>>, vector<16xf32>,
      %dma_start3A_179 = arith.constant 0 : i32
      %dma_start3A_180 = arith.constant 0 : i32
      %dma_start3A_181 = tpu.memref_slice %arg4[%dma_start3A_179, %dma_start3A_180] : memref<101000x64xf32, #tpu.memory_space<hbm>> -> memref<1x64xf32, #tpu.memory_space<hbm>>
      %dma_start3A_182 = arith.constant 0 : i32
      %dma_start3A_183 = arith.constant 0 : i32
      %dma_start3A_184 = tpu.memref_slice %arg4[%dma_start3A_182, %dma_start3A_183] : memref<101000x64xf32, #tpu.memory_space<hbm>> -> memref<1x64xf32, #tpu.memory_space<hbm>>
      tpu.enqueue_dma source(%arg8 : memref<1x64xf32, #tpu.memory_space<vmem>>) target(%dma_start3A_184 : memref<1x64xf32, #tpu.memory_space<hbm>>) target_semaphore(%arg9 : memref<!tpu.dma_semaphore, #tpu.memory_space<semaphore_mem>>)
      %dma_wait3A_185 = arith.constant 0 : i32
      %dma_wait3A_186 = arith.constant 0 : i32
      %dma_wait3A_187 = tpu.memref_slice %arg4[%dma_wait3A_185, %dma_wait3A_186] : memref<101000x64xf32, #tpu.memory_space<hbm>> -> memref<1x64xf32, #tpu.memory_space<hbm>>
      %dma_wait3A_188 = arith.constant 0 : i32
      %dma_wait3A_189 = arith.constant 0 : i32
      %dma_wait3A_190 = tpu.memref_slice %arg4[%dma_wait3A_188, %dma_wait3A_189] : memref<101000x64xf32, #tpu.memory_space<hbm>> -> memref<1x64xf32, #tpu.memory_space<hbm>>
      tpu.wait_dma2 semaphore(%arg9 : memref<!tpu.dma_semaphore, #tpu.memory_space<semaphore_mem>>) src(%arg8 : memref<1x64xf32, #tpu.memory_space<vmem>>) dst(%dma_wait3A_190 : memref<1x64xf32, #tpu.memory_space<hbm>>)
      %broadcast_in_dim3A_191 = arith.constant 0.000000e+00 : f32
      %broadcast_in_dim3A_192 = vector.broadcast %broadcast_in_dim3A_191 : f32 to vector<16xf32>
      %swap3A_193 = arith.constant 0 : i32
      %swap3A_194 = arith.index_cast %swap3A_193 : i32 to index
      %swap3A_195 = arith.constant 0 : index
      %swap3A_196 = tpu.vector_load %arg8[%swap3A_194, %swap3A_195] {strides = array<i32>} : memref<1x64xf32, #tpu.memory_space<vmem>>, vector<16xf32>,
      tpu.vector_store %arg8[%swap3A_194, %swap3A_195], %broadcast_in_dim3A_192 {strides = array<i32>} : memref<1x64xf32, #tpu.memory_space<vmem>>, vector<16xf32>,
      %swap3A_197 = arith.constant 0 : i32
      %swap3A_198 = arith.index_cast %swap3A_197 : i32 to index
      %swap3A_199 = arith.constant 16 : index
      %swap3A_200 = tpu.vector_load %arg8[%swap3A_198, %swap3A_199] {strides = array<i32>} : memref<1x64xf32, #tpu.memory_space<vmem>>, vector<16xf32>,
      tpu.vector_store %arg8[%swap3A_198, %swap3A_199], %broadcast_in_dim3A_192 {strides = array<i32>} : memref<1x64xf32, #tpu.memory_space<vmem>>, vector<16xf32>,
      %swap3A_201 = arith.constant 0 : i32
      %swap3A_202 = arith.index_cast %swap3A_201 : i32 to index
      %swap3A_203 = arith.constant 32 : index
      %swap3A_204 = tpu.vector_load %arg8[%swap3A_202, %swap3A_203] {strides = array<i32>} : memref<1x64xf32, #tpu.memory_space<vmem>>, vector<16xf32>,
      tpu.vector_store %arg8[%swap3A_202, %swap3A_203], %broadcast_in_dim3A_192 {strides = array<i32>} : memref<1x64xf32, #tpu.memory_space<vmem>>, vector<16xf32>,
      %swap3A_205 = arith.constant 0 : i32
      %swap3A_206 = arith.index_cast %swap3A_205 : i32 to index
      %swap3A_207 = arith.constant 48 : index
      %swap3A_208 = tpu.vector_load %arg8[%swap3A_206, %swap3A_207] {strides = array<i32>} : memref<1x64xf32, #tpu.memory_space<vmem>>, vector<16xf32>,
      tpu.vector_store %arg8[%swap3A_206, %swap3A_207], %broadcast_in_dim3A_192 {strides = array<i32>} : memref<1x64xf32, #tpu.memory_space<vmem>>, vector<16xf32>,
      %dma_start3A_209 = arith.constant 100000 : i32
      %dma_start3A_210 = arith.constant 0 : i32
      %dma_start3A_211 = tpu.memref_slice %arg4[%dma_start3A_209, %dma_start3A_210] : memref<101000x64xf32, #tpu.memory_space<hbm>> -> memref<1x64xf32, #tpu.memory_space<hbm>>
      %dma_start3A_212 = arith.constant 100000 : i32
      %dma_start3A_213 = arith.constant 0 : i32
      %dma_start3A_214 = tpu.memref_slice %arg4[%dma_start3A_212, %dma_start3A_213] : memref<101000x64xf32, #tpu.memory_space<hbm>> -> memref<1x64xf32, #tpu.memory_space<hbm>>
      tpu.enqueue_dma source(%arg8 : memref<1x64xf32, #tpu.memory_space<vmem>>) target(%dma_start3A_214 : memref<1x64xf32, #tpu.memory_space<hbm>>) target_semaphore(%arg9 : memref<!tpu.dma_semaphore, #tpu.memory_space<semaphore_mem>>)
      %dma_wait3A_215 = arith.constant 100000 : i32
      %dma_wait3A_216 = arith.constant 0 : i32
      %dma_wait3A_217 = tpu.memref_slice %arg4[%dma_wait3A_215, %dma_wait3A_216] : memref<101000x64xf32, #tpu.memory_space<hbm>> -> memref<1x64xf32, #tpu.memory_space<hbm>>
      %dma_wait3A_218 = arith.constant 100000 : i32
      %dma_wait3A_219 = arith.constant 0 : i32
      %dma_wait3A_220 = tpu.memref_slice %arg4[%dma_wait3A_218, %dma_wait3A_219] : memref<101000x64xf32, #tpu.memory_space<hbm>> -> memref<1x64xf32, #tpu.memory_space<hbm>>
      tpu.wait_dma2 semaphore(%arg9 : memref<!tpu.dma_semaphore, #tpu.memory_space<semaphore_mem>>) src(%arg8 : memref<1x64xf32, #tpu.memory_space<vmem>>) dst(%dma_wait3A_220 : memref<1x64xf32, #tpu.memory_space<hbm>>)
    } else {
    }
    return
  }
}

</mosaic_0001>

<sc_bundles>
// kernel: kernel.4.cloned.1.call-start
scs
__scs_entry_jumppad:
0x0: {  	(pc) =	sbr.rel $0x88, $3  }
0x1: {  	(tag) =	ssettag $0x0;
	lr =	simm.s32 $0x1  }
0x2: {  	[smem:$0x3F9D] =	sst lr;
	_ =	strace $0xD0000000  }
0x3: {  	_ = 	snop  }
0x4: {  	_ = 	snop  }
0x5: {  	_ = 	snop  }
0x6: {  	_ = 	snop  }
0x7: {  	_ = 	snop  }
__scs_overlays_trampoline_lowered:
0x8: {  	[smem:$0x3FAC] =	sst s0  }
0x9: {  	[smem:$0x3FAD] =	sst s1  }
0xa: {  	[smem:$0x3FAE] =	sst s2  }
0xb: {  	[smem:$0x3FAF] =	sst s3  }
0xc: {  	[smem:$0x3FB0] =	sst s4  }
0xd: {  	[smem:$0x3FB1] =	sst s5  }
0xe: {  	[smem:$0x3FB2] =	sst s6  }
0xf: {  	[smem:$0x3FB3] =	sst s7  }
0x10: {  	[smem:$0x3FB4] =	sst s8  }
0x11: {  	[smem:$0x3FB5] =	sst s9;
	s0 =	simm.s32 @!p0 $0x0  }
0x12: {  	s1 =	sld [smem:$0x3F9B];
	s0 =	simm.s32 @p0 $0x1  }
0x13: {  	[smem:$0x3FB6] =	sst s0;
	s0 =	simm.s32 @!p1 $0x0  }
0x14: {  	s2 =	sld [smem:$0x3F9A];
	s0 =	simm.s32 @p1 $0x1  }
0x15: {  	[smem:$0x3FB7] =	sst s0;
	s0 =	simm.s32 @!p2 $0x0  }
0x16: {  	s3 =	sld [smem:$0x3FDB];
	s0 =	simm.s32 @p2 $0x1  }
0x17: {  	s4 =	simm.s32 $0x1BF5;
	[smem:$0x3FB9] =	sst s0  }
0x18: {  	s0 =	sld [smem:$0x3F9C];
	_ =	swait.ge [sflag:s4], $0x0  }
0x19: {  	s7 =	sld [smem:$0x3F9D]  }
0x1a: {  	s8 =	sadd.s32 $0xFFFFE003, lr  }
0x1b: {  	s9 =	sadd.s32 $0xFFFFFEF7, lr;
	s5 =	simm.s32 $0xFFFFFFFF;
	p2 =	slt.u32 s8, $0xFFFFF086  }
0x1c: {  	p1 =	slt.u32 s9, $0xF7A;
	s5 =	simm.s32 @!p2 $0x0  }
0x1d: {  	s5 =	simm.s32 @p1 $0x1;
	p0 =	seq.s32 s7, s2  }
0x1e: {  	s7 =	smul.u32 @!p0 $0xF7A, s2;
	p2 =	seq.s32 @!p0 s5, $0x0  }
0x1f: {  	s9 =	smul.u32 $0xF7A, s1;
	s8 =	simm.s32 @!p0 $0x1BF5;
	p2 =	por !p2, p0  }
0x20: {  	[sflag:s8] =	ssyncset.s32 @!p0 $0xFFFFF086;
	s6 =	sadd.s32 @!p0 s3, s7;
	s7 =	simm.s32 @!p0 $0x108  }
0x21: {  	s3 =	sadd.s32 s3, s9;
	s6 =	sadd.s32 @!p0 $0x88, s6;
	s7 =	simm.s32 @p2 $0x1082  }
0x22: {  	[simem:s7], [sflag:s8] =	dma.local @!p0 [hbm:s6], $0xF7A  }
0x23: {  	s9 =	sor.u32 $0xD0000000, s2;
	s6 =	simm.s32 $0x108;
	_ =	swait.ge @!p0 [sflag:s8], $0x0  }
0x24: {  	s3 =	sadd.s32 $0x88, s3;
	s6 =	simm.s32 @!p1 $0x1082;
	[sflag:s4] =	ssyncset.s32 $0xFFFFF086  }
0x25: {  	[simem:s6], [sflag:s4] =	dma.local [hbm:s3], $0xF7A  }
0x26: {  	[smem:$0x3F9D] =	sst s1;
	(tag) =	ssettag s2;
	_ =	strace s9  }
0x27: {  	s1 =	sld [smem:$0x3FAD]  }
0x28: {  	s2 =	sld [smem:$0x3FAE]  }
0x29: {  	s4 =	sld [smem:$0x3FB0]  }
0x2a: {  	p0 =	seq.s32 s5, $0x0;
	s5 =	sld [smem:$0x3FB1]  }
0x2b: {  	s6 =	sld [smem:$0x3FB2]  }
0x2c: {  	s7 =	sld [smem:$0x3FB3]  }
0x2d: {  	s3 =	simm.s32 $0x108;
	s8 =	sld [smem:$0x3FB4]  }
0x2e: {  	s3 =	simm.s32 @!p0 $0x1082;
	s9 =	sld [smem:$0x3FB5]  }
0x2f: {  	lr =	sadd.s32 s0, s3;
	s0 =	sld [smem:$0x3FAC]  }
0x30: {  	s3 =	sld [smem:$0x3FAF]  }
0x31: {  	[smem:$0x3FB8] =	sst s10  }
0x32: {  	s10 =	sld [smem:$0x3FB6];
	_ =	sdelay $0x3  }
0x33: {  	p0 =	seq.s32 s10, $0x1;
	s10 =	sld [smem:$0x3FB8];
	_ =	sdelay $0x3  }
0x34: {  	[smem:$0x3FB8] =	sst s10  }
0x35: {  	s10 =	sld [smem:$0x3FB7];
	_ =	sdelay $0x3  }
0x36: {  	p1 =	seq.s32 s10, $0x1;
	s10 =	sld [smem:$0x3FB8];
	_ =	sdelay $0x3  }
0x37: {  	[smem:$0x3FB8] =	sst s10  }
0x38: {  	s10 =	sld [smem:$0x3FB9]  }
0x39: {  	_ = 	snop;
	(pc) =	sbr.ind lr, $3  }
0x3a: {  	_ = 	snop  }
0x3b: {  	_ = 	snop  }
0x3c: {  	p2 =	seq.s32 s10, $0x1;
	s10 =	sld [smem:$0x3FB8]  }
0x3d: {  	_ =	shalt  }
0x3e: {  	_ =	shalt  }
0x3f: {  	_ =	shalt  }
0x40: {  	_ =	shalt  }
0x41: {  	_ =	shalt  }
0x42: {  	_ =	shalt  }
0x43: {  	_ =	shalt  }
0x44: {  	_ =	shalt  }
0x45: {  	_ =	shalt  }
0x46: {  	_ =	shalt  }
0x47: {  	_ =	shalt  }
0x48: {  	_ =	shalt  }
0x49: {  	_ =	shalt  }
0x4a: {  	_ =	shalt  }
0x4b: {  	_ =	shalt  }
0x4c: {  	_ =	shalt  }
0x4d: {  	_ =	shalt  }
0x4e: {  	_ =	shalt  }
0x4f: {  	_ =	shalt  }
0x50: {  	_ =	shalt  }
0x51: {  	_ =	shalt  }
0x52: {  	_ =	shalt  }
0x53: {  	_ =	shalt  }
0x54: {  	_ =	shalt  }
0x55: {  	_ =	shalt  }
0x56: {  	_ =	shalt  }
0x57: {  	_ =	shalt  }
0x58: {  	_ =	shalt  }
0x59: {  	_ =	shalt  }
0x5a: {  	_ =	shalt  }
0x5b: {  	_ =	shalt  }
0x5c: {  	_ =	shalt  }
0x5d: {  	_ =	shalt  }
0x5e: {  	_ =	shalt  }
0x5f: {  	_ =	shalt  }
0x60: {  	_ =	shalt  }
0x61: {  	_ =	shalt  }
0x62: {  	_ =	shalt  }
0x63: {  	_ =	shalt  }
0x64: {  	_ =	shalt  }
0x65: {  	_ =	shalt  }
0x66: {  	_ =	shalt  }
0x67: {  	_ =	shalt  }
0x68: {  	_ =	shalt  }
0x69: {  	_ =	shalt  }
0x6a: {  	_ =	shalt  }
0x6b: {  	_ =	shalt  }
0x6c: {  	_ =	shalt  }
0x6d: {  	_ =	shalt  }
0x6e: {  	_ =	shalt  }
0x6f: {  	_ =	shalt  }
0x70: {  	_ =	shalt  }
0x71: {  	_ =	shalt  }
0x72: {  	_ =	shalt  }
0x73: {  	_ =	shalt  }
0x74: {  	_ =	shalt  }
0x75: {  	_ =	shalt  }
0x76: {  	_ =	shalt  }
0x77: {  	_ =	shalt  }
0x78: {  	_ =	shalt  }
0x79: {  	_ =	shalt  }
0x7a: {  	_ =	shalt  }
0x7b: {  	_ =	shalt  }
0x7c: {  	_ =	shalt  }
0x7d: {  	_ =	shalt  }
0x7e: {  	_ =	shalt  }
0x7f: {  	_ =	shalt  }
0x80: {  	_ =	shalt  }
0x81: {  	_ =	shalt  }
0x82: {  	_ =	shalt  }
0x83: {  	_ =	shalt  }
0x84: {  	_ =	shalt  }
0x85: {  	_ =	shalt  }
0x86: {  	_ =	shalt  }
0x87: {  	_ =	shalt  }
.Lfunc_end0:
.L_simem_size_0:
called_computation_lowered:
.L_overlay_start_0:
0x88: {  	s2 =	sld [smem:$0x3FD9]  }
0x89: {  	s3 =	sld [smem:$0x3FFE];
	_ =	sdelay $0x1  }
0x8a: {  	s1 =	srdreg.scid  }
0x8b: {  	s0 =	sand.u32 $0x1, s1  }
0x8c: {  	s16 =	sshll.u32 s0, $0xA;
	s2 =	sadd.s32 s3, s2  }
0x8d: {  	s2 =	sadd.s32 s2, s16  }
0x8e: {  	[smem:$0x3FC4] =	sst s2  }
0x8f: {  	_ = 	snop  }
0x90: {  	(tm) =	ssettm $0x1  }
0x91: {  	s17 =	sld [smem:$0x3FFB];
	_ =	sdelay $0x3  }
0x92: {  	_ =	strace s17  }
0x93: {  	s2 =	sld [smem:$0x3FFC];
	_ =	sdelay $0x3  }
0x94: {  	_ =	strace s2  }
0x95: {  	s2 =	sld [smem:$0x3FFD];
	_ =	sdelay $0x3  }
0x96: {  	_ =	strace s2  }
0x97: {  	_ =	strace $0x8FFFFFFF  }
0x98: {  	s18 =	sld [smem:$0x3FDB];
	_ =	sdelay $0x1  }
0x99: {  	s19 =	simm.s32 $_scs_section_size  }
0x9a: {  	s4 =	simm.s32 $_size__tile_overlayer_lowered;
	s5 =	simm.s32 $_tile_overlayer_lowered  }
0x9b: {  	s22 =	simm.s32 $0x1BFF;
	s21 =	sshll.u32 s5, $0x1;
	s2 =	sadd.s32 s19, s18  }
0x9c: {  	s6 =	simm.s32 $0x0;
	s20 =	sshll.u32 s4, $0x1;
	s4 =	sadd.s32 s21, s2  }
0x9d: {  	[timem:s6], [sflag:s22] =	dma.local [hbm:s4], s20  }
0x9e: {  	_ =	swait.ge [sflag:s22], s20  }
0x9f: {  	s3 =	ssub.s32 $0x0, s20;
	[sflag:s22] =	ssyncset.done $0x0  }
0xa0: {  	[sflag:s22] =	ssyncadd.s32 s3;
	_ =	sdelay $0x1  }
0xa1: {  	s23 =	simm.s32 $0x1B8B  }
0xa2: {  	_ =	swait.ge [sflag:s23], $0x1  }
0xa3: {  	[sflag:s23] =	ssyncset.done $0x0  }
0xa4: {  	s25 =	simm.s32 $0x1B8E;
	s24 =	sld [smem:$0x3FFE];
	[sflag:s23] =	ssyncadd.s32 $0xFFFFFFFF  }
0xa5: {  	s26 =	simm.s32 $execute0_lowered;
	[smem:$0x3FD2] =	sst s25  }
0xa6: {  	s4 =	sshll.u32 s26, $0x1;
	_ =	strace $0x80000046;
	[dreg:$0x1] =	wrdreg $0xFFFFFFFF  }
0xa7: {  	s28 =	simm.s32 $_size_execute0_lowered;
	s2 =	sadd.s32 s2, s4;
	[dreg:$0x0] =	wrdreg $0x0  }
0xa8: {  	s4 =	sshll.u32 s28, $0x1;
	[dreg:$0x2] =	wrdreg s2  }
0xa9: {  	[dreg:$0x3] =	wrdreg s4  }
0xaa: {  	[dreg:$0x4] =	wrdreg $0xC0  }
0xab: {  	_ =	task [dreg:s6], $0x5FFFF  }
0xac: {  	[dreg:$0x1] =	wrdreg $0xFFFFFFFF  }
0xad: {  	[dreg:$0x0] =	wrdreg $0x60  }
0xae: {  	[dreg:$0x2] =	wrdreg s24  }
0xaf: {  	[dreg:$0x3] =	wrdreg $0x9  }
0xb0: {  	_ =	task.clear_ibuf [dreg:s6], $0x4FFFF;
	_ =	strace $0x90000046  }
0xb1: {  	s29 =	simm.s32 $0x9;
	_ =	strace $0x80000048  }
0xb2: {  	_ =	swait.ge [sflag:s29], $0x1  }
0xb3: {  	[sflag:s29] =	ssyncadd.s32 $0xFFFFFFFF  }
0xb4: {  	_ =	strace $0x90000048  }
0xb5: {  	_ =	sfence  }
0xb6: {  	s30 =	sld [smem:$0x0];
	_ =	sdelay $0x2  }
0xb7: {  	s31 =	sshll.u32 s1, $0xD;
	s1 =	sshrl.u32 s1, $0x2  }
0xb8: {  	s3 =	sand.u32 $0x4000, s31;
	s1 =	sadd.s32 s1, s30  }
0xb9: {  	s0 =	sor.u32 s3, s0;
	s1 =	sshll.u32 s1, $0x11  }
0xba: {  	s0 =	sor.u32 s1, s0  }
0xbb: {  	s0 =	sadd.s32 $0x8F2B, s0  }
0xbc: {  	[sflag:s0] =	ssyncadd.remote.s32 $0x1  }
0xbd: {  	_ =	sfence.sel $0xFFFF  }
0xbe: {  	[dreg:$0x0] =	wrdreg $0xFFFFFFFF;
	(pc) =	sbr.abs _section_cstart, $3  }
0xbf: {  	[dreg:$0x1] =	wrdreg $0xFFFFFFFF  }
0xc0: {  	_ =	task.clear_ibuf [dreg:s6], $0x2FFFF;
	_ =	strace $0x9FFFFFFF  }
0xc1: {  	(tm) =	ssettm $0x7FFFFFFF  }
tec
execute0_lowered:
.L_overlay_start_1:
0x0: {  	(tag) =	ssettag $0x1  }
0x1: {  	s17 =	rddreg [dreg:$0x0]  }
0x2: {  	s0 =	rddreg [dreg:$0x1]  }
0x3: {  	s3 =	srdreg.scid;
	s1 =	stileid.u32  }
0x4: {  	s2 =	simm.s32 $0x0;
	s19 =	simm.s32 $0x9C40;
	s20 =	simm.s32 $0x13880  }
0x5: {  	s21 =	simm.s32 $0x1;
	s22 =	simm.s32 $0x4;
	s23 =	simm.s32 $0x2  }
0x6: {  	s24 =	simm.s32 $0x5;
	s26 =	simm.s32 $0x6;
	s28 =	simm.s32 $0x0  }
0x7: {  	s3 =	sand.u32 $0x1, s3;
	s4 =	sshll.u32 s1, $0x1;
	[smem:$0x7FF] =	sst s2  }
0x8: {  	s10 =	sadd.s32 $0x2C00, s17;
	s25 =	sor.u32 s3, s4;
	_ =	strace $0x80000047  }
0x9: {  	s5 =	ssub.s32 $0x2, s3;
	s3 =	sadd.s32 $0xC6200, s17;
	s4 =	smul.u32 $0x30D40, s25  }
0xa: {  	s15 =	sshll.u32 s25, $0x8;
	s6 =	sshrl.u32 s5, $0x1;
	s7 =	smul.u32 $0x61A8, s25  }
0xb: {  	p0 =	seq.s32 s25, $0x1F;
	p1 =	seq.s32 s25, $0x0;
	s25 =	simm.s32 $0x3  }
0xc: {  	s14 =	sadd.s32 s15, s17;
	s18 =	ssub.s32 s5, s6;
	s15 =	sadd.s32 s3, s15  }
0xd: {  	s11 =	sshrl.u32 s4, $0x3;
	s4 =	sadd.s32 s10, s7;
	s7 =	sadd.s32 s3, s7  }
0xe: {  	s14 =	sadd.s32 $0xC00, s14;
	s15 =	sadd.s32 $0xC3500, s15;
	s18 =	smax.u32 s18, $0x1  }
.Ltmp0:
0xf: {  	s9 =	sadd.s32 $0x1388, s11;
	s12 =	sadd.s32 $0x2710, s11;
	(pc) =	sbr.rel .LBB2_1-.Ltmp0, $4  }
0x10: {  	s13 =	sadd.s32 $0x3A98, s11;
	s16 =	sadd.s32 $0x4E20, s11;
	s5 =	sadd.s32 s10, s9  }
0x11: {  	s6 =	sadd.s32 s10, s12;
	s8 =	sadd.s32 s10, s13;
	s9 =	sadd.s32 s3, s9  }
0x12: {  	s10 =	sadd.s32 s10, s16;
	s11 =	sadd.s32 s3, s12;
	s12 =	sadd.s32 s3, s13  }
0x13: {  	s13 =	sadd.s32 s3, s16;
	s16 =	sadd.s32 $0x189700, s17;
	s17 =	sadd.s32 $0x2B00, s17  }
.LBB2_15:
0x14: {  	[tilespmem:s2], [sflag:$0x1] =	stream.linear.gather [hbm4b:s17+s2], $0x200, $0x38;
	[tilespmem:$0x1D500] =	vst v63  }
0x15: {  	_ =	swait.ge [sflag:s21], $0x200  }
0x16: {  	[sflag:s21] =	ssyncset.done $0x0  }
0x17: {  	[sflag:s21] =	ssyncadd.s32 $0xFFFFFE00  }
0x18: {  	v0 =	vld [tilespmem:$0x0]  }
0x19: {  	v1 =	vld [tilespmem:$0x10]  }
0x1a: {  	v2 =	vld [tilespmem:$0x20]  }
0x1b: {  	v3 =	vld [tilespmem:$0x30]  }
0x1c: {  	v4 =	vld [tilespmem:$0x40]  }
0x1d: {  	v5 =	vld [tilespmem:$0x50];
	v0 =	vmul.f32 $1.131370830e+01, v0  }
0x1e: {  	v6 =	vld [tilespmem:$0x60];
	v1 =	vmul.f32 $1.131370830e+01, v1  }
0x1f: {  	v10 =	vld [tilespmem:$0x70];
	v9 =	vmul.f32 $1.131370830e+01, v2;
	[tilespmem:$0x0] =	vst v0  }
0x20: {  	v12 =	vld [tilespmem:$0x80];
	v11 =	vmul.f32 $1.131370830e+01, v3;
	[tilespmem:$0x10] =	vst v1  }
0x21: {  	v14 =	vld [tilespmem:$0x90];
	v13 =	vmul.f32 $1.131370830e+01, v4;
	[tilespmem:$0x20] =	vst v9  }
0x22: {  	v16 =	vld [tilespmem:$0xA0];
	v15 =	vmul.f32 $1.131370830e+01, v5;
	[tilespmem:$0x30] =	vst v11  }
0x23: {  	v18 =	vld [tilespmem:$0xB0];
	v17 =	vmul.f32 $1.131370830e+01, v6;
	[tilespmem:$0x40] =	vst v13  }
0x24: {  	v20 =	vld [tilespmem:$0xC0];
	v19 =	vmul.f32 $1.131370830e+01, v10;
	[tilespmem:$0x50] =	vst v15  }
0x25: {  	v22 =	vld [tilespmem:$0xD0];
	v21 =	vmul.f32 $1.131370830e+01, v12;
	[tilespmem:$0x60] =	vst v17  }
0x26: {  	v24 =	vld [tilespmem:$0xE0];
	v23 =	vmul.f32 $1.131370830e+01, v14;
	[tilespmem:$0x70] =	vst v19  }
0x27: {  	v26 =	vld [tilespmem:$0xF0];
	v25 =	vmul.f32 $1.131370830e+01, v16;
	[tilespmem:$0x80] =	vst v21  }
0x28: {  	v28 =	vld [tilespmem:$0x100];
	v27 =	vmul.f32 $1.131370830e+01, v18;
	[tilespmem:$0x90] =	vst v23  }
0x29: {  	v30 =	vld [tilespmem:$0x110];
	v29 =	vmul.f32 $1.131370830e+01, v20;
	[tilespmem:$0xA0] =	vst v25  }
0x2a: {  	v32 =	vld [tilespmem:$0x120];
	v31 =	vmul.f32 $1.131370830e+01, v22;
	[tilespmem:$0xB0] =	vst v27  }
0x2b: {  	v34 =	vld [tilespmem:$0x130];
	v33 =	vmul.f32 $1.131370830e+01, v24;
	[tilespmem:$0xC0] =	vst v29  }
0x2c: {  	v36 =	vld [tilespmem:$0x140];
	v35 =	vmul.f32 $1.131370830e+01, v26;
	[tilespmem:$0xD0] =	vst v31  }
0x2d: {  	v38 =	vld [tilespmem:$0x150];
	v37 =	vmul.f32 $1.131370830e+01, v28;
	[tilespmem:$0xE0] =	vst v33  }
0x2e: {  	v40 =	vld [tilespmem:$0x160];
	v39 =	vmul.f32 $1.131370830e+01, v30;
	[tilespmem:$0xF0] =	vst v35  }
0x2f: {  	v42 =	vld [tilespmem:$0x170];
	v41 =	vmul.f32 $1.131370830e+01, v32;
	[tilespmem:$0x100] =	vst v37  }
0x30: {  	v44 =	vld [tilespmem:$0x180];
	v43 =	vmul.f32 $1.131370830e+01, v34;
	[tilespmem:$0x110] =	vst v39  }
0x31: {  	v46 =	vld [tilespmem:$0x190];
	v45 =	vmul.f32 $1.131370830e+01, v36;
	[tilespmem:$0x120] =	vst v41  }
0x32: {  	v48 =	vld [tilespmem:$0x1A0];
	v47 =	vmul.f32 $1.131370830e+01, v38;
	[tilespmem:$0x130] =	vst v43  }
0x33: {  	v50 =	vld [tilespmem:$0x1B0];
	v49 =	vmul.f32 $1.131370830e+01, v40;
	[tilespmem:$0x140] =	vst v45  }
0x34: {  	v52 =	vld [tilespmem:$0x1C0];
	v51 =	vmul.f32 $1.131370830e+01, v42;
	[tilespmem:$0x150] =	vst v47  }
0x35: {  	v54 =	vld [tilespmem:$0x1D0];
	v53 =	vmul.f32 $1.131370830e+01, v44;
	[tilespmem:$0x160] =	vst v49  }
0x36: {  	v56 =	vld [tilespmem:$0x1E0];
	v55 =	vmul.f32 $1.131370830e+01, v46;
	[tilespmem:$0x170] =	vst v51  }
0x37: {  	v58 =	vld [tilespmem:$0x1F0];
	v57 =	vmul.f32 $1.131370830e+01, v48;
	[tilespmem:$0x180] =	vst v53  }
0x38: {  	v59 =	vmul.f32 $1.131370830e+01, v50;
	[tilespmem:$0x190] =	vst v55  }
0x39: {  	v60 =	vmul.f32 $1.131370830e+01, v52;
	[tilespmem:$0x1A0] =	vst v57  }
0x3a: {  	v61 =	vmul.f32 $1.131370830e+01, v54;
	[tilespmem:$0x1B0] =	vst v59  }
0x3b: {  	v62 =	vmul.f32 $1.131370830e+01, v56;
	[tilespmem:$0x1C0] =	vst v60  }
0x3c: {  	v63 =	vmul.f32 $1.131370830e+01, v58;
	[tilespmem:$0x1D0] =	vst v61  }
0x3d: {  	[tilespmem:$0x1E0] =	vst v62  }
0x3e: {  	[tilespmem:$0x1F0] =	vst v63  }
0x3f: {  	[hbm4b:s15+s2] =	stream.linear.scatter [tilespmem:s2], [sflag:$0x1], $0x200, $0x38;
	[tilespmem:$0x1D500] =	vst v63  }
0x40: {  	_ =	swait.ge [sflag:s21], $0x200  }
0x41: {  	[sflag:s21] =	ssyncset.done $0x0  }
0x42: {  	[sflag:s21] =	ssyncadd.s32 $0xFFFFFE00  }
.LBB2_16:
0x43: {  	s28 =	sadd.s32 $0x1, s28  }
0x44: {  	p2 =	sne.s32 s28, s18  }
.Ltmp1:
0x45: {  	_ = 	snop;
	(pc) =	sbr.rel @!p2 .LBB2_17-.Ltmp1, $1  }
0x46: {  	_ =	sdelay $0x3  }
.LBB2_1:
0x47: {  	[tilespmem:s2], [sflag:$0x1] =	stream.linear.gather [hbm4b:s4+s2], $0x9C40, $0x38;
	[tilespmem:$0x1D500] =	vst v63  }
0x48: {  	_ = 	snop  }
0x49: {  	[tilespmem:s19], [sflag:$0x2] =	stream.linear.gather [hbm4b:s5+s2], $0x9C40, $0x38;
	[tilespmem:$0x1D500] =	vst v63  }
0x4a: {  	_ = 	snop  }
0x4b: {  	[tilespmem:s20], [sflag:$0x3] =	stream.linear.gather [hbm4b:s6+s2], $0x9C40, $0x38;
	[tilespmem:$0x1D500] =	vst v63  }
0x4c: {  	_ =	swait.ge [sflag:s21], $0x9C40  }
0x4d: {  	[sflag:s21] =	ssyncset.done $0x0  }
0x4e: {  	s29 =	simm.s32 $0x0;
	[sflag:s21] =	ssyncadd.s32 $0xFFFF63C0  }
0x4f: {  	v0 =	vld [tilespmem:s29+$0x0]  }
0x50: {  	v2 =	vld [tilespmem:s29+$0x10]  }
0x51: {  	s30 =	simm.s32 $0x100;
	v1 =	vld [tilespmem:s29+$0x20]  }
.LBB2_2:
0x52: {  	p2 =	sne.s32 s30, $0x27000;
	v3 =	vld [tilespmem:s29+$0x30];
	_ =	sdelay $0x1  }
0x53: {  	v0 =	vmul.f32 $1.131370830e+01, v0  }
.Ltmp2:
0x54: {  	v2 =	vmul.f32 $1.131370830e+01, v2;
	(pc) =	sbr.rel @p2 .LBB2_2-.Ltmp2, $4  }
0x55: {  	s31 =	sshra.s32 s30, $0x2;
	[tilespmem:s29+$0x0] =	vst v0;
	v1 =	vmul.f32 $1.131370830e+01, v1  }
0x56: {  	v0 =	vld [tilespmem:s31+$0x0];
	[tilespmem:s29+$0x10] =	vst v2;
	v3 =	vmul.f32 $1.131370830e+01, v3  }
0x57: {  	v2 =	vld [tilespmem:s31+$0x10];
	[tilespmem:s29+$0x20] =	vst v1  }
0x58: {  	s30 =	sadd.s32 $0x100, s30;
	v1 =	vld [tilespmem:s31+$0x20];
	[tilespmem:s29+$0x30] =	vst v3;
	s29 =	smov.u32 s31  }
0x59: {  	v3 =	vld [tilespmem:s29+$0x30];
	_ =	sdelay $0x1  }
0x5a: {  	v0 =	vmul.f32 $1.131370830e+01, v0  }
0x5b: {  	v2 =	vmul.f32 $1.131370830e+01, v2  }
0x5c: {  	[tilespmem:s29+$0x0] =	vst v0;
	v0 =	vmul.f32 $1.131370830e+01, v1  }
0x5d: {  	[tilespmem:s29+$0x10] =	vst v2;
	v1 =	vmul.f32 $1.131370830e+01, v3  }
0x5e: {  	[tilespmem:s29+$0x20] =	vst v0  }
0x5f: {  	[tilespmem:s29+$0x30] =	vst v1;
	s29 =	simm.s32 $0x0  }
0x60: {  	[hbm4b:s7+s29] =	stream.linear.scatter [tilespmem:s29], [sflag:$0x4], $0x9C40, $0x38;
	[tilespmem:$0x1D500] =	vst v63  }
0x61: {  	_ =	swait.ge [sflag:s22], $0x9C40  }
0x62: {  	[sflag:s22] =	ssyncset.done $0x0  }
0x63: {  	[sflag:s22] =	ssyncadd.s32 $0xFFFF63C0  }
0x64: {  	[tilespmem:s29], [sflag:$0x1] =	stream.linear.gather [hbm4b:s8+s29], $0x9C40, $0x38;
	[tilespmem:$0x1D500] =	vst v63  }
0x65: {  	_ =	swait.ge [sflag:s23], $0x9C40  }
0x66: {  	[sflag:s23] =	ssyncset.done $0x0  }
0x67: {  	s29 =	simm.s32 $0x0;
	[sflag:s23] =	ssyncadd.s32 $0xFFFF63C0  }
0x68: {  	v0 =	vld [tilespmem:s29+$0x9C40]  }
0x69: {  	v2 =	vld [tilespmem:s29+$0x9C50]  }
0x6a: {  	s30 =	simm.s32 $0x100;
	v1 =	vld [tilespmem:s29+$0x9C60]  }
.LBB2_4:
0x6b: {  	p2 =	sne.s32 s30, $0x27000;
	v3 =	vld [tilespmem:s29+$0x9C70];
	_ =	sdelay $0x1  }
0x6c: {  	v0 =	vmul.f32 $1.131370830e+01, v0  }
.Ltmp3:
0x6d: {  	v2 =	vmul.f32 $1.131370830e+01, v2;
	(pc) =	sbr.rel @p2 .LBB2_4-.Ltmp3, $4  }
0x6e: {  	s31 =	sshra.s32 s30, $0x2;
	[tilespmem:s29+$0x9C40] =	vst v0;
	v1 =	vmul.f32 $1.131370830e+01, v1  }
0x6f: {  	v0 =	vld [tilespmem:s31+$0x9C40];
	[tilespmem:s29+$0x9C50] =	vst v2;
	v3 =	vmul.f32 $1.131370830e+01, v3  }
0x70: {  	v2 =	vld [tilespmem:s31+$0x9C50];
	[tilespmem:s29+$0x9C60] =	vst v1  }
0x71: {  	s30 =	sadd.s32 $0x100, s30;
	v1 =	vld [tilespmem:s31+$0x9C60];
	[tilespmem:s29+$0x9C70] =	vst v3;
	s29 =	smov.u32 s31  }
0x72: {  	v3 =	vld [tilespmem:s29+$0x9C70];
	_ =	sdelay $0x1  }
0x73: {  	v0 =	vmul.f32 $1.131370830e+01, v0  }
0x74: {  	v2 =	vmul.f32 $1.131370830e+01, v2  }
0x75: {  	[tilespmem:s29+$0x9C40] =	vst v0;
	v0 =	vmul.f32 $1.131370830e+01, v1  }
0x76: {  	[tilespmem:s29+$0x9C50] =	vst v2;
	v1 =	vmul.f32 $1.131370830e+01, v3  }
0x77: {  	[tilespmem:s29+$0x9C60] =	vst v0  }
0x78: {  	[tilespmem:s29+$0x9C70] =	vst v1;
	s29 =	simm.s32 $0x0  }
0x79: {  	[hbm4b:s9+s29] =	stream.linear.scatter [tilespmem:s19], [sflag:$0x5], $0x9C40, $0x38;
	[tilespmem:$0x1D500] =	vst v63  }
0x7a: {  	_ =	swait.ge [sflag:s24], $0x9C40  }
0x7b: {  	[sflag:s24] =	ssyncset.done $0x0  }
0x7c: {  	[sflag:s24] =	ssyncadd.s32 $0xFFFF63C0  }
0x7d: {  	[tilespmem:s19], [sflag:$0x2] =	stream.linear.gather [hbm4b:s10+s29], $0x9C40, $0x38;
	[tilespmem:$0x1D500] =	vst v63  }
0x7e: {  	_ =	swait.ge [sflag:s25], $0x9C40  }
0x7f: {  	[sflag:s25] =	ssyncset.done $0x0  }
0x80: {  	s29 =	simm.s32 $0x0;
	[sflag:s25] =	ssyncadd.s32 $0xFFFF63C0  }
0x81: {  	v0 =	vld [tilespmem:s29+$0x13880]  }
0x82: {  	v2 =	vld [tilespmem:s29+$0x13890]  }
0x83: {  	s30 =	simm.s32 $0x100;
	v1 =	vld [tilespmem:s29+$0x138A0]  }
.LBB2_6:
0x84: {  	p2 =	sne.s32 s30, $0x27000;
	v3 =	vld [tilespmem:s29+$0x138B0];
	_ =	sdelay $0x1  }
0x85: {  	v0 =	vmul.f32 $1.131370830e+01, v0  }
.Ltmp4:
0x86: {  	v2 =	vmul.f32 $1.131370830e+01, v2;
	(pc) =	sbr.rel @p2 .LBB2_6-.Ltmp4, $4  }
0x87: {  	s31 =	sshra.s32 s30, $0x2;
	[tilespmem:s29+$0x13880] =	vst v0;
	v1 =	vmul.f32 $1.131370830e+01, v1  }
0x88: {  	v0 =	vld [tilespmem:s31+$0x13880];
	[tilespmem:s29+$0x13890] =	vst v2;
	v3 =	vmul.f32 $1.131370830e+01, v3  }
0x89: {  	v2 =	vld [tilespmem:s31+$0x13890];
	[tilespmem:s29+$0x138A0] =	vst v1  }
0x8a: {  	s30 =	sadd.s32 $0x100, s30;
	v1 =	vld [tilespmem:s31+$0x138A0];
	[tilespmem:s29+$0x138B0] =	vst v3;
	s29 =	smov.u32 s31  }
0x8b: {  	v3 =	vld [tilespmem:s29+$0x138B0];
	_ =	sdelay $0x1  }
0x8c: {  	v0 =	vmul.f32 $1.131370830e+01, v0  }
0x8d: {  	v2 =	vmul.f32 $1.131370830e+01, v2  }
0x8e: {  	[tilespmem:s29+$0x13880] =	vst v0;
	v0 =	vmul.f32 $1.131370830e+01, v1  }
0x8f: {  	[tilespmem:s29+$0x13890] =	vst v2;
	v1 =	vmul.f32 $1.131370830e+01, v3  }
0x90: {  	[tilespmem:s29+$0x138A0] =	vst v0  }
0x91: {  	[tilespmem:s29+$0x138B0] =	vst v1;
	s29 =	simm.s32 $0x0  }
0x92: {  	[hbm4b:s11+s29] =	stream.linear.scatter [tilespmem:s20], [sflag:$0x6], $0x9C40, $0x38;
	[tilespmem:$0x1D500] =	vst v63  }
0x93: {  	_ =	swait.ge [sflag:s21], $0x9C40  }
0x94: {  	[sflag:s21] =	ssyncset.done $0x0  }
0x95: {  	s29 =	simm.s32 $0x0;
	[sflag:s21] =	ssyncadd.s32 $0xFFFF63C0  }
0x96: {  	v0 =	vld [tilespmem:s29+$0x0]  }
0x97: {  	v2 =	vld [tilespmem:s29+$0x10]  }
0x98: {  	s30 =	simm.s32 $0x100;
	v1 =	vld [tilespmem:s29+$0x20]  }
.LBB2_8:
0x99: {  	p2 =	sne.s32 s30, $0x27000;
	v3 =	vld [tilespmem:s29+$0x30];
	_ =	sdelay $0x1  }
0x9a: {  	v0 =	vmul.f32 $1.131370830e+01, v0  }
.Ltmp5:
0x9b: {  	v2 =	vmul.f32 $1.131370830e+01, v2;
	(pc) =	sbr.rel @p2 .LBB2_8-.Ltmp5, $4  }
0x9c: {  	s31 =	sshra.s32 s30, $0x2;
	[tilespmem:s29+$0x0] =	vst v0;
	v1 =	vmul.f32 $1.131370830e+01, v1  }
0x9d: {  	v0 =	vld [tilespmem:s31+$0x0];
	[tilespmem:s29+$0x10] =	vst v2;
	v3 =	vmul.f32 $1.131370830e+01, v3  }
0x9e: {  	v2 =	vld [tilespmem:s31+$0x10];
	[tilespmem:s29+$0x20] =	vst v1  }
0x9f: {  	s30 =	sadd.s32 $0x100, s30;
	v1 =	vld [tilespmem:s31+$0x20];
	[tilespmem:s29+$0x30] =	vst v3;
	s29 =	smov.u32 s31  }
0xa0: {  	v3 =	vld [tilespmem:s29+$0x30];
	_ =	sdelay $0x1  }
0xa1: {  	v0 =	vmul.f32 $1.131370830e+01, v0  }
0xa2: {  	v2 =	vmul.f32 $1.131370830e+01, v2  }
0xa3: {  	[tilespmem:s29+$0x0] =	vst v0;
	v0 =	vmul.f32 $1.131370830e+01, v1  }
0xa4: {  	[tilespmem:s29+$0x10] =	vst v2;
	v1 =	vmul.f32 $1.131370830e+01, v3  }
0xa5: {  	[tilespmem:s29+$0x20] =	vst v0  }
0xa6: {  	[tilespmem:s29+$0x30] =	vst v1;
	s29 =	simm.s32 $0x0  }
0xa7: {  	[hbm4b:s12+s29] =	stream.linear.scatter [tilespmem:s29], [sflag:$0x4], $0x9C40, $0x38;
	[tilespmem:$0x1D500] =	vst v63  }
0xa8: {  	_ =	swait.ge [sflag:s23], $0x9C40  }
0xa9: {  	[sflag:s23] =	ssyncset.done $0x0  }
0xaa: {  	s29 =	simm.s32 $0x0;
	[sflag:s23] =	ssyncadd.s32 $0xFFFF63C0  }
0xab: {  	v0 =	vld [tilespmem:s29+$0x9C40]  }
0xac: {  	v2 =	vld [tilespmem:s29+$0x9C50]  }
0xad: {  	s30 =	simm.s32 $0x100;
	v1 =	vld [tilespmem:s29+$0x9C60]  }
.LBB2_10:
0xae: {  	p2 =	sne.s32 s30, $0x27000;
	v3 =	vld [tilespmem:s29+$0x9C70];
	_ =	sdelay $0x1  }
0xaf: {  	v0 =	vmul.f32 $1.131370830e+01, v0  }
.Ltmp6:
0xb0: {  	v2 =	vmul.f32 $1.131370830e+01, v2;
	(pc) =	sbr.rel @p2 .LBB2_10-.Ltmp6, $4  }
0xb1: {  	s31 =	sshra.s32 s30, $0x2;
	[tilespmem:s29+$0x9C40] =	vst v0;
	v1 =	vmul.f32 $1.131370830e+01, v1  }
0xb2: {  	v0 =	vld [tilespmem:s31+$0x9C40];
	[tilespmem:s29+$0x9C50] =	vst v2;
	v3 =	vmul.f32 $1.131370830e+01, v3  }
0xb3: {  	v2 =	vld [tilespmem:s31+$0x9C50];
	[tilespmem:s29+$0x9C60] =	vst v1  }
0xb4: {  	s30 =	sadd.s32 $0x100, s30;
	v1 =	vld [tilespmem:s31+$0x9C60];
	[tilespmem:s29+$0x9C70] =	vst v3;
	s29 =	smov.u32 s31  }
0xb5: {  	v3 =	vld [tilespmem:s29+$0x9C70];
	_ =	sdelay $0x1  }
0xb6: {  	v0 =	vmul.f32 $1.131370830e+01, v0  }
0xb7: {  	v2 =	vmul.f32 $1.131370830e+01, v2  }
0xb8: {  	[tilespmem:s29+$0x9C40] =	vst v0;
	v62 =	vmul.f32 $1.131370830e+01, v1  }
0xb9: {  	[tilespmem:s29+$0x9C50] =	vst v2;
	v63 =	vmul.f32 $1.131370830e+01, v3  }
0xba: {  	[tilespmem:s29+$0x9C60] =	vst v62  }
0xbb: {  	[tilespmem:s29+$0x9C70] =	vst v63  }
0xbc: {  	[hbm4b:s13+s2] =	stream.linear.scatter [tilespmem:s19], [sflag:$0x5], $0x9C40, $0x38;
	[tilespmem:$0x1D500] =	vst v63  }
0xbd: {  	_ =	swait.ge [sflag:s26], $0x9C40  }
0xbe: {  	[sflag:s26] =	ssyncset.done $0x0  }
0xbf: {  	[sflag:s26] =	ssyncadd.s32 $0xFFFF63C0  }
0xc0: {  	_ =	swait.ge [sflag:s22], $0x9C40  }
.Ltmp7:
0xc1: {  	[sflag:s22] =	ssyncset.done $0x0;
	(pc) =	sbr.rel @p0 .LBB2_15-.Ltmp7, $4  }
0xc2: {  	[sflag:s22] =	ssyncadd.s32 $0xFFFF63C0  }
0xc3: {  	_ =	swait.ge [sflag:s24], $0x9C40  }
0xc4: {  	[sflag:s24] =	ssyncset.done $0x0  }
0xc5: {  	[sflag:s24] =	ssyncadd.s32 $0xFFFF63C0  }
0xc6: {  	s29 =	simm.s32 $0x0  }
0xc7: {  	[tilespmem:s29], [sflag:$0x1] =	stream.linear.gather [hbm4b:s14+s29], $0x800, $0x38;
	[tilespmem:$0x1D500] =	vst v63  }
0xc8: {  	_ =	swait.ge [sflag:s21], $0x800  }
0xc9: {  	[sflag:s21] =	ssyncset.done $0x0  }
0xca: {  	s29 =	simm.s32 $0x0;
	[sflag:s21] =	ssyncadd.s32 $0xFFFFF800  }
0xcb: {  	v0 =	vld [tilespmem:s29+$0x0]  }
0xcc: {  	v2 =	vld [tilespmem:s29+$0x10]  }
0xcd: {  	s30 =	simm.s32 $0x100;
	v1 =	vld [tilespmem:s29+$0x20]  }
.LBB2_13:
0xce: {  	p2 =	sne.s32 s30, $0x1F00;
	v3 =	vld [tilespmem:s29+$0x30];
	_ =	sdelay $0x1  }
0xcf: {  	v0 =	vmul.f32 $1.131370830e+01, v0  }
.Ltmp8:
0xd0: {  	v2 =	vmul.f32 $1.131370830e+01, v2;
	(pc) =	sbr.rel @p2 .LBB2_13-.Ltmp8, $4  }
0xd1: {  	s31 =	sshra.s32 s30, $0x2;
	[tilespmem:s29+$0x0] =	vst v0;
	v1 =	vmul.f32 $1.131370830e+01, v1  }
0xd2: {  	v0 =	vld [tilespmem:s31+$0x0];
	[tilespmem:s29+$0x10] =	vst v2;
	v3 =	vmul.f32 $1.131370830e+01, v3  }
0xd3: {  	v2 =	vld [tilespmem:s31+$0x10];
	[tilespmem:s29+$0x20] =	vst v1  }
0xd4: {  	s30 =	sadd.s32 $0x100, s30;
	v1 =	vld [tilespmem:s31+$0x20];
	[tilespmem:s29+$0x30] =	vst v3;
	s29 =	smov.u32 s31  }
0xd5: {  	v3 =	vld [tilespmem:s29+$0x30];
	_ =	sdelay $0x1  }
0xd6: {  	v0 =	vmul.f32 $1.131370830e+01, v0  }
0xd7: {  	v2 =	vmul.f32 $1.131370830e+01, v2  }
0xd8: {  	[tilespmem:s29+$0x0] =	vst v0;
	v62 =	vmul.f32 $1.131370830e+01, v1  }
0xd9: {  	[tilespmem:s29+$0x10] =	vst v2;
	v63 =	vmul.f32 $1.131370830e+01, v3  }
0xda: {  	[tilespmem:s29+$0x20] =	vst v62  }
0xdb: {  	[tilespmem:s29+$0x30] =	vst v63  }
0xdc: {  	[hbm4b:s15+s2] =	stream.linear.scatter [tilespmem:s2], [sflag:$0x1], $0x800, $0x38;
	[tilespmem:$0x1D500] =	vst v63  }
0xdd: {  	_ =	swait.ge [sflag:s21], $0x800  }
0xde: {  	[sflag:s21] =	ssyncset.done $0x0  }
0xdf: {  	v0 =	vimm.f32 @p1 $0.0e+00;
	[sflag:s21] =	ssyncadd.s32 $0xFFFFF800  }
0xe0: {  	[tilespmem:$0x1D4C0] =	vst @p1 v0  }
0xe1: {  	[tilespmem:$0x1D4D0] =	vst @p1 v0  }
0xe2: {  	[tilespmem:$0x1D4E0] =	vst @p1 v0  }
0xe3: {  	s30 =	simm.s32 @p1 $0x1D4C0;
	s31 =	simm.s32 @p1 $0x1;
	s29 =	simm.s32 @p1 $0x0;
	[tilespmem:$0x1D4F0] =	vst @p1 v0  }
0xe4: {  	[hbm4b:s3+s29] =	stream.linear.scatter @p1 [tilespmem:s30], [sflag:$0x1], $0x40, $0x38;
	[tilespmem:$0x1D500] =	vst v63  }
0xe5: {  	_ =	swait.ge @p1 [sflag:s31], $0x40  }
0xe6: {  	[sflag:s31] =	ssyncset.done @p1 $0x0  }
0xe7: {  	[sflag:s31] =	ssyncadd.s32 @p1 $0xFFFFFFC0  }
0xe8: {  	[tilespmem:$0x1D4C0] =	vst @p1 v0  }
0xe9: {  	[tilespmem:$0x1D4D0] =	vst @p1 v0  }
0xea: {  	[tilespmem:$0x1D4E0] =	vst @p1 v0  }
.Ltmp9:
0xeb: {  	[tilespmem:$0x1D4F0] =	vst @p1 v0;
	(pc) =	sbr.rel .LBB2_16-.Ltmp9, $4  }
0xec: {  	[hbm4b:s16+s29] =	stream.linear.scatter @p1 [tilespmem:s30], [sflag:$0x1], $0x40, $0x38;
	[tilespmem:$0x1D500] =	vst v63  }
0xed: {  	_ =	swait.ge @p1 [sflag:s31], $0x40  }
0xee: {  	[sflag:s31] =	ssyncset.done @p1 $0x0  }
0xef: {  	[sflag:s31] =	ssyncadd.s32 @p1 $0xFFFFFFC0  }
.LBB2_17:
0xf0: {  	_ =	sfence.sel $0x180000  }
0xf1: {  	[bflag:$0x0] =	sbarrier.arrive $0xFFFF  }
0xf2: {  	p0 =	sne.s32 s1, $0x0;
	_ =	strace $0x90000047  }
0xf3: {  	s0 =	sadd.s32 @!p0 $0x100000, s0;
	[bflag:$0x2] =	sbarrier.arrive $0xFFFF  }
0xf4: {  	[sflag:s0] =	ssyncadd.tile.s32 @!p0 $0x1;
	_ =	shalt  }
.Lfunc_end2:
_tile_overlayer_lowered:
.L_overlay_start_2:
0xf5: {  	(tag) =	ssettag $0x2  }
0xf6: {  	s0 =	rddreg [dreg:$0x0];
	s2 =	stileid.u32  }
0xf7: {  	s1 =	rddreg [dreg:$0x1];
	p0 =	sne.s32 s2, $0x0  }
0xf8: {  	s3 =	rddreg [dreg:$0x2];
	[bflag:$0x3] =	sbarrier.arrive $0xFFFF;
	s2 =	simm.s32 @!p0 $0x1C07  }
0xf9: {  	[timem:s3], [sflag:s2] =	dma.local @!p0 [hbm:s0], s1  }
0xfa: {  	s0 =	simm.s32 @!p0 $0x7  }
0xfb: {  	_ =	swait.ge @!p0 [sflag:s0], s1  }
0xfc: {  	s1 =	ssub.s32 @!p0 $0x0, s1;
	[sflag:s0] =	ssyncset.done @!p0 $0x0  }
0xfd: {  	[sflag:s0] =	ssyncadd.s32 @!p0 s1  }
0xfe: {  	[bflag:$0x3] =	sbarrier.arrive $0xFFFF  }
0xff: {  	_ =	shalt  }

// kernel: kernel.7.cloned.1.call-start
scs
__scs_entry_jumppad:
0x0: {  	(pc) =	sbr.rel $0x88, $3  }
0x1: {  	(tag) =	ssettag $0x0;
	lr =	simm.s32 $0x1  }
0x2: {  	[smem:$0x3F9D] =	sst lr;
	_ =	strace $0xD0000000  }
0x3: {  	_ = 	snop  }
0x4: {  	_ = 	snop  }
0x5: {  	_ = 	snop  }
0x6: {  	_ = 	snop  }
0x7: {  	_ = 	snop  }
__scs_overlays_trampoline_lowered:
0x8: {  	[smem:$0x3FAC] =	sst s0  }
0x9: {  	[smem:$0x3FAD] =	sst s1  }
0xa: {  	[smem:$0x3FAE] =	sst s2  }
0xb: {  	[smem:$0x3FAF] =	sst s3  }
0xc: {  	[smem:$0x3FB0] =	sst s4  }
0xd: {  	[smem:$0x3FB1] =	sst s5  }
0xe: {  	[smem:$0x3FB2] =	sst s6  }
0xf: {  	[smem:$0x3FB3] =	sst s7  }
0x10: {  	[smem:$0x3FB4] =	sst s8  }
0x11: {  	[smem:$0x3FB5] =	sst s9;
	s0 =	simm.s32 @!p0 $0x0  }
0x12: {  	s1 =	sld [smem:$0x3F9B];
	s0 =	simm.s32 @p0 $0x1  }
0x13: {  	[smem:$0x3FB6] =	sst s0;
	s0 =	simm.s32 @!p1 $0x0  }
0x14: {  	s2 =	sld [smem:$0x3F9A];
	s0 =	simm.s32 @p1 $0x1  }
0x15: {  	[smem:$0x3FB7] =	sst s0;
	s0 =	simm.s32 @!p2 $0x0  }
0x16: {  	s3 =	sld [smem:$0x3FDB];
	s0 =	simm.s32 @p2 $0x1  }
0x17: {  	s4 =	simm.s32 $0x1BF5;
	[smem:$0x3FB9] =	sst s0  }
0x18: {  	s0 =	sld [smem:$0x3F9C];
	_ =	swait.ge [sflag:s4], $0x0  }
0x19: {  	s7 =	sld [smem:$0x3F9D]  }
0x1a: {  	s8 =	sadd.s32 $0xFFFFE003, lr  }
0x1b: {  	s9 =	sadd.s32 $0xFFFFFEF7, lr;
	s5 =	simm.s32 $0xFFFFFFFF;
	p2 =	slt.u32 s8, $0xFFFFF086  }
0x1c: {  	p1 =	slt.u32 s9, $0xF7A;
	s5 =	simm.s32 @!p2 $0x0  }
0x1d: {  	s5 =	simm.s32 @p1 $0x1;
	p0 =	seq.s32 s7, s2  }
0x1e: {  	s7 =	smul.u32 @!p0 $0xF7A, s2;
	p2 =	seq.s32 @!p0 s5, $0x0  }
0x1f: {  	s9 =	smul.u32 $0xF7A, s1;
	s8 =	simm.s32 @!p0 $0x1BF5;
	p2 =	por !p2, p0  }
0x20: {  	[sflag:s8] =	ssyncset.s32 @!p0 $0xFFFFF086;
	s6 =	sadd.s32 @!p0 s3, s7;
	s7 =	simm.s32 @!p0 $0x108  }
0x21: {  	s3 =	sadd.s32 s3, s9;
	s6 =	sadd.s32 @!p0 $0x88, s6;
	s7 =	simm.s32 @p2 $0x1082  }
0x22: {  	[simem:s7], [sflag:s8] =	dma.local @!p0 [hbm:s6], $0xF7A  }
0x23: {  	s9 =	sor.u32 $0xD0000000, s2;
	s6 =	simm.s32 $0x108;
	_ =	swait.ge @!p0 [sflag:s8], $0x0  }
0x24: {  	s3 =	sadd.s32 $0x88, s3;
	s6 =	simm.s32 @!p1 $0x1082;
	[sflag:s4] =	ssyncset.s32 $0xFFFFF086  }
0x25: {  	[simem:s6], [sflag:s4] =	dma.local [hbm:s3], $0xF7A  }
0x26: {  	[smem:$0x3F9D] =	sst s1;
	(tag) =	ssettag s2;
	_ =	strace s9  }
0x27: {  	s1 =	sld [smem:$0x3FAD]  }
0x28: {  	s2 =	sld [smem:$0x3FAE]  }
0x29: {  	s4 =	sld [smem:$0x3FB0]  }
0x2a: {  	p0 =	seq.s32 s5, $0x0;
	s5 =	sld [smem:$0x3FB1]  }
0x2b: {  	s6 =	sld [smem:$0x3FB2]  }
0x2c: {  	s7 =	sld [smem:$0x3FB3]  }
0x2d: {  	s3 =	simm.s32 $0x108;
	s8 =	sld [smem:$0x3FB4]  }
0x2e: {  	s3 =	simm.s32 @!p0 $0x1082;
	s9 =	sld [smem:$0x3FB5]  }
0x2f: {  	lr =	sadd.s32 s0, s3;
	s0 =	sld [smem:$0x3FAC]  }
0x30: {  	s3 =	sld [smem:$0x3FAF]  }
0x31: {  	[smem:$0x3FB8] =	sst s10  }
0x32: {  	s10 =	sld [smem:$0x3FB6];
	_ =	sdelay $0x3  }
0x33: {  	p0 =	seq.s32 s10, $0x1;
	s10 =	sld [smem:$0x3FB8];
	_ =	sdelay $0x3  }
0x34: {  	[smem:$0x3FB8] =	sst s10  }
0x35: {  	s10 =	sld [smem:$0x3FB7];
	_ =	sdelay $0x3  }
0x36: {  	p1 =	seq.s32 s10, $0x1;
	s10 =	sld [smem:$0x3FB8];
	_ =	sdelay $0x3  }
0x37: {  	[smem:$0x3FB8] =	sst s10  }
0x38: {  	s10 =	sld [smem:$0x3FB9]  }
0x39: {  	_ = 	snop;
	(pc) =	sbr.ind lr, $3  }
0x3a: {  	_ = 	snop  }
0x3b: {  	_ = 	snop  }
0x3c: {  	p2 =	seq.s32 s10, $0x1;
	s10 =	sld [smem:$0x3FB8]  }
0x3d: {  	_ =	shalt  }
0x3e: {  	_ =	shalt  }
0x3f: {  	_ =	shalt  }
0x40: {  	_ =	shalt  }
0x41: {  	_ =	shalt  }
0x42: {  	_ =	shalt  }
0x43: {  	_ =	shalt  }
0x44: {  	_ =	shalt  }
0x45: {  	_ =	shalt  }
0x46: {  	_ =	shalt  }
0x47: {  	_ =	shalt  }
0x48: {  	_ =	shalt  }
0x49: {  	_ =	shalt  }
0x4a: {  	_ =	shalt  }
0x4b: {  	_ =	shalt  }
0x4c: {  	_ =	shalt  }
0x4d: {  	_ =	shalt  }
0x4e: {  	_ =	shalt  }
0x4f: {  	_ =	shalt  }
0x50: {  	_ =	shalt  }
0x51: {  	_ =	shalt  }
0x52: {  	_ =	shalt  }
0x53: {  	_ =	shalt  }
0x54: {  	_ =	shalt  }
0x55: {  	_ =	shalt  }
0x56: {  	_ =	shalt  }
0x57: {  	_ =	shalt  }
0x58: {  	_ =	shalt  }
0x59: {  	_ =	shalt  }
0x5a: {  	_ =	shalt  }
0x5b: {  	_ =	shalt  }
0x5c: {  	_ =	shalt  }
0x5d: {  	_ =	shalt  }
0x5e: {  	_ =	shalt  }
0x5f: {  	_ =	shalt  }
0x60: {  	_ =	shalt  }
0x61: {  	_ =	shalt  }
0x62: {  	_ =	shalt  }
0x63: {  	_ =	shalt  }
0x64: {  	_ =	shalt  }
0x65: {  	_ =	shalt  }
0x66: {  	_ =	shalt  }
0x67: {  	_ =	shalt  }
0x68: {  	_ =	shalt  }
0x69: {  	_ =	shalt  }
0x6a: {  	_ =	shalt  }
0x6b: {  	_ =	shalt  }
0x6c: {  	_ =	shalt  }
0x6d: {  	_ =	shalt  }
0x6e: {  	_ =	shalt  }
0x6f: {  	_ =	shalt  }
0x70: {  	_ =	shalt  }
0x71: {  	_ =	shalt  }
0x72: {  	_ =	shalt  }
0x73: {  	_ =	shalt  }
0x74: {  	_ =	shalt  }
0x75: {  	_ =	shalt  }
0x76: {  	_ =	shalt  }
0x77: {  	_ =	shalt  }
0x78: {  	_ =	shalt  }
0x79: {  	_ =	shalt  }
0x7a: {  	_ =	shalt  }
0x7b: {  	_ =	shalt  }
0x7c: {  	_ =	shalt  }
0x7d: {  	_ =	shalt  }
0x7e: {  	_ =	shalt  }
0x7f: {  	_ =	shalt  }
0x80: {  	_ =	shalt  }
0x81: {  	_ =	shalt  }
0x82: {  	_ =	shalt  }
0x83: {  	_ =	shalt  }
0x84: {  	_ =	shalt  }
0x85: {  	_ =	shalt  }
0x86: {  	_ =	shalt  }
0x87: {  	_ =	shalt  }
.Lfunc_end0:
.L_simem_size_0:
called_computation.1_lowered:
.L_overlay_start_0:
0x88: {  	s2 =	sld [smem:$0x3FD9]  }
0x89: {  	s3 =	sld [smem:$0x3FFE];
	_ =	sdelay $0x1  }
0x8a: {  	s1 =	srdreg.scid  }
0x8b: {  	s0 =	sand.u32 $0x1, s1  }
0x8c: {  	s17 =	sshll.u32 s0, $0xA;
	s2 =	sadd.s32 s3, s2  }
0x8d: {  	s2 =	sadd.s32 s2, s17  }
0x8e: {  	[smem:$0x3FC4] =	sst s2  }
0x8f: {  	_ = 	snop  }
0x90: {  	s2 =	sld [smem:$0x3FD0];
	(tm) =	ssettm $0x1  }
0x91: {  	s18 =	sld [smem:$0x3FFB];
	_ =	sdelay $0x3  }
0x92: {  	_ =	strace s18  }
0x93: {  	s3 =	sld [smem:$0x3FFC];
	_ =	sdelay $0x3  }
0x94: {  	_ =	strace s3  }
0x95: {  	s3 =	sld [smem:$0x3FFD];
	_ =	sdelay $0x3  }
0x96: {  	_ =	strace s3  }
0x97: {  	_ =	strace $0x8FFFFFFF  }
0x98: {  	s19 =	sld [smem:$0x3FDB];
	_ =	sdelay $0x1  }
0x99: {  	s4 =	simm.s32 $_scs_section_size  }
0x9a: {  	s5 =	simm.s32 $_size__tile_overlayer_lowered;
	s6 =	simm.s32 $_tile_overlayer_lowered  }
0x9b: {  	s22 =	simm.s32 $0x1BFF;
	s21 =	sshll.u32 s6, $0x1;
	s3 =	sadd.s32 s4, s19  }
0x9c: {  	s7 =	simm.s32 $0x0;
	s20 =	sshll.u32 s5, $0x1;
	s5 =	sadd.s32 s21, s3  }
0x9d: {  	[timem:s7], [sflag:s22] =	dma.local [hbm:s5], s20  }
0x9e: {  	_ =	swait.ge [sflag:s22], s20  }
0x9f: {  	s4 =	ssub.s32 $0x0, s20;
	[sflag:s22] =	ssyncset.done $0x0  }
0xa0: {  	[sflag:s22] =	ssyncadd.s32 s4;
	_ =	sdelay $0x1  }
0xa1: {  	s23 =	simm.s32 $0x1B8B  }
0xa2: {  	_ =	swait.ge [sflag:s23], $0x1  }
0xa3: {  	[sflag:s23] =	ssyncset.done $0x0  }
0xa4: {  	s25 =	simm.s32 $0x1B8E;
	s24 =	sld [smem:$0x3FFE];
	[sflag:s23] =	ssyncadd.s32 $0xFFFFFFFF  }
0xa5: {  	s26 =	simm.s32 $execute0_lowered;
	[smem:$0x3FD2] =	sst s25  }
0xa6: {  	s5 =	sshll.u32 s26, $0x1;
	_ =	strace $0x80000049;
	[dreg:$0x1] =	wrdreg $0xFFFFFFFF  }
0xa7: {  	s28 =	simm.s32 $_size_execute0_lowered;
	s3 =	sadd.s32 s3, s5;
	[dreg:$0x0] =	wrdreg $0x0  }
0xa8: {  	s5 =	sshll.u32 s28, $0x1;
	[dreg:$0x2] =	wrdreg s3  }
0xa9: {  	[dreg:$0x3] =	wrdreg s5  }
0xaa: {  	[dreg:$0x4] =	wrdreg $0xC0  }
0xab: {  	_ =	task [dreg:s7], $0x5FFFF  }
0xac: {  	[dreg:$0x1] =	wrdreg $0xFFFFFFFF  }
0xad: {  	[dreg:$0x0] =	wrdreg $0x60  }
0xae: {  	[dreg:$0x2] =	wrdreg s24  }
0xaf: {  	[dreg:$0x3] =	wrdreg s2  }
0xb0: {  	[dreg:$0x4] =	wrdreg $0x9  }
0xb1: {  	_ =	task.clear_ibuf [dreg:s7], $0x5FFFF;
	_ =	strace $0x90000049  }
0xb2: {  	s29 =	simm.s32 $0x9;
	_ =	strace $0x8000004B  }
0xb3: {  	_ =	swait.ge [sflag:s29], $0x1  }
0xb4: {  	[sflag:s29] =	ssyncadd.s32 $0xFFFFFFFF  }
0xb5: {  	_ =	strace $0x9000004B  }
0xb6: {  	_ =	sfence  }
0xb7: {  	s30 =	sld [smem:$0x0];
	_ =	sdelay $0x2  }
0xb8: {  	s31 =	sshll.u32 s1, $0xD;
	s1 =	sshrl.u32 s1, $0x2  }
0xb9: {  	s3 =	sand.u32 $0x4000, s31;
	s1 =	sadd.s32 s1, s30  }
0xba: {  	s0 =	sor.u32 s3, s0;
	s1 =	sshll.u32 s1, $0x11  }
0xbb: {  	s0 =	sor.u32 s1, s0  }
0xbc: {  	s0 =	sadd.s32 $0x8F2B, s0  }
0xbd: {  	[sflag:s0] =	ssyncadd.remote.s32 $0x1  }
0xbe: {  	_ =	sfence.sel $0xFFFF  }
0xbf: {  	[dreg:$0x0] =	wrdreg $0xFFFFFFFF;
	(pc) =	sbr.abs _section_cstart, $3  }
0xc0: {  	[dreg:$0x1] =	wrdreg $0xFFFFFFFF  }
0xc1: {  	_ =	task.clear_ibuf [dreg:s7], $0x2FFFF;
	_ =	strace $0x9FFFFFFF  }
0xc2: {  	(tm) =	ssettm $0x7FFFFFFF  }
0xc3: {  	_ =	shalt  }
tec
execute0_lowered:
.L_overlay_start_1:
0x0: {  	(tag) =	ssettag $0x1  }
0x1: {  	s0 =	rddreg [dreg:$0x0]  }
0x2: {  	s2 =	rddreg [dreg:$0x1]  }
0x3: {  	s1 =	srdreg.scid;
	s4 =	stileid.u32;
	s3 =	simm.s32 $0x0  }
0x4: {  	s28 =	simm.s32 $0x500;
	s29 =	simm.s32 $0xA00;
	s31 =	simm.s32 $0x5A00  }
0x5: {  	s13 =	simm.s32 $0x5;
	s1 =	sand.u32 $0x1, s1;
	s4 =	sshll.u32 s4, $0x1  }
0x6: {  	s14 =	simm.s32 $0x4;
	s15 =	simm.s32 $0x6;
	s8 =	sor.u32 s1, s4  }
0x7: {  	[smem:$0x7FF] =	sst s3;
	s1 =	ssub.s32 $0x2, s1;
	s9 =	smul.u32 $0x6400, s8  }
0x8: {  	s5 =	sadd.s32 $0x18B800, s0;
	s7 =	sshrl.u32 s1, $0x1;
	s22 =	smul.u32 $0x64000, s8  }
0x9: {  	s6 =	sadd.s32 $0x1A4800, s0;
	s16 =	ssub.s32 s1, s7;
	s7 =	smul.u32 $0xC800, s8  }
0xa: {  	_ =	strace $0x8000004A;
	s4 =	sadd.s32 $0xC6200, s0;
	s8 =	smul.u32 $0x320000, s8  }
0xb: {  	s19 =	sshrl.u32 s9, $0x3;
	s24 =	sadd.s32 s2, s22;
	s18 =	sor.u32 $0x280, s9  }
0xc: {  	s0 =	smax.u32 s16, $0x1;
	s10 =	sadd.s32 s5, s19;
	[dreg:$0x9] =	wrdreg s24  }
0xd: {  	s20 =	sor.u32 $0x28, s19;
	s11 =	sadd.s32 s6, s19;
	[dreg:$0xf] =	wrdreg s0  }
0xe: {  	s23 =	sor.u32 $0x50, s19;
	s1 =	sor.u32 $0x78, s19;
	[dreg:$0x3] =	wrdreg s10  }
0xf: {  	s8 =	sshrl.u32 s8, $0x3;
	[dreg:$0x4] =	wrdreg s11;
	s21 =	sadd.s32 s5, s20  }
0x10: {  	s17 =	sadd.s32 $0x3FFFD80, s7;
	s10 =	sadd.s32 s6, s20;
	[dreg:$0x5] =	wrdreg s21  }
0x11: {  	s19 =	sor.u32 $0x3C0, s9;
	s12 =	sadd.s32 s5, s23;
	[dreg:$0x6] =	wrdreg s10  }
0x12: {  	s24 =	simm.s32 $0x140;
	s25 =	sadd.s32 s5, s1;
	[dreg:$0x7] =	wrdreg s12  }
0x13: {  	s0 =	simm.s32 $0x280;
	s1 =	sadd.s32 s6, s1;
	[dreg:$0xa] =	wrdreg s25  }
0x14: {  	s26 =	sadd.s32 s2, s8;
	s10 =	sadd.s32 s6, s23;
	[dreg:$0xb] =	wrdreg s1  }
0x15: {  	v0 =	vlaneseq.u32;
	s9 =	simm.s32 $0xAA00;
	s8 =	sadd.s32 $0x60400, s26;
	[dreg:$0x8] =	wrdreg s10  }
0x16: {  	v1 =	vand.u32 $0x3, v0;
	s11 =	simm.s32 $0xFA00;
	s30 =	sadd.s32 $0x61800, s26;
	[dreg:$0xc] =	wrdreg s8  }
0x17: {  	v0 =	vmul.u32 $0x2, v0;
	v1 =	vmul.u32 $0x2, v1;
	s20 =	simm.s32 $0x0;
	s1 =	sadd.s32 $0x62C00, s26;
	[dreg:$0xd] =	wrdreg s30  }
0x18: {  	s26 =	simm.s32 $0x1;
	s12 =	simm.s32 $0x3;
	[dreg:$0xe] =	wrdreg s1  }
0x19: {  	v2 =	vor.u32 $0x1, v0;
	v1 =	vor.u32 $0xFFFFFFF8, v1;
	s1 =	simm.s32 $0x2;
	s8 =	simm.s32 $0x780;
	s10 =	simm.s32 $0x8C0  }
.LBB2_1:
0x1a: {  	[dreg:$0x10] =	wrdreg s20  }
0x1b: {  	s16 =	rddreg [dreg:$0x3]  }
0x1c: {  	[tilespmem:s3], [sflag:$0x1] =	stream.linear.gather [hbm4b:s16+s3], $0x140, $0x38;
	[tilespmem:$0x14A00] =	vst v63  }
0x1d: {  	s22 =	rddreg [dreg:$0x4]  }
0x1e: {  	[tilespmem:s0], [sflag:$0x1] =	stream.linear.gather [hbm4b:s22+s3], $0x140, $0x38;
	[tilespmem:$0x14A00] =	vst v63  }
0x1f: {  	s23 =	rddreg [dreg:$0x5]  }
0x20: {  	[tilespmem:s24], [sflag:$0x2] =	stream.linear.gather [hbm4b:s23+s3], $0x140, $0x38;
	[tilespmem:$0x14A00] =	vst v63  }
0x21: {  	s25 =	rddreg [dreg:$0x6];
	s30 =	simm.s32 $0x3C0  }
0x22: {  	[tilespmem:s30], [sflag:$0x2] =	stream.linear.gather [hbm4b:s25+s3], $0x140, $0x38;
	[tilespmem:$0x14A00] =	vst v63  }
0x23: {  	_ =	swait.ge [sflag:s26], $0x140  }
0x24: {  	[sflag:s26] =	ssyncset.done $0x0  }
0x25: {  	[sflag:s26] =	ssyncadd.s32 $0xFFFFFEC0  }
0x26: {  	_ =	swait.ge [sflag:s26], $0x140  }
0x27: {  	[sflag:s26] =	ssyncset.done $0x0  }
0x28: {  	[sflag:s26] =	ssyncadd.s32 $0xFFFFFEC0  }
0x29: {  	v4 =	vor.u32 s3, v0;
	s20 =	simm.s32 $0x280;
	v3 =	vld [tilespmem:s3+$0x0]  }
0x2a: {  	s21 =	simm.s32 $0x0;
	s16 =	simm.s32 $0x20;
	v4 =	vand.u32 v1, v4;
	s22 =	simm.s32 $0x0  }
.LBB2_2:
0x2b: {  	p0 =	sne.s32 s16, $0x260;
	v5 =	vld [tilespmem:s20+$0x0];
	v6 =	vor.u32 s21, v2;
	s21 =	smov.u32 s16;
	_ =	sdelay $0x2  }
.Ltmp0:
0x2c: {  	v3 =	vadd.s32 $0x186A0, v3;
	(pc) =	sbr.rel @p0 .LBB2_2-.Ltmp0, $4  }
0x2d: {  	[tilespmem:v4+s28+$0x0] =	vst.idx.msk $0xffff, v3  }
0x2e: {  	s22 =	sadd.s32 $0x10, s22;
	[tilespmem:v6+s28+$0x0] =	vst.idx.msk $0xffff, v5  }
0x2f: {  	v4 =	vor.u32 s16, v0;
	v3 =	vld [tilespmem:s22+$0x0]  }
0x30: {  	s20 =	sadd.s32 $0x10, s20;
	s16 =	sadd.s32 $0x20, s16;
	v4 =	vand.u32 v1, v4  }
0x31: {  	v5 =	vld [tilespmem:s20+$0x0];
	v6 =	vor.u32 s21, v2;
	_ =	sdelay $0x2  }
0x32: {  	v3 =	vadd.s32 $0x186A0, v3  }
0x33: {  	[tilespmem:v4+s28+$0x0] =	vst.idx.msk $0xffff, v3  }
0x34: {  	s16 =	simm.s32 $0x140;
	[tilespmem:v6+s28+$0x0] =	vst.idx.msk $0xffff, v5  }
0x35: {  	[tilespmem:s29], [sflag:$0x3] =	stream.indirect.gather [hbm4b:s4+s16], $0x40, s28, s16, $0xb8;
	[tilespmem:$0x14A00] =	vst v63  }
0x36: {  	s23 =	simm.s32 $0x640  }
0x37: {  	[tilespmem:s31], [sflag:$0x3] =	stream.indirect.gather [hbm4b:s4+s16], $0x40, s23, s16, $0xb8;
	[tilespmem:$0x14A00] =	vst v63  }
0x38: {  	s20 =	simm.s32 $0x0;
	s25 =	rddreg [dreg:$0x7]  }
0x39: {  	[tilespmem:s20], [sflag:$0x1] =	stream.linear.gather [hbm4b:s25+s20], $0x140, $0x38;
	[tilespmem:$0x14A00] =	vst v63  }
0x3a: {  	s30 =	rddreg [dreg:$0x8]  }
0x3b: {  	[tilespmem:s0], [sflag:$0x1] =	stream.linear.gather [hbm4b:s30+s20], $0x140, $0x38;
	[tilespmem:$0x14A00] =	vst v63  }
0x3c: {  	_ =	swait.ge [sflag:s1], $0x140  }
0x3d: {  	[sflag:s1] =	ssyncset.done $0x0  }
0x3e: {  	[sflag:s1] =	ssyncadd.s32 $0xFFFFFEC0  }
0x3f: {  	_ =	swait.ge [sflag:s1], $0x140  }
0x40: {  	[sflag:s1] =	ssyncset.done $0x0  }
0x41: {  	[sflag:s1] =	ssyncadd.s32 $0xFFFFFEC0  }
0x42: {  	v4 =	vor.u32 s20, v0;
	v3 =	vld [tilespmem:s16+$0x0]  }
0x43: {  	s21 =	simm.s32 $0x3C0;
	s22 =	simm.s32 $0x20;
	v4 =	vand.u32 v1, v4  }
.LBB2_4:
0x44: {  	p0 =	sne.s32 s22, $0x260;
	v5 =	vld [tilespmem:s21+$0x0];
	v6 =	vor.u32 s20, v2;
	s20 =	smov.u32 s22;
	_ =	sdelay $0x2  }
.Ltmp1:
0x45: {  	v3 =	vadd.s32 $0x186A0, v3;
	(pc) =	sbr.rel @p0 .LBB2_4-.Ltmp1, $4  }
0x46: {  	[tilespmem:v4+s8+$0x0] =	vst.idx.msk $0xffff, v3  }
0x47: {  	s16 =	sadd.s32 $0x10, s16;
	[tilespmem:v6+s8+$0x0] =	vst.idx.msk $0xffff, v5  }
0x48: {  	v4 =	vor.u32 s22, v0;
	v3 =	vld [tilespmem:s16+$0x0]  }
0x49: {  	s21 =	sadd.s32 $0x10, s21;
	s22 =	sadd.s32 $0x20, s22;
	v4 =	vand.u32 v1, v4  }
0x4a: {  	v5 =	vld [tilespmem:s21+$0x0];
	v6 =	vor.u32 s20, v2;
	_ =	sdelay $0x2  }
0x4b: {  	v3 =	vadd.s32 $0x186A0, v3  }
0x4c: {  	[tilespmem:v4+s8+$0x0] =	vst.idx.msk $0xffff, v3  }
0x4d: {  	[tilespmem:v6+s8+$0x0] =	vst.idx.msk $0xffff, v5  }
0x4e: {  	[tilespmem:s9], [sflag:$0x4] =	stream.indirect.gather [hbm4b:s4+s24], $0x40, s8, s24, $0xb8;
	[tilespmem:$0x14A00] =	vst v63  }
0x4f: {  	_ = 	snop  }
0x50: {  	[tilespmem:s11], [sflag:$0x4] =	stream.indirect.gather [hbm4b:s4+s24], $0x40, s10, s24, $0xb8;
	[tilespmem:$0x14A00] =	vst v63  }
0x51: {  	_ =	swait.ge [sflag:s12], $0x5000  }
0x52: {  	[sflag:s12] =	ssyncset.done $0x0  }
0x53: {  	[sflag:s12] =	ssyncadd.s32 $0xFFFFB000  }
0x54: {  	_ =	swait.ge [sflag:s12], $0x5000  }
0x55: {  	[sflag:s12] =	ssyncset.done $0x0  }
0x56: {  	s16 =	rddreg [dreg:$0x9];
	[sflag:s12] =	ssyncadd.s32 $0xFFFFB000  }
0x57: {  	[hbm4b:s16+s3] =	stream.linear.scatter [tilespmem:s29], [sflag:$0x5], $0xA000, $0x38;
	[tilespmem:$0x14A00] =	vst v63  }
0x58: {  	s23 =	rddreg [dreg:$0xa]  }
0x59: {  	[tilespmem:s24], [sflag:$0x2] =	stream.linear.gather [hbm4b:s23+s3], $0x140, $0x38;
	[tilespmem:$0x14A00] =	vst v63  }
0x5a: {  	s30 =	simm.s32 $0x3C0;
	s20 =	simm.s32 $0x1;
	s25 =	rddreg [dreg:$0xb]  }
0x5b: {  	[tilespmem:s30], [sflag:$0x2] =	stream.linear.gather [hbm4b:s25+s3], $0x140, $0x38;
	[tilespmem:$0x14A00] =	vst v63  }
.LBB2_6:
0x5c: {  	_ =	swait.ge [sflag:s13], $0xA000  }
0x5d: {  	[sflag:s13] =	ssyncset.done $0x0  }
0x5e: {  	[sflag:s13] =	ssyncadd.s32 $0xFFFF6000  }
0x5f: {  	_ =	swait.ge [sflag:s26], $0x140  }
0x60: {  	[sflag:s26] =	ssyncset.done $0x0  }
0x61: {  	[sflag:s26] =	ssyncadd.s32 $0xFFFFFEC0  }
0x62: {  	_ =	swait.ge [sflag:s26], $0x140  }
0x63: {  	[sflag:s26] =	ssyncset.done $0x0  }
0x64: {  	s16 =	simm.s32 $0x0;
	[sflag:s26] =	ssyncadd.s32 $0xFFFFFEC0  }
0x65: {  	v4 =	vor.u32 s16, v0;
	v3 =	vld [tilespmem:s16+$0x0]  }
0x66: {  	s21 =	simm.s32 $0x280;
	s22 =	simm.s32 $0x20;
	s23 =	simm.s32 $0x0;
	v4 =	vand.u32 v1, v4  }
.LBB2_7:
0x67: {  	p0 =	sne.s32 s22, $0x260;
	v5 =	vld [tilespmem:s21+$0x0];
	v6 =	vor.u32 s16, v2;
	s16 =	smov.u32 s22;
	_ =	sdelay $0x2  }
.Ltmp2:
0x68: {  	v3 =	vadd.s32 $0x186A0, v3;
	(pc) =	sbr.rel @p0 .LBB2_7-.Ltmp2, $4  }
0x69: {  	[tilespmem:v4+s28+$0x0] =	vst.idx.msk $0xffff, v3  }
0x6a: {  	s23 =	sadd.s32 $0x10, s23;
	[tilespmem:v6+s28+$0x0] =	vst.idx.msk $0xffff, v5  }
0x6b: {  	v4 =	vor.u32 s22, v0;
	v3 =	vld [tilespmem:s23+$0x0]  }
0x6c: {  	s21 =	sadd.s32 $0x10, s21;
	s22 =	sadd.s32 $0x20, s22;
	v4 =	vand.u32 v1, v4  }
0x6d: {  	v5 =	vld [tilespmem:s21+$0x0];
	v6 =	vor.u32 s16, v2;
	_ =	sdelay $0x2  }
0x6e: {  	v3 =	vadd.s32 $0x186A0, v3  }
0x6f: {  	[tilespmem:v4+s28+$0x0] =	vst.idx.msk $0xffff, v3  }
0x70: {  	s23 =	simm.s32 $0x140;
	[tilespmem:v6+s28+$0x0] =	vst.idx.msk $0xffff, v5  }
0x71: {  	[tilespmem:s29], [sflag:$0x3] =	stream.indirect.gather [hbm4b:s4+s23], $0x40, s28, s23, $0xb8;
	[tilespmem:$0x14A00] =	vst v63  }
0x72: {  	s22 =	simm.s32 $0x640;
	s21 =	smul.u32 $0x500, s20  }
0x73: {  	[tilespmem:s31], [sflag:$0x3] =	stream.indirect.gather [hbm4b:s4+s23], $0x40, s22, s23, $0xb8;
	[tilespmem:$0x14A00] =	vst v63  }
0x74: {  	_ =	swait.ge [sflag:s14], $0x5000  }
0x75: {  	s25 =	sadd.s32 s21, s17;
	[sflag:s14] =	ssyncset.done $0x0  }
0x76: {  	s16 =	sshll.u32 s25, $0x3;
	[sflag:s14] =	ssyncadd.s32 $0xFFFFB000  }
0x77: {  	s16 =	sand.u32 $0x1FFFFC00, s16;
	_ =	swait.ge [sflag:s14], $0x5000  }
0x78: {  	s25 =	sadd.s32 s2, s16;
	[sflag:s14] =	ssyncset.done $0x0  }
0x79: {  	s16 =	simm.s32 $0x0;
	s22 =	smul.u32 $0x280, s20;
	[sflag:s14] =	ssyncadd.s32 $0xFFFFB000  }
0x7a: {  	[hbm4b:s25+s16] =	stream.linear.scatter [tilespmem:s9], [sflag:$0x6], $0xA000, $0x38;
	[tilespmem:$0x14A00] =	vst v63  }
0x7b: {  	s25 =	sadd.s32 s22, s18  }
0x7c: {  	s25 =	sshrl.u32 s25, $0x3  }
0x7d: {  	s30 =	sadd.s32 s5, s25  }
0x7e: {  	[tilespmem:s16], [sflag:$0x1] =	stream.linear.gather [hbm4b:s30+s16], $0x140, $0x38;
	[tilespmem:$0x14A00] =	vst v63  }
0x7f: {  	s25 =	sadd.s32 s6, s25  }
0x80: {  	[tilespmem:s0], [sflag:$0x1] =	stream.linear.gather [hbm4b:s25+s16], $0x140, $0x38;
	[tilespmem:$0x14A00] =	vst v63  }
0x81: {  	_ =	swait.ge [sflag:s15], $0xA000  }
0x82: {  	[sflag:s15] =	ssyncset.done $0x0  }
0x83: {  	[sflag:s15] =	ssyncadd.s32 $0xFFFF6000  }
0x84: {  	_ =	swait.ge [sflag:s1], $0x140  }
0x85: {  	[sflag:s1] =	ssyncset.done $0x0  }
0x86: {  	[sflag:s1] =	ssyncadd.s32 $0xFFFFFEC0  }
0x87: {  	_ =	swait.ge [sflag:s1], $0x140  }
0x88: {  	[sflag:s1] =	ssyncset.done $0x0  }
0x89: {  	[sflag:s1] =	ssyncadd.s32 $0xFFFFFEC0  }
0x8a: {  	v4 =	vor.u32 s16, v0;
	v3 =	vld [tilespmem:s23+$0x0]  }
0x8b: {  	v4 =	vand.u32 v1, v4;
	s30 =	simm.s32 $0x20;
	s25 =	simm.s32 $0x3C0  }
.LBB2_9:
0x8c: {  	p0 =	sne.s32 s30, $0x260;
	v5 =	vld [tilespmem:s25+$0x0];
	v6 =	vor.u32 s16, v2;
	s16 =	smov.u32 s30;
	_ =	sdelay $0x2  }
.Ltmp3:
0x8d: {  	v3 =	vadd.s32 $0x186A0, v3;
	(pc) =	sbr.rel @p0 .LBB2_9-.Ltmp3, $4  }
0x8e: {  	[tilespmem:v4+s8+$0x0] =	vst.idx.msk $0xffff, v3  }
0x8f: {  	s23 =	sadd.s32 $0x10, s23;
	[tilespmem:v6+s8+$0x0] =	vst.idx.msk $0xffff, v5  }
0x90: {  	v4 =	vor.u32 s30, v0;
	v3 =	vld [tilespmem:s23+$0x0]  }
0x91: {  	s25 =	sadd.s32 $0x10, s25;
	s30 =	sadd.s32 $0x20, s30;
	v4 =	vand.u32 v1, v4  }
0x92: {  	v5 =	vld [tilespmem:s25+$0x0];
	v6 =	vor.u32 s16, v2;
	_ =	sdelay $0x2  }
0x93: {  	v3 =	vadd.s32 $0x186A0, v3  }
0x94: {  	[tilespmem:v4+s8+$0x0] =	vst.idx.msk $0xffff, v3  }
0x95: {  	[tilespmem:v6+s8+$0x0] =	vst.idx.msk $0xffff, v5  }
0x96: {  	[tilespmem:s9], [sflag:$0x4] =	stream.indirect.gather [hbm4b:s4+s24], $0x40, s8, s24, $0xb8;
	[tilespmem:$0x14A00] =	vst v63  }
0x97: {  	_ = 	snop  }
0x98: {  	[tilespmem:s11], [sflag:$0x4] =	stream.indirect.gather [hbm4b:s4+s24], $0x40, s10, s24, $0xb8;
	[tilespmem:$0x14A00] =	vst v63  }
0x99: {  	_ =	swait.ge [sflag:s12], $0x5000  }
0x9a: {  	[sflag:s12] =	ssyncset.done $0x0  }
0x9b: {  	s21 =	sadd.s32 s7, s21;
	[sflag:s12] =	ssyncadd.s32 $0xFFFFB000  }
0x9c: {  	s23 =	sadd.s32 s22, s19;
	s16 =	sshll.u32 s21, $0x3;
	_ =	swait.ge [sflag:s12], $0x5000  }
0x9d: {  	s20 =	sadd.s32 $0x1, s20;
	s16 =	sand.u32 $0x1FFFF800, s16;
	[sflag:s12] =	ssyncset.done $0x0  }
0x9e: {  	p0 =	sne.s32 s20, $0x27;
	s16 =	sadd.s32 s2, s16;
	[sflag:s12] =	ssyncadd.s32 $0xFFFFB000  }
0x9f: {  	[hbm4b:s16+s3] =	stream.linear.scatter [tilespmem:s29], [sflag:$0x5], $0xA000, $0x38;
	[tilespmem:$0x14A00] =	vst v63  }
.Ltmp4:
0xa0: {  	s16 =	sshrl.u32 s23, $0x3;
	(pc) =	sbr.rel @p0 .LBB2_6-.Ltmp4, $4  }
0xa1: {  	s25 =	sadd.s32 s5, s16  }
0xa2: {  	[tilespmem:s24], [sflag:$0x2] =	stream.linear.gather [hbm4b:s25+s3], $0x140, $0x38;
	[tilespmem:$0x14A00] =	vst v63  }
0xa3: {  	s30 =	simm.s32 $0x3C0;
	s16 =	sadd.s32 s6, s16  }
0xa4: {  	[tilespmem:s30], [sflag:$0x2] =	stream.linear.gather [hbm4b:s16+s3], $0x140, $0x38;
	[tilespmem:$0x14A00] =	vst v63  }
0xa5: {  	_ =	swait.ge [sflag:s13], $0xA000  }
0xa6: {  	[sflag:s13] =	ssyncset.done $0x0  }
0xa7: {  	[sflag:s13] =	ssyncadd.s32 $0xFFFF6000  }
0xa8: {  	_ =	swait.ge [sflag:s26], $0x140  }
0xa9: {  	[sflag:s26] =	ssyncset.done $0x0  }
0xaa: {  	[sflag:s26] =	ssyncadd.s32 $0xFFFFFEC0  }
0xab: {  	_ =	swait.ge [sflag:s26], $0x140  }
0xac: {  	[sflag:s26] =	ssyncset.done $0x0  }
0xad: {  	s16 =	simm.s32 $0x0;
	[sflag:s26] =	ssyncadd.s32 $0xFFFFFEC0  }
0xae: {  	v4 =	vor.u32 s16, v0;
	v3 =	vld [tilespmem:s16+$0x0]  }
0xaf: {  	s20 =	simm.s32 $0x280;
	s21 =	simm.s32 $0x20;
	s22 =	simm.s32 $0x0;
	v4 =	vand.u32 v1, v4  }
.LBB2_12:
0xb0: {  	p0 =	sne.s32 s21, $0x260;
	v5 =	vld [tilespmem:s20+$0x0];
	v6 =	vor.u32 s16, v2;
	s16 =	smov.u32 s21;
	_ =	sdelay $0x2  }
.Ltmp5:
0xb1: {  	v3 =	vadd.s32 $0x186A0, v3;
	(pc) =	sbr.rel @p0 .LBB2_12-.Ltmp5, $4  }
0xb2: {  	[tilespmem:v4+s28+$0x0] =	vst.idx.msk $0xffff, v3  }
0xb3: {  	s22 =	sadd.s32 $0x10, s22;
	[tilespmem:v6+s28+$0x0] =	vst.idx.msk $0xffff, v5  }
0xb4: {  	v4 =	vor.u32 s21, v0;
	v3 =	vld [tilespmem:s22+$0x0]  }
0xb5: {  	s20 =	sadd.s32 $0x10, s20;
	s21 =	sadd.s32 $0x20, s21;
	v4 =	vand.u32 v1, v4  }
0xb6: {  	v5 =	vld [tilespmem:s20+$0x0];
	v6 =	vor.u32 s16, v2;
	_ =	sdelay $0x2  }
0xb7: {  	v3 =	vadd.s32 $0x186A0, v3  }
0xb8: {  	[tilespmem:v4+s28+$0x0] =	vst.idx.msk $0xffff, v3  }
0xb9: {  	s20 =	simm.s32 $0x140;
	[tilespmem:v6+s28+$0x0] =	vst.idx.msk $0xffff, v5  }
0xba: {  	[tilespmem:s29], [sflag:$0x3] =	stream.indirect.gather [hbm4b:s4+s20], $0x40, s28, s20, $0xb8;
	[tilespmem:$0x14A00] =	vst v63  }
0xbb: {  	s30 =	simm.s32 $0x640  }
0xbc: {  	[tilespmem:s31], [sflag:$0x3] =	stream.indirect.gather [hbm4b:s4+s20], $0x40, s30, s20, $0xb8;
	[tilespmem:$0x14A00] =	vst v63  }
0xbd: {  	_ =	swait.ge [sflag:s14], $0x5000  }
0xbe: {  	[sflag:s14] =	ssyncset.done $0x0  }
0xbf: {  	[sflag:s14] =	ssyncadd.s32 $0xFFFFB000  }
0xc0: {  	_ =	swait.ge [sflag:s14], $0x5000  }
0xc1: {  	[sflag:s14] =	ssyncset.done $0x0  }
0xc2: {  	s16 =	simm.s32 $0x0;
	s21 =	rddreg [dreg:$0xc];
	[sflag:s14] =	ssyncadd.s32 $0xFFFFB000  }
0xc3: {  	[hbm4b:s21+s16] =	stream.linear.scatter [tilespmem:s9], [sflag:$0x6], $0xA000, $0x38;
	[tilespmem:$0x14A00] =	vst v63  }
0xc4: {  	_ =	swait.ge [sflag:s15], $0xA000  }
0xc5: {  	[sflag:s15] =	ssyncset.done $0x0  }
0xc6: {  	[sflag:s15] =	ssyncadd.s32 $0xFFFF6000  }
0xc7: {  	_ =	swait.ge [sflag:s1], $0x140  }
0xc8: {  	[sflag:s1] =	ssyncset.done $0x0  }
0xc9: {  	[sflag:s1] =	ssyncadd.s32 $0xFFFFFEC0  }
0xca: {  	_ =	swait.ge [sflag:s1], $0x140  }
0xcb: {  	[sflag:s1] =	ssyncset.done $0x0  }
0xcc: {  	[sflag:s1] =	ssyncadd.s32 $0xFFFFFEC0  }
0xcd: {  	v4 =	vor.u32 s16, v0;
	v3 =	vld [tilespmem:s20+$0x0]  }
0xce: {  	s22 =	simm.s32 $0x20;
	v4 =	vand.u32 v1, v4;
	s21 =	simm.s32 $0x3C0  }
.LBB2_14:
0xcf: {  	p0 =	sne.s32 s22, $0x260;
	v5 =	vld [tilespmem:s21+$0x0];
	v6 =	vor.u32 s16, v2;
	s16 =	smov.u32 s22;
	_ =	sdelay $0x2  }
.Ltmp6:
0xd0: {  	v3 =	vadd.s32 $0x186A0, v3;
	(pc) =	sbr.rel @p0 .LBB2_14-.Ltmp6, $4  }
0xd1: {  	[tilespmem:v4+s8+$0x0] =	vst.idx.msk $0xffff, v3  }
0xd2: {  	s20 =	sadd.s32 $0x10, s20;
	[tilespmem:v6+s8+$0x0] =	vst.idx.msk $0xffff, v5  }
0xd3: {  	v4 =	vor.u32 s22, v0;
	v3 =	vld [tilespmem:s20+$0x0]  }
0xd4: {  	s21 =	sadd.s32 $0x10, s21;
	s22 =	sadd.s32 $0x20, s22;
	v4 =	vand.u32 v1, v4  }
0xd5: {  	v5 =	vld [tilespmem:s21+$0x0];
	v6 =	vor.u32 s16, v2;
	_ =	sdelay $0x2  }
0xd6: {  	v3 =	vadd.s32 $0x186A0, v3  }
0xd7: {  	[tilespmem:v4+s8+$0x0] =	vst.idx.msk $0xffff, v3  }
0xd8: {  	[tilespmem:v6+s8+$0x0] =	vst.idx.msk $0xffff, v5  }
0xd9: {  	[tilespmem:s9], [sflag:$0x4] =	stream.indirect.gather [hbm4b:s4+s24], $0x40, s8, s24, $0xb8;
	[tilespmem:$0x14A00] =	vst v63  }
0xda: {  	_ = 	snop  }
0xdb: {  	[tilespmem:s11], [sflag:$0x4] =	stream.indirect.gather [hbm4b:s4+s24], $0x40, s10, s24, $0xb8;
	[tilespmem:$0x14A00] =	vst v63  }
0xdc: {  	_ =	swait.ge [sflag:s12], $0x5000  }
0xdd: {  	[sflag:s12] =	ssyncset.done $0x0  }
0xde: {  	[sflag:s12] =	ssyncadd.s32 $0xFFFFB000  }
0xdf: {  	_ =	swait.ge [sflag:s12], $0x5000  }
0xe0: {  	[sflag:s12] =	ssyncset.done $0x0  }
0xe1: {  	s23 =	rddreg [dreg:$0xd];
	[sflag:s12] =	ssyncadd.s32 $0xFFFFB000  }
0xe2: {  	[hbm4b:s23+s3] =	stream.linear.scatter [tilespmem:s29], [sflag:$0x5], $0xA000, $0x38;
	[tilespmem:$0x14A00] =	vst v63  }
0xe3: {  	_ =	swait.ge [sflag:s14], $0x5000  }
0xe4: {  	[sflag:s14] =	ssyncset.done $0x0  }
0xe5: {  	[sflag:s14] =	ssyncadd.s32 $0xFFFFB000  }
0xe6: {  	_ =	swait.ge [sflag:s14], $0x5000  }
0xe7: {  	[sflag:s14] =	ssyncset.done $0x0  }
0xe8: {  	s25 =	rddreg [dreg:$0xe];
	[sflag:s14] =	ssyncadd.s32 $0xFFFFB000  }
0xe9: {  	[hbm4b:s25+s3] =	stream.linear.scatter [tilespmem:s9], [sflag:$0x6], $0xA000, $0x38;
	[tilespmem:$0x14A00] =	vst v63  }
0xea: {  	_ =	swait.ge [sflag:s13], $0xA000  }
0xeb: {  	[sflag:s13] =	ssyncset.done $0x0  }
0xec: {  	[sflag:s13] =	ssyncadd.s32 $0xFFFF6000  }
0xed: {  	_ =	swait.ge [sflag:s15], $0xA000  }
0xee: {  	s20 =	rddreg [dreg:$0x10]  }
0xef: {  	s30 =	rddreg [dreg:$0xf];
	s20 =	sadd.s32 $0x1, s20  }
0xf0: {  	p0 =	sne.s32 s20, s30  }
.Ltmp7:
0xf1: {  	_ = 	snop;
	(pc) =	sbr.rel @p0 .LBB2_1-.Ltmp7, $3  }
0xf2: {  	_ =	sdelay $0x1  }
0xf3: {  	[sflag:s15] =	ssyncset.done $0x0  }
0xf4: {  	[sflag:s15] =	ssyncadd.s32 $0xFFFF6000  }
0xf5: {  	_ =	sfence.sel $0x180000  }
0xf6: {  	[bflag:$0x0] =	sbarrier.arrive $0xFFFF  }
0xf7: {  	_ =	strace $0x9000004A  }
0xf8: {  	s0 =	stileid.u32;
	[bflag:$0x2] =	sbarrier.arrive $0xFFFF  }
0xf9: {  	p0 =	sne.s32 s0, $0x0;
	s0 =	rddreg [dreg:$0x2]  }
0xfa: {  	s0 =	sadd.s32 @!p0 $0x100000, s0  }
0xfb: {  	[sflag:s0] =	ssyncadd.tile.s32 @!p0 $0x1;
	_ =	shalt  }
.Lfunc_end2:
_tile_overlayer_lowered:
.L_overlay_start_2:
0xfc: {  	(tag) =	ssettag $0x2  }
0xfd: {  	s0 =	rddreg [dreg:$0x0];
	s2 =	stileid.u32  }
0xfe: {  	s1 =	rddreg [dreg:$0x1];
	p0 =	sne.s32 s2, $0x0  }
0xff: {  	s3 =	rddreg [dreg:$0x2];
	[bflag:$0x3] =	sbarrier.arrive $0xFFFF;
	s2 =	simm.s32 @!p0 $0x1C07  }
0x100: {  	[timem:s3], [sflag:s2] =	dma.local @!p0 [hbm:s0], s1  }
0x101: {  	s0 =	simm.s32 @!p0 $0x7  }
0x102: {  	_ =	swait.ge @!p0 [sflag:s0], s1  }
0x103: {  	s1 =	ssub.s32 @!p0 $0x0, s1;
	[sflag:s0] =	ssyncset.done @!p0 $0x0  }
0x104: {  	[sflag:s0] =	ssyncadd.s32 @!p0 s1  }
0x105: {  	[bflag:$0x3] =	sbarrier.arrive $0xFFFF  }
0x106: {  	_ =	shalt  }

</sc_bundles>
